<compile_context>
chip_gen: v7x
topology: tpu7x:2x2x1
jax: 0.10.2.dev20260603
libtpu: 0.0.44.dev20260713+nightly
codegen_flags: <defaults>
</compile_context>

<pallas_src>
import functools

import jax
import jax.numpy as jnp
from jax import lax
from jax.experimental import pallas as pl
from jax.experimental.pallas import tpu as pltpu
from jax.experimental.pallas import tpu_sc as plsc

S, D, H, E, DFF = 2048, 1024, 16, 8, 4096
DH = D // H
NEG = -1e30
BMG = 128
NPAD = 2 * S + E * BMG


def _ln_qkv_body(x_ref, s_ref, b_ref, w_ref, wb_ref, o_ref):
    xb = x_ref[...]
    m = jnp.mean(xb, axis=-1, keepdims=True)
    v = jnp.mean((xb - m) ** 2, axis=-1, keepdims=True)
    xn = (xb - m) * jax.lax.rsqrt(v + 1e-5) * s_ref[...] + b_ref[...]
    o_ref[...] = jax.lax.dot_general(
        xn, w_ref[...], (((1,), (1,)), ((), ())),
        preferred_element_type=jnp.float32) + wb_ref[...]


def _ln_qkv(x2, n1_s, n1_b, w, b):
    BM, BN = 256, 512
    return pl.pallas_call(
        _ln_qkv_body,
        grid=(S // BM, 3 * D // BN),
        in_specs=[
            pl.BlockSpec((BM, D), lambda i, j: (i, 0)),
            pl.BlockSpec((1, D), lambda i, j: (0, 0)),
            pl.BlockSpec((1, D), lambda i, j: (0, 0)),
            pl.BlockSpec((BN, D), lambda i, j: (j, 0)),
            pl.BlockSpec((1, BN), lambda i, j: (0, j)),
        ],
        out_specs=pl.BlockSpec((BM, BN), lambda i, j: (i, j)),
        out_shape=jax.ShapeDtypeStruct((S, 3 * D), jnp.float32),
    )(x2, n1_s.reshape(1, D), n1_b.reshape(1, D), w, b.reshape(1, 3 * D))


def _attn_body(q_ref, k_ref, v_ref, ao_ref, aw_ref):
    h = pl.program_id(1)
    q = q_ref[0]
    k = k_ref[0]
    v = v_ref[0]
    s = jax.lax.dot_general(q, k, (((1,), (1,)), ((), ())),
                            preferred_element_type=jnp.float32) * (1.0 / 8.0)
    mx = jnp.max(s, axis=-1, keepdims=True)
    p = jnp.exp(s - mx)
    p = p / jnp.sum(p, axis=-1, keepdims=True)
    ao_ref[0] = jax.lax.dot_general(p, v, (((1,), (0,)), ((), ())),
                                    preferred_element_type=jnp.float32)

    @pl.when(h == 0)
    def _():
        aw_ref[...] = p * (1.0 / H)

    @pl.when(h != 0)
    def _():
        aw_ref[...] += p * (1.0 / H)


def _attention(qkv):
    qkv3 = qkv.reshape(S, 3 * H, DH).transpose(1, 0, 2)
    BM = 512
    ao3, aw = pl.pallas_call(
        _attn_body,
        grid=(S // BM, H),
        in_specs=[
            pl.BlockSpec((1, BM, DH), lambda i, h: (h, i, 0)),
            pl.BlockSpec((1, S, DH), lambda i, h: (H + h, 0, 0)),
            pl.BlockSpec((1, S, DH), lambda i, h: (2 * H + h, 0, 0)),
        ],
        out_specs=[
            pl.BlockSpec((1, BM, DH), lambda i, h: (h, i, 0)),
            pl.BlockSpec((BM, S), lambda i, h: (i, 0)),
        ],
        out_shape=[
            jax.ShapeDtypeStruct((H, S, DH), jnp.float32),
            jax.ShapeDtypeStruct((S, S), jnp.float32),
        ],
    )(qkv3, qkv3, qkv3)
    return ao3.transpose(1, 0, 2).reshape(S, D), aw


def _post_attn_body(ao_ref, wo_ref, bo_ref, xr_ref, s2_ref, b2_ref,
                    rw_ref, rb_ref,
                    x1_ref, xhat_ref, logits_ref, probs_ref, i12_ref,
                    w12_ref):
    x1 = jax.lax.dot_general(ao_ref[...], wo_ref[...], (((1,), (1,)), ((), ())),
                             preferred_element_type=jnp.float32)
    x1 = x1 + bo_ref[...] + xr_ref[...]
    x1_ref[...] = x1
    m = jnp.mean(x1, axis=-1, keepdims=True)
    v = jnp.mean((x1 - m) ** 2, axis=-1, keepdims=True)
    xhat = (x1 - m) * jax.lax.rsqrt(v + 1e-5)
    xhat_ref[...] = xhat
    xn2 = xhat * s2_ref[...] + b2_ref[...]
    logits = jax.lax.dot_general(xn2, rw_ref[...], (((1,), (1,)), ((), ())),
                                 preferred_element_type=jnp.float32) + rb_ref[...]
    logits_ref[...] = logits
    mx = jnp.max(logits, axis=-1, keepdims=True)
    ex = jnp.exp(logits - mx)
    probs = ex / jnp.sum(ex, axis=-1, keepdims=True)
    probs_ref[...] = probs
    lane = jax.lax.broadcasted_iota(jnp.int32, probs.shape, 1)
    v1 = jnp.max(probs, axis=-1, keepdims=True)
    i1 = jnp.min(jnp.where(probs == v1, lane, E), axis=-1, keepdims=True)
    m1 = lane == i1
    pm = jnp.where(m1, NEG, probs)
    v2 = jnp.max(pm, axis=-1, keepdims=True)
    i2 = jnp.min(jnp.where(pm == v2, lane, E), axis=-1, keepdims=True)
    m2 = lane == i2
    b = jnp.exp(v2 - v1)
    w1 = 1.0 / (1.0 + b)
    w2 = b / (1.0 + b)
    i12_ref[...] = jnp.concatenate([i1, i2], axis=1)
    w12_ref[...] = jnp.concatenate([w1, w2], axis=1)


def _post_attn(ao, wo, bo, xres, n2_s, n2_b, rw, rb):
    BM = 256
    return pl.pallas_call(
        _post_attn_body,
        grid=(S // BM,),
        in_specs=[
            pl.BlockSpec((BM, D), lambda i: (i, 0)),
            pl.BlockSpec((D, D), lambda i: (0, 0)),
            pl.BlockSpec((1, D), lambda i: (0, 0)),
            pl.BlockSpec((BM, D), lambda i: (i, 0)),
            pl.BlockSpec((1, D), lambda i: (0, 0)),
            pl.BlockSpec((1, D), lambda i: (0, 0)),
            pl.BlockSpec((E, D), lambda i: (0, 0)),
            pl.BlockSpec((1, E), lambda i: (0, 0)),
        ],
        out_specs=[
            pl.BlockSpec((BM, D), lambda i: (i, 0)),
            pl.BlockSpec((BM, D), lambda i: (i, 0)),
            pl.BlockSpec((BM, E), lambda i: (i, 0)),
            pl.BlockSpec((BM, E), lambda i: (i, 0)),
            pl.BlockSpec((BM, 2), lambda i: (i, 0)),
            pl.BlockSpec((BM, 2), lambda i: (i, 0)),
        ],
        out_shape=[
            jax.ShapeDtypeStruct((S, D), jnp.float32),
            jax.ShapeDtypeStruct((S, D), jnp.float32),
            jax.ShapeDtypeStruct((S, E), jnp.float32),
            jax.ShapeDtypeStruct((S, E), jnp.float32),
            jax.ShapeDtypeStruct((S, 2), jnp.int32),
            jax.ShapeDtypeStruct((S, 2), jnp.float32),
        ],
    )(ao, wo, bo.reshape(1, D), xres, n2_s.reshape(1, D), n2_b.reshape(1, D),
      rw, rb.reshape(1, E))


def _gelu(x):
    return x * 0.5 * (1.0 + jax.lax.erf(x * (2.0 ** -0.5)))


def _experts_body(nE, xh_ref, acc_ref, sc_ref, ls_ref, lb_ref,
                  w1_ref, b1_ref, w2_ref, b2_ref, o_ref):
    e = pl.program_id(1)
    f = pl.program_id(2)

    @pl.when((e == 0) & (f == 0))
    def _():
        o_ref[...] = acc_ref[...]

    xin = xh_ref[...] * ls_ref[0] + lb_ref[0]
    h = _gelu(jax.lax.dot_general(xin, w1_ref[0], (((1,), (1,)), ((), ())),
                                  preferred_element_type=jnp.float32) + b1_ref[0])
    y = jax.lax.dot_general(h, w2_ref[0], (((1,), (1,)), ((), ())),
                            preferred_element_type=jnp.float32)
    lane = jax.lax.broadcasted_iota(jnp.int32, sc_ref.shape, 1)
    scale = jnp.sum(jnp.where(lane == e, sc_ref[...], 0.0), axis=-1,
                    keepdims=True)

    @pl.when(f == 0)
    def _():
        o_ref[...] += y * scale + scale * b2_ref[0]

    @pl.when(f != 0)
    def _():
        o_ref[...] += y * scale


def _experts(xhat, acc, scales, ln_s, ln_b, w1, b1, w2, b2):
    nE = w1.shape[0]
    BM, BF = 256, 1024
    return pl.pallas_call(
        functools.partial(_experts_body, nE),
        grid=(S // BM, nE, DFF // BF),
        in_specs=[
            pl.BlockSpec((BM, D), lambda s, e, f: (s, 0)),
            pl.BlockSpec((BM, D), lambda s, e, f: (s, 0)),
            pl.BlockSpec((BM, nE), lambda s, e, f: (s, 0)),
            pl.BlockSpec((1, 1, D), lambda s, e, f: (e, 0, 0)),
            pl.BlockSpec((1, 1, D), lambda s, e, f: (e, 0, 0)),
            pl.BlockSpec((1, BF, D), lambda s, e, f: (e, f, 0)),
            pl.BlockSpec((1, 1, BF), lambda s, e, f: (e, 0, f)),
            pl.BlockSpec((1, D, BF), lambda s, e, f: (e, 0, f)),
            pl.BlockSpec((1, 1, D), lambda s, e, f: (e, 0, 0)),
        ],
        out_specs=pl.BlockSpec((BM, D), lambda s, e, f: (s, 0)),
        out_shape=jax.ShapeDtypeStruct((S, D), jnp.float32),
    )(xhat, acc, scales, ln_s.reshape(nE, 1, D), ln_b.reshape(nE, 1, D),
      w1, b1.reshape(nE, 1, DFF), w2, b2.reshape(nE, 1, D))


def _route_metadata(ids, tok, wts, n_e, npad, e_off):
    n = ids.shape[0]
    order = jnp.argsort(ids, stable=True)
    sids = ids[order]
    counts = jnp.bincount(ids, length=n_e).astype(jnp.int32)
    seg_start = jnp.concatenate(
        [jnp.zeros((1,), jnp.int32), jnp.cumsum(counts)])[:n_e]
    padded = ((counts + BMG - 1) // BMG) * BMG
    pstart = jnp.concatenate(
        [jnp.zeros((1,), jnp.int32), jnp.cumsum(padded)])[:n_e]
    r = jnp.arange(n, dtype=jnp.int32)
    pos = pstart[sids] + (r - seg_start[sids])
    tok_p = jnp.zeros((npad,), jnp.int32).at[pos].set(tok[order])
    w_p = jnp.zeros((npad,), jnp.float32).at[pos].set(wts[order])
    bstart = jnp.arange(npad // BMG, dtype=jnp.int32) * BMG
    block_e = (jnp.sum(bstart[:, None] >= pstart[None, :], axis=1)
               .astype(jnp.int32) - 1 + e_off)
    pos_orig = jnp.zeros((n,), jnp.int32).at[order].set(pos)
    return tok_p, w_p, block_e, pos_orig


def _sc_gather(table, idx, nrows, chunk):
    info = plsc.get_sparse_core_info()
    nw = info.num_cores * info.num_subcores
    b_per_w = nrows // nw
    nchunks = b_per_w // chunk
    mesh = plsc.VectorSubcoreMesh(core_axis_name="c", subcore_axis_name="s")

    @functools.partial(
        pl.kernel, mesh=mesh,
        out_type=jax.ShapeDtypeStruct((nrows, D), jnp.float32),
        scratch_types=[
            pltpu.VMEM((chunk,), jnp.int32),
            pltpu.VMEM((chunk, D), jnp.float32),
            pltpu.SemaphoreType.DMA,
        ],
    )
    def k(table_hbm, idx_hbm, out_hbm, idx_v, rows_v, sem):
        wid = lax.axis_index("s") * info.num_cores + lax.axis_index("c")
        base = wid * b_per_w
        for c in range(nchunks):
            off = base + c * chunk
            pltpu.sync_copy(idx_hbm.at[pl.ds(off, chunk)], idx_v)
            pltpu.async_copy(table_hbm.at[idx_v], rows_v, sem).wait()
            pltpu.sync_copy(rows_v, out_hbm.at[pl.ds(off, chunk)])

    return k(table, idx)


def _grouped_body(be_ref, xg_ref, wrow_ref, ls_ref, lb_ref,
                  w1_ref, b1_ref, w2_ref, b2_ref, o_ref):
    f = pl.program_id(1)
    xin = xg_ref[...] * ls_ref[0] + lb_ref[0]
    h = _gelu(jax.lax.dot_general(xin, w1_ref[0], (((1,), (1,)), ((), ())),
                                  preferred_element_type=jnp.float32) + b1_ref[0])
    y = jax.lax.dot_general(h, w2_ref[0], (((1,), (1,)), ((), ())),
                            preferred_element_type=jnp.float32)
    w = wrow_ref[...]

    @pl.when(f == 0)
    def _():
        o_ref[...] = y * w + w * b2_ref[0]

    @pl.when(f != 0)
    def _():
        o_ref[...] += y * w


def _grouped_ffn(xg, w_p, block_e, ln_s, ln_b, w1, b1, w2, b2):
    BF = 1024
    npad = xg.shape[0]
    n_exp = w1.shape[0]
    nb = npad // BMG
    grid_spec = pltpu.PrefetchScalarGridSpec(
        num_scalar_prefetch=1,
        grid=(nb, DFF // BF),
        in_specs=[
            pl.BlockSpec((BMG, D), lambda i, f, be: (i, 0)),
            pl.BlockSpec((BMG, 1), lambda i, f, be: (i, 0)),
            pl.BlockSpec((1, 1, D), lambda i, f, be: (be[i], 0, 0)),
            pl.BlockSpec((1, 1, D), lambda i, f, be: (be[i], 0, 0)),
            pl.BlockSpec((1, BF, D), lambda i, f, be: (be[i], f, 0)),
            pl.BlockSpec((1, 1, BF), lambda i, f, be: (be[i], 0, f)),
            pl.BlockSpec((1, D, BF), lambda i, f, be: (be[i], 0, f)),
            pl.BlockSpec((1, 1, D), lambda i, f, be: (be[i], 0, 0)),
        ],
        out_specs=pl.BlockSpec((BMG, D), lambda i, f, be: (i, 0)),
    )
    return pl.pallas_call(
        _grouped_body,
        grid_spec=grid_spec,
        out_shape=jax.ShapeDtypeStruct((npad, D), jnp.float32),
    )(block_e, xg, w_p.reshape(npad, 1), ln_s.reshape(n_exp, 1, D),
      ln_b.reshape(n_exp, 1, D), w1, b1.reshape(n_exp, 1, DFF), w2,
      b2.reshape(n_exp, 1, D))


def _combine_body(a_ref, z0_ref, z1_ref, o_ref):
    o_ref[...] = a_ref[...] + z0_ref[...] + z1_ref[...]


def _combine(a, z):
    BM = 256
    return pl.pallas_call(
        _combine_body,
        grid=(S // BM,),
        in_specs=[
            pl.BlockSpec((BM, D), lambda i: (i, 0)),
            pl.BlockSpec((BM, D), lambda i: (i, 0)),
            pl.BlockSpec((BM, D), lambda i: (i + S // BM, 0)),
        ],
        out_specs=pl.BlockSpec((BM, D), lambda i: (i, 0)),
        out_shape=jax.ShapeDtypeStruct((S, D), jnp.float32),
    )(a, z, z)


def kernel(x, modality_type, n1_s, n1_b, n2_s, n2_b, attn_in_w, attn_in_b,
           attn_out_w, attn_out_b, router_w, router_b, spec_ln_s, spec_ln_b,
           spec_w1, spec_b1, spec_w2, spec_b2, gen_ln_s, gen_ln_b, gen_w1,
           gen_b1, gen_w2, gen_b2):
    x2 = x[0]
    mflat = modality_type[0]

    qkv = _ln_qkv(x2, n1_s, n1_b, attn_in_w, attn_in_b)
    ao, aw = _attention(qkv)
    x1, xhat, logits, probs, i12, w12 = _post_attn(
        ao, attn_out_w, attn_out_b, x2, n2_s, n2_b, router_w, router_b)

    arange_s = jnp.arange(S, dtype=jnp.int32)

    gids = jnp.concatenate([i12[:, 0], i12[:, 1]])
    gtok = jnp.tile(arange_s, 2)
    gwts = jnp.concatenate([w12[:, 0], w12[:, 1]])
    tok_p, w_p, block_e, pos_orig = _route_metadata(
        gids, gtok, gwts, E, NPAD, 0)
    xg = _sc_gather(xhat, tok_p, NPAD, 80)
    yg = _grouped_ffn(xg, w_p, block_e, gen_ln_s, gen_ln_b,
                      gen_w1, gen_b1, gen_w2, gen_b2)
    z = _sc_gather(yg, pos_orig, 2 * S, 64)

    ones = jnp.ones((S,), jnp.float32)
    scales_spec = jnp.stack(
        [ones, (mflat == 0).astype(jnp.float32),
         (mflat == 1).astype(jnp.float32)], axis=1)
    y1 = _experts(xhat, x1, scales_spec, spec_ln_s, spec_ln_b,
                  spec_w1, spec_b1, spec_w2, spec_b2)
    out2 = _combine(y1, z)

    return out2[None], logits[None], probs[None], aw[None]

# --- scband reference (transcript-rebuilt; emitter-appended) ---
"""Pipeline reference for scband-multi-modal-mo-e-44684839748103 (READ-ONLY COPY).

The authoritative reference and input builder live on the scoring server;
editing this copy changes nothing except your own understanding.
"""

import jax, jax.numpy as jnp
import numpy as np

B, S, D, H, E, TOPK, DFF = 1, 2048, 1024, 16, 8, 2, 4096

def _ln(x, s, b, eps=1e-5):
    m = jnp.mean(x, axis=-1, keepdims=True)
    v = jnp.var(x, axis=-1, keepdims=True)
    return (x - m) / jnp.sqrt(v + eps) * s + b

def _expert(x, ln_s, ln_b, w1, b1, w2, b2):
    h = _ln(x, ln_s, ln_b)
    h = jax.nn.gelu(h @ w1.T + b1, approximate=False)
    return h @ w2.T + b2

def setup_inputs(seed: int = 0):
    key = jax.random.key(seed)
    ks = jax.random.split(key, 16)
    sd = 0.02
    inp = {}
    inp['x'] = jax.random.normal(ks[0], (B, S, D), dtype=jnp.float32)
    inp['modality_type'] = jax.random.randint(ks[1], (B, S), 0, 2, dtype=jnp.int32)
    inp['n1_s'] = jnp.ones((D,), jnp.float32); inp['n1_b'] = jnp.zeros((D,), jnp.float32)
    inp['n2_s'] = jnp.ones((D,), jnp.float32); inp['n2_b'] = jnp.zeros((D,), jnp.float32)
    inp['attn_in_w'] = jax.random.normal(ks[2], (3 * D, D), dtype=jnp.float32) * sd
    inp['attn_in_b'] = jnp.zeros((3 * D,), jnp.float32)
    inp['attn_out_w'] = jax.random.normal(ks[3], (D, D), dtype=jnp.float32) * sd
    inp['attn_out_b'] = jnp.zeros((D,), jnp.float32)
    inp['router_w'] = jax.random.normal(ks[4], (E, D), dtype=jnp.float32) * 0.1
    inp['router_b'] = jnp.zeros((E,), jnp.float32)
    inp['spec_ln_s'] = jnp.ones((3, D), jnp.float32); inp['spec_ln_b'] = jnp.zeros((3, D), jnp.float32)
    inp['spec_w1'] = jax.random.normal(ks[5], (3, DFF, D), dtype=jnp.float32) * sd
    inp['spec_b1'] = jnp.zeros((3, DFF), jnp.float32)
    inp['spec_w2'] = jax.random.normal(ks[6], (3, D, DFF), dtype=jnp.float32) * sd
    inp['spec_b2'] = jnp.zeros((3, D), jnp.float32)
    inp['gen_ln_s'] = jnp.ones((E, D), jnp.float32); inp['gen_ln_b'] = jnp.zeros((E, D), jnp.float32)
    inp['gen_w1'] = jax.random.normal(ks[7], (E, DFF, D), dtype=jnp.float32) * sd
    inp['gen_b1'] = jnp.zeros((E, DFF), jnp.float32)
    inp['gen_w2'] = jax.random.normal(ks[8], (E, D, DFF), dtype=jnp.float32) * sd
    inp['gen_b2'] = jnp.zeros((E, D), jnp.float32)
    return inp

def _forward(x, modality_type, n1_s, n1_b, n2_s, n2_b, attn_in_w, attn_in_b, attn_out_w, attn_out_b, router_w, router_b, spec_ln_s, spec_ln_b, spec_w1, spec_b1, spec_w2, spec_b2, gen_ln_s, gen_ln_b, gen_w1, gen_b1, gen_w2, gen_b2):
    b, s, d = x.shape
    dh = d // H
    residual = x
    xn = _ln(x, n1_s, n1_b)
    qkv = xn @ attn_in_w.T + attn_in_b
    q, k, v = jnp.split(qkv, 3, axis=-1)
    def _heads(t):
        return t.reshape(b, s, H, dh).transpose(0, 2, 1, 3)
    q, k, v = _heads(q), _heads(k), _heads(v)
    scores = (q @ k.transpose(0, 1, 3, 2)) / np.sqrt(dh).astype(np.float32)
    aw = jax.nn.softmax(scores, axis=-1)
    ao = (aw @ v).transpose(0, 2, 1, 3).reshape(b, s, d)
    ao = ao @ attn_out_w.T + attn_out_b
    attn_weights = aw.mean(axis=1)
    x1 = residual + ao
    residual2 = x1
    xn2 = _ln(x1, n2_s, n2_b)
    flat = xn2.reshape(b * s, d)
    # global expert applied to all tokens
    expert_out = _expert(flat, spec_ln_s[0], spec_ln_b[0], spec_w1[0], spec_b1[0], spec_w2[0], spec_b2[0])
    # vision / text experts via modality masks (dense-masked form, equivalent to gather/scatter)
    mflat = modality_type.reshape(b * s)
    vm = (mflat == 0).astype(flat.dtype)[:, None]
    tm = (mflat == 1).astype(flat.dtype)[:, None]
    expert_out = expert_out + _expert(flat, spec_ln_s[1], spec_ln_b[1], spec_w1[1], spec_b1[1], spec_w2[1], spec_b2[1]) * vm
    expert_out = expert_out + _expert(flat, spec_ln_s[2], spec_ln_b[2], spec_w1[2], spec_b1[2], spec_w2[2], spec_b2[2]) * tm
    # router
    logits = xn2 @ router_w.T + router_b
    probs = jax.nn.softmax(logits, axis=-1)
    topv, topi = jax.lax.top_k(probs, TOPK)
    tw = jax.nn.softmax(topv, axis=-1)
    fi = topi.reshape(b * s, TOPK)
    fw = tw.reshape(b * s, TOPK)
    onehot = (fi[:, :, None] == jnp.arange(E)[None, None, :]).astype(flat.dtype)
    coef = jnp.einsum('tk,tke->te', fw, onehot)
    outs = jax.vmap(lambda ls, lb, w1, b1, w2, b2: _expert(flat, ls, lb, w1, b1, w2, b2))(gen_ln_s, gen_ln_b, gen_w1, gen_b1, gen_w2, gen_b2)
    expert_out = expert_out + jnp.einsum('te,etd->td', coef, outs)
    out = residual2 + expert_out.reshape(b, s, d)
    return out, logits, probs, attn_weights

def reference(x, modality_type, n1_s, n1_b, n2_s, n2_b, attn_in_w, attn_in_b, attn_out_w, attn_out_b, router_w, router_b, spec_ln_s, spec_ln_b, spec_w1, spec_b1, spec_w2, spec_b2, gen_ln_s, gen_ln_b, gen_w1, gen_b1, gen_w2, gen_b2):
    return _forward(x, modality_type, n1_s, n1_b, n2_s, n2_b, attn_in_w, attn_in_b, attn_out_w, attn_out_b, router_w, router_b, spec_ln_s, spec_ln_b, spec_w1, spec_b1, spec_w2, spec_b2, gen_ln_s, gen_ln_b, gen_w1, gen_b1, gen_w2, gen_b2)

if __name__ == "__main__":
    import jax
    _d = setup_inputs()
    print(jax.jit(kernel)(*tuple(_d.values())))

</pallas_src>

<mosaic_0001>
#map = affine_map<(d0, d1) -> (0, 0)>
#map1 = affine_map<(d0, d1) -> (0)>
module attributes {stable_mosaic.version = 14 : i64} {
  func.func @k(%arg0: i32, %arg1: i32, %arg2: memref<2048x1024xf32, #tpu.memory_space<hbm>>, %arg3: memref<5120xi32, #tpu.memory_space<hbm>>, %arg4: memref<5120x1024xf32, #tpu.memory_space<hbm>>, %arg5: memref<80xi32, #tpu.memory_space<vmem>>, %arg6: memref<80x1024xf32, #tpu.memory_space<vmem>>, %arg7: memref<!tpu.dma_semaphore, #tpu.memory_space<semaphore_mem>>) attributes {dimension_semantics = [#tpu.dimension_semantics<core_parallel>, #tpu.dimension_semantics<subcore_parallel>], iteration_bounds = array<i64: 2, 16>, scalar_prefetch = 0 : i64, scratch_operands = 3 : i64, tpu.core_type = #tpu.core_type<sc_vector_subcore>, window_params = [{transform_indices = #map}, {transform_indices = #map1}, {transform_indices = #map}]} {
    %mul3A = arith.constant 2 : i32
    %mul3A_0 = arith.muli %arg1, %mul3A : i32
    %add3A = arith.addi %mul3A_0, %arg0 : i32
    %mul3A_1 = arith.constant 160 : i32
    %mul3A_2 = arith.muli %add3A, %mul3A_1 : i32
    %add3A_3 = arith.constant 0 : i32
    %add3A_4 = arith.addi %mul3A_2, %add3A_3 : i32
    "tpu.region"() ({
      %run_scoped3A = tpu.sem_alloc : memref<!tpu.dma_semaphore, #tpu.memory_space<semaphore_mem>>
      %dma_start3A_17 = tpu.memref_slice %arg3[%add3A_4] : memref<5120xi32, #tpu.memory_space<hbm>> -> memref<80xi32, #tpu.memory_space<hbm>>
      %dma_start3A_18 = tpu.memref_slice %arg3[%add3A_4] : memref<5120xi32, #tpu.memory_space<hbm>> -> memref<80xi32, #tpu.memory_space<hbm>>
      tpu.enqueue_dma source(%dma_start3A_18 : memref<80xi32, #tpu.memory_space<hbm>>) target(%arg5 : memref<80xi32, #tpu.memory_space<vmem>>) target_semaphore(%run_scoped3A : memref<!tpu.dma_semaphore, #tpu.memory_space<semaphore_mem>>)
      %dma_wait3A_19 = tpu.memref_slice %arg3[%add3A_4] : memref<5120xi32, #tpu.memory_space<hbm>> -> memref<80xi32, #tpu.memory_space<hbm>>
      %dma_wait3A_20 = tpu.memref_slice %arg3[%add3A_4] : memref<5120xi32, #tpu.memory_space<hbm>> -> memref<80xi32, #tpu.memory_space<hbm>>
      tpu.wait_dma2 semaphore(%run_scoped3A : memref<!tpu.dma_semaphore, #tpu.memory_space<semaphore_mem>>) src(%dma_wait3A_20 : memref<80xi32, #tpu.memory_space<hbm>>) dst(%arg5 : memref<80xi32, #tpu.memory_space<vmem>>)
      tpu.yield
    }) : () -> ()
    %dma_start3A = arith.constant 0 : i32
    %dma_start3A_5 = arith.constant 0 : i32
    %dma_start3A_6 = tpu.memref_slice %arg2[%dma_start3A, %dma_start3A_5] : memref<2048x1024xf32, #tpu.memory_space<hbm>> -> memref<2048x1024xf32, #tpu.memory_space<hbm>>
    tpu.enqueue_indirect_dma source(%dma_start3A_6 : memref<2048x1024xf32, #tpu.memory_space<hbm>>) target(%arg6 : memref<80x1024xf32, #tpu.memory_space<vmem>>) offsets(%arg5 : memref<80xi32, #tpu.memory_space<vmem>>) semaphore(%arg7 : memref<!tpu.dma_semaphore, #tpu.memory_space<semaphore_mem>>)
    %dma_wait3A = arith.constant 0 : i32
    %dma_wait3A_7 = arith.constant 0 : i32
    %dma_wait3A_8 = tpu.memref_slice %arg2[%dma_wait3A, %dma_wait3A_7] : memref<2048x1024xf32, #tpu.memory_space<hbm>> -> memref<2048x1024xf32, #tpu.memory_space<hbm>>
    tpu.wait_indirect_dma semaphore(%arg7 : memref<!tpu.dma_semaphore, #tpu.memory_space<semaphore_mem>>) src(%dma_wait3A_8 : memref<2048x1024xf32, #tpu.memory_space<hbm>>) dst(%arg6 : memref<80x1024xf32, #tpu.memory_space<vmem>>)
    "tpu.region"() ({
      %run_scoped3A = tpu.sem_alloc : memref<!tpu.dma_semaphore, #tpu.memory_space<semaphore_mem>>
      %dma_start3A_17 = arith.constant 0 : i32
      %dma_start3A_18 = tpu.memref_slice %arg4[%add3A_4, %dma_start3A_17] : memref<5120x1024xf32, #tpu.memory_space<hbm>> -> memref<80x1024xf32, #tpu.memory_space<hbm>>
      %dma_start3A_19 = arith.constant 0 : i32
      %dma_start3A_20 = tpu.memref_slice %arg4[%add3A_4, %dma_start3A_19] : memref<5120x1024xf32, #tpu.memory_space<hbm>> -> memref<80x1024xf32, #tpu.memory_space<hbm>>
      tpu.enqueue_dma source(%arg6 : memref<80x1024xf32, #tpu.memory_space<vmem>>) target(%dma_start3A_20 : memref<80x1024xf32, #tpu.memory_space<hbm>>) target_semaphore(%run_scoped3A : memref<!tpu.dma_semaphore, #tpu.memory_space<semaphore_mem>>)
      %dma_wait3A_21 = arith.constant 0 : i32
      %dma_wait3A_22 = tpu.memref_slice %arg4[%add3A_4, %dma_wait3A_21] : memref<5120x1024xf32, #tpu.memory_space<hbm>> -> memref<80x1024xf32, #tpu.memory_space<hbm>>
      %dma_wait3A_23 = arith.constant 0 : i32
      %dma_wait3A_24 = tpu.memref_slice %arg4[%add3A_4, %dma_wait3A_23] : memref<5120x1024xf32, #tpu.memory_space<hbm>> -> memref<80x1024xf32, #tpu.memory_space<hbm>>
      tpu.wait_dma2 semaphore(%run_scoped3A : memref<!tpu.dma_semaphore, #tpu.memory_space<semaphore_mem>>) src(%arg6 : memref<80x1024xf32, #tpu.memory_space<vmem>>) dst(%dma_wait3A_24 : memref<80x1024xf32, #tpu.memory_space<hbm>>)
      tpu.yield
    }) : () -> ()
    %add3A_9 = arith.constant 80 : i32
    %add3A_10 = arith.addi %mul3A_2, %add3A_9 : i32
    "tpu.region"() ({
      %run_scoped3A = tpu.sem_alloc : memref<!tpu.dma_semaphore, #tpu.memory_space<semaphore_mem>>
      %dma_start3A_17 = tpu.memref_slice %arg3[%add3A_10] : memref<5120xi32, #tpu.memory_space<hbm>> -> memref<80xi32, #tpu.memory_space<hbm>>
      %dma_start3A_18 = tpu.memref_slice %arg3[%add3A_10] : memref<5120xi32, #tpu.memory_space<hbm>> -> memref<80xi32, #tpu.memory_space<hbm>>
      tpu.enqueue_dma source(%dma_start3A_18 : memref<80xi32, #tpu.memory_space<hbm>>) target(%arg5 : memref<80xi32, #tpu.memory_space<vmem>>) target_semaphore(%run_scoped3A : memref<!tpu.dma_semaphore, #tpu.memory_space<semaphore_mem>>)
      %dma_wait3A_19 = tpu.memref_slice %arg3[%add3A_10] : memref<5120xi32, #tpu.memory_space<hbm>> -> memref<80xi32, #tpu.memory_space<hbm>>
      %dma_wait3A_20 = tpu.memref_slice %arg3[%add3A_10] : memref<5120xi32, #tpu.memory_space<hbm>> -> memref<80xi32, #tpu.memory_space<hbm>>
      tpu.wait_dma2 semaphore(%run_scoped3A : memref<!tpu.dma_semaphore, #tpu.memory_space<semaphore_mem>>) src(%dma_wait3A_20 : memref<80xi32, #tpu.memory_space<hbm>>) dst(%arg5 : memref<80xi32, #tpu.memory_space<vmem>>)
      tpu.yield
    }) : () -> ()
    %dma_start3A_11 = arith.constant 0 : i32
    %dma_start3A_12 = arith.constant 0 : i32
    %dma_start3A_13 = tpu.memref_slice %arg2[%dma_start3A_11, %dma_start3A_12] : memref<2048x1024xf32, #tpu.memory_space<hbm>> -> memref<2048x1024xf32, #tpu.memory_space<hbm>>
    tpu.enqueue_indirect_dma source(%dma_start3A_13 : memref<2048x1024xf32, #tpu.memory_space<hbm>>) target(%arg6 : memref<80x1024xf32, #tpu.memory_space<vmem>>) offsets(%arg5 : memref<80xi32, #tpu.memory_space<vmem>>) semaphore(%arg7 : memref<!tpu.dma_semaphore, #tpu.memory_space<semaphore_mem>>)
    %dma_wait3A_14 = arith.constant 0 : i32
    %dma_wait3A_15 = arith.constant 0 : i32
    %dma_wait3A_16 = tpu.memref_slice %arg2[%dma_wait3A_14, %dma_wait3A_15] : memref<2048x1024xf32, #tpu.memory_space<hbm>> -> memref<2048x1024xf32, #tpu.memory_space<hbm>>
    tpu.wait_indirect_dma semaphore(%arg7 : memref<!tpu.dma_semaphore, #tpu.memory_space<semaphore_mem>>) src(%dma_wait3A_16 : memref<2048x1024xf32, #tpu.memory_space<hbm>>) dst(%arg6 : memref<80x1024xf32, #tpu.memory_space<vmem>>)
    "tpu.region"() ({
      %run_scoped3A = tpu.sem_alloc : memref<!tpu.dma_semaphore, #tpu.memory_space<semaphore_mem>>
      %dma_start3A_17 = arith.constant 0 : i32
      %dma_start3A_18 = tpu.memref_slice %arg4[%add3A_10, %dma_start3A_17] : memref<5120x1024xf32, #tpu.memory_space<hbm>> -> memref<80x1024xf32, #tpu.memory_space<hbm>>
      %dma_start3A_19 = arith.constant 0 : i32
      %dma_start3A_20 = tpu.memref_slice %arg4[%add3A_10, %dma_start3A_19] : memref<5120x1024xf32, #tpu.memory_space<hbm>> -> memref<80x1024xf32, #tpu.memory_space<hbm>>
      tpu.enqueue_dma source(%arg6 : memref<80x1024xf32, #tpu.memory_space<vmem>>) target(%dma_start3A_20 : memref<80x1024xf32, #tpu.memory_space<hbm>>) target_semaphore(%run_scoped3A : memref<!tpu.dma_semaphore, #tpu.memory_space<semaphore_mem>>)
      %dma_wait3A_21 = arith.constant 0 : i32
      %dma_wait3A_22 = tpu.memref_slice %arg4[%add3A_10, %dma_wait3A_21] : memref<5120x1024xf32, #tpu.memory_space<hbm>> -> memref<80x1024xf32, #tpu.memory_space<hbm>>
      %dma_wait3A_23 = arith.constant 0 : i32
      %dma_wait3A_24 = tpu.memref_slice %arg4[%add3A_10, %dma_wait3A_23] : memref<5120x1024xf32, #tpu.memory_space<hbm>> -> memref<80x1024xf32, #tpu.memory_space<hbm>>
      tpu.wait_dma2 semaphore(%run_scoped3A : memref<!tpu.dma_semaphore, #tpu.memory_space<semaphore_mem>>) src(%arg6 : memref<80x1024xf32, #tpu.memory_space<vmem>>) dst(%dma_wait3A_24 : memref<80x1024xf32, #tpu.memory_space<hbm>>)
      tpu.yield
    }) : () -> ()
    return
  }
}

#map = affine_map<(d0, d1) -> (0, 0)>
#map1 = affine_map<(d0, d1) -> (0)>
module attributes {stable_mosaic.version = 14 : i64} {
  func.func @k(%arg0: i32, %arg1: i32, %arg2: memref<5120x1024xf32, #tpu.memory_space<hbm>>, %arg3: memref<4096xi32, #tpu.memory_space<hbm>>, %arg4: memref<4096x1024xf32, #tpu.memory_space<hbm>>, %arg5: memref<64xi32, #tpu.memory_space<vmem>>, %arg6: memref<64x1024xf32, #tpu.memory_space<vmem>>, %arg7: memref<!tpu.dma_semaphore, #tpu.memory_space<semaphore_mem>>) attributes {dimension_semantics = [#tpu.dimension_semantics<core_parallel>, #tpu.dimension_semantics<subcore_parallel>], iteration_bounds = array<i64: 2, 16>, scalar_prefetch = 0 : i64, scratch_operands = 3 : i64, tpu.core_type = #tpu.core_type<sc_vector_subcore>, window_params = [{transform_indices = #map}, {transform_indices = #map1}, {transform_indices = #map}]} {
    %mul3A = arith.constant 2 : i32
    %mul3A_0 = arith.muli %arg1, %mul3A : i32
    %add3A = arith.addi %mul3A_0, %arg0 : i32
    %mul3A_1 = arith.constant 128 : i32
    %mul3A_2 = arith.muli %add3A, %mul3A_1 : i32
    %add3A_3 = arith.constant 0 : i32
    %add3A_4 = arith.addi %mul3A_2, %add3A_3 : i32
    "tpu.region"() ({
      %run_scoped3A = tpu.sem_alloc : memref<!tpu.dma_semaphore, #tpu.memory_space<semaphore_mem>>
      %dma_start3A_17 = tpu.memref_slice %arg3[%add3A_4] : memref<4096xi32, #tpu.memory_space<hbm>> -> memref<64xi32, #tpu.memory_space<hbm>>
      %dma_start3A_18 = tpu.memref_slice %arg3[%add3A_4] : memref<4096xi32, #tpu.memory_space<hbm>> -> memref<64xi32, #tpu.memory_space<hbm>>
      tpu.enqueue_dma source(%dma_start3A_18 : memref<64xi32, #tpu.memory_space<hbm>>) target(%arg5 : memref<64xi32, #tpu.memory_space<vmem>>) target_semaphore(%run_scoped3A : memref<!tpu.dma_semaphore, #tpu.memory_space<semaphore_mem>>)
      %dma_wait3A_19 = tpu.memref_slice %arg3[%add3A_4] : memref<4096xi32, #tpu.memory_space<hbm>> -> memref<64xi32, #tpu.memory_space<hbm>>
      %dma_wait3A_20 = tpu.memref_slice %arg3[%add3A_4] : memref<4096xi32, #tpu.memory_space<hbm>> -> memref<64xi32, #tpu.memory_space<hbm>>
      tpu.wait_dma2 semaphore(%run_scoped3A : memref<!tpu.dma_semaphore, #tpu.memory_space<semaphore_mem>>) src(%dma_wait3A_20 : memref<64xi32, #tpu.memory_space<hbm>>) dst(%arg5 : memref<64xi32, #tpu.memory_space<vmem>>)
      tpu.yield
    }) : () -> ()
    %dma_start3A = arith.constant 0 : i32
    %dma_start3A_5 = arith.constant 0 : i32
    %dma_start3A_6 = tpu.memref_slice %arg2[%dma_start3A, %dma_start3A_5] : memref<5120x1024xf32, #tpu.memory_space<hbm>> -> memref<5120x1024xf32, #tpu.memory_space<hbm>>
    tpu.enqueue_indirect_dma source(%dma_start3A_6 : memref<5120x1024xf32, #tpu.memory_space<hbm>>) target(%arg6 : memref<64x1024xf32, #tpu.memory_space<vmem>>) offsets(%arg5 : memref<64xi32, #tpu.memory_space<vmem>>) semaphore(%arg7 : memref<!tpu.dma_semaphore, #tpu.memory_space<semaphore_mem>>)
    %dma_wait3A = arith.constant 0 : i32
    %dma_wait3A_7 = arith.constant 0 : i32
    %dma_wait3A_8 = tpu.memref_slice %arg2[%dma_wait3A, %dma_wait3A_7] : memref<5120x1024xf32, #tpu.memory_space<hbm>> -> memref<5120x1024xf32, #tpu.memory_space<hbm>>
    tpu.wait_indirect_dma semaphore(%arg7 : memref<!tpu.dma_semaphore, #tpu.memory_space<semaphore_mem>>) src(%dma_wait3A_8 : memref<5120x1024xf32, #tpu.memory_space<hbm>>) dst(%arg6 : memref<64x1024xf32, #tpu.memory_space<vmem>>)
    "tpu.region"() ({
      %run_scoped3A = tpu.sem_alloc : memref<!tpu.dma_semaphore, #tpu.memory_space<semaphore_mem>>
      %dma_start3A_17 = arith.constant 0 : i32
      %dma_start3A_18 = tpu.memref_slice %arg4[%add3A_4, %dma_start3A_17] : memref<4096x1024xf32, #tpu.memory_space<hbm>> -> memref<64x1024xf32, #tpu.memory_space<hbm>>
      %dma_start3A_19 = arith.constant 0 : i32
      %dma_start3A_20 = tpu.memref_slice %arg4[%add3A_4, %dma_start3A_19] : memref<4096x1024xf32, #tpu.memory_space<hbm>> -> memref<64x1024xf32, #tpu.memory_space<hbm>>
      tpu.enqueue_dma source(%arg6 : memref<64x1024xf32, #tpu.memory_space<vmem>>) target(%dma_start3A_20 : memref<64x1024xf32, #tpu.memory_space<hbm>>) target_semaphore(%run_scoped3A : memref<!tpu.dma_semaphore, #tpu.memory_space<semaphore_mem>>)
      %dma_wait3A_21 = arith.constant 0 : i32
      %dma_wait3A_22 = tpu.memref_slice %arg4[%add3A_4, %dma_wait3A_21] : memref<4096x1024xf32, #tpu.memory_space<hbm>> -> memref<64x1024xf32, #tpu.memory_space<hbm>>
      %dma_wait3A_23 = arith.constant 0 : i32
      %dma_wait3A_24 = tpu.memref_slice %arg4[%add3A_4, %dma_wait3A_23] : memref<4096x1024xf32, #tpu.memory_space<hbm>> -> memref<64x1024xf32, #tpu.memory_space<hbm>>
      tpu.wait_dma2 semaphore(%run_scoped3A : memref<!tpu.dma_semaphore, #tpu.memory_space<semaphore_mem>>) src(%arg6 : memref<64x1024xf32, #tpu.memory_space<vmem>>) dst(%dma_wait3A_24 : memref<64x1024xf32, #tpu.memory_space<hbm>>)
      tpu.yield
    }) : () -> ()
    %add3A_9 = arith.constant 64 : i32
    %add3A_10 = arith.addi %mul3A_2, %add3A_9 : i32
    "tpu.region"() ({
      %run_scoped3A = tpu.sem_alloc : memref<!tpu.dma_semaphore, #tpu.memory_space<semaphore_mem>>
      %dma_start3A_17 = tpu.memref_slice %arg3[%add3A_10] : memref<4096xi32, #tpu.memory_space<hbm>> -> memref<64xi32, #tpu.memory_space<hbm>>
      %dma_start3A_18 = tpu.memref_slice %arg3[%add3A_10] : memref<4096xi32, #tpu.memory_space<hbm>> -> memref<64xi32, #tpu.memory_space<hbm>>
      tpu.enqueue_dma source(%dma_start3A_18 : memref<64xi32, #tpu.memory_space<hbm>>) target(%arg5 : memref<64xi32, #tpu.memory_space<vmem>>) target_semaphore(%run_scoped3A : memref<!tpu.dma_semaphore, #tpu.memory_space<semaphore_mem>>)
      %dma_wait3A_19 = tpu.memref_slice %arg3[%add3A_10] : memref<4096xi32, #tpu.memory_space<hbm>> -> memref<64xi32, #tpu.memory_space<hbm>>
      %dma_wait3A_20 = tpu.memref_slice %arg3[%add3A_10] : memref<4096xi32, #tpu.memory_space<hbm>> -> memref<64xi32, #tpu.memory_space<hbm>>
      tpu.wait_dma2 semaphore(%run_scoped3A : memref<!tpu.dma_semaphore, #tpu.memory_space<semaphore_mem>>) src(%dma_wait3A_20 : memref<64xi32, #tpu.memory_space<hbm>>) dst(%arg5 : memref<64xi32, #tpu.memory_space<vmem>>)
      tpu.yield
    }) : () -> ()
    %dma_start3A_11 = arith.constant 0 : i32
    %dma_start3A_12 = arith.constant 0 : i32
    %dma_start3A_13 = tpu.memref_slice %arg2[%dma_start3A_11, %dma_start3A_12] : memref<5120x1024xf32, #tpu.memory_space<hbm>> -> memref<5120x1024xf32, #tpu.memory_space<hbm>>
    tpu.enqueue_indirect_dma source(%dma_start3A_13 : memref<5120x1024xf32, #tpu.memory_space<hbm>>) target(%arg6 : memref<64x1024xf32, #tpu.memory_space<vmem>>) offsets(%arg5 : memref<64xi32, #tpu.memory_space<vmem>>) semaphore(%arg7 : memref<!tpu.dma_semaphore, #tpu.memory_space<semaphore_mem>>)
    %dma_wait3A_14 = arith.constant 0 : i32
    %dma_wait3A_15 = arith.constant 0 : i32
    %dma_wait3A_16 = tpu.memref_slice %arg2[%dma_wait3A_14, %dma_wait3A_15] : memref<5120x1024xf32, #tpu.memory_space<hbm>> -> memref<5120x1024xf32, #tpu.memory_space<hbm>>
    tpu.wait_indirect_dma semaphore(%arg7 : memref<!tpu.dma_semaphore, #tpu.memory_space<semaphore_mem>>) src(%dma_wait3A_16 : memref<5120x1024xf32, #tpu.memory_space<hbm>>) dst(%arg6 : memref<64x1024xf32, #tpu.memory_space<vmem>>)
    "tpu.region"() ({
      %run_scoped3A = tpu.sem_alloc : memref<!tpu.dma_semaphore, #tpu.memory_space<semaphore_mem>>
      %dma_start3A_17 = arith.constant 0 : i32
      %dma_start3A_18 = tpu.memref_slice %arg4[%add3A_10, %dma_start3A_17] : memref<4096x1024xf32, #tpu.memory_space<hbm>> -> memref<64x1024xf32, #tpu.memory_space<hbm>>
      %dma_start3A_19 = arith.constant 0 : i32
      %dma_start3A_20 = tpu.memref_slice %arg4[%add3A_10, %dma_start3A_19] : memref<4096x1024xf32, #tpu.memory_space<hbm>> -> memref<64x1024xf32, #tpu.memory_space<hbm>>
      tpu.enqueue_dma source(%arg6 : memref<64x1024xf32, #tpu.memory_space<vmem>>) target(%dma_start3A_20 : memref<64x1024xf32, #tpu.memory_space<hbm>>) target_semaphore(%run_scoped3A : memref<!tpu.dma_semaphore, #tpu.memory_space<semaphore_mem>>)
      %dma_wait3A_21 = arith.constant 0 : i32
      %dma_wait3A_22 = tpu.memref_slice %arg4[%add3A_10, %dma_wait3A_21] : memref<4096x1024xf32, #tpu.memory_space<hbm>> -> memref<64x1024xf32, #tpu.memory_space<hbm>>
      %dma_wait3A_23 = arith.constant 0 : i32
      %dma_wait3A_24 = tpu.memref_slice %arg4[%add3A_10, %dma_wait3A_23] : memref<4096x1024xf32, #tpu.memory_space<hbm>> -> memref<64x1024xf32, #tpu.memory_space<hbm>>
      tpu.wait_dma2 semaphore(%run_scoped3A : memref<!tpu.dma_semaphore, #tpu.memory_space<semaphore_mem>>) src(%arg6 : memref<64x1024xf32, #tpu.memory_space<vmem>>) dst(%dma_wait3A_24 : memref<64x1024xf32, #tpu.memory_space<hbm>>)
      tpu.yield
    }) : () -> ()
    return
  }
}

module attributes {stable_mosaic.version = 14 : i64} {
  func.func @_ln_qkv_body(%arg0: i32, %arg1: i32, %arg2: memref<256x1024xf32, #tpu.memory_space<vmem>>, %arg3: memref<1x1024xf32, #tpu.memory_space<vmem>>, %arg4: memref<1x1024xf32, #tpu.memory_space<vmem>>, %arg5: memref<512x1024xf32, #tpu.memory_space<vmem>>, %arg6: memref<1x512xf32, #tpu.memory_space<vmem>>, %arg7: memref<256x512xf32, #tpu.memory_space<vmem>>) attributes {dimension_semantics = [#tpu.dimension_semantics<arbitrary>, #tpu.dimension_semantics<arbitrary>], iteration_bounds = array<i64: 8, 6>, scalar_prefetch = 0 : i64, scratch_operands = 0 : i64, tpu.core_type = #tpu.core_type<tc>, window_params = [{transform_indices = @transform_0, window_bounds = array<i64: 256, 1024>}, {pipeline_mode = #tpu.pipeline_mode<synchronous>, transform_indices = @transform_1, window_bounds = array<i64: 1, 1024>}, {pipeline_mode = #tpu.pipeline_mode<synchronous>, transform_indices = @transform_2, window_bounds = array<i64: 1, 1024>}, {transform_indices = @transform_3, window_bounds = array<i64: 512, 1024>}, {transform_indices = @transform_4, window_bounds = array<i64: 1, 512>}, {transform_indices = @transform_5, window_bounds = array<i64: 256, 512>}]} {
    %get3A = arith.constant 0 : index
    %get3A_0 = arith.constant 0 : index
    %get3A_1 = vector.load %arg2[%get3A, %get3A_0] : memref<256x1024xf32, #tpu.memory_space<vmem>>, vector<256x1024xf32>
    %reduce_sum3A = arith.constant dense<0.000000e+00> : vector<256xf32>
    %reduce_sum3A_2 = vector.multi_reduction <add>, %get3A_1, %reduce_sum3A [1] : vector<256x1024xf32> to vector<256xf32>
    %broadcast_in_dim3A = vector.shape_cast %reduce_sum3A_2 : vector<256xf32> to vector<256x1xf32>
    %div3A = arith.constant 1.024000e+03 : f32
    %div3A_3 = vector.broadcast %div3A : f32 to vector<256x1xf32>
    %div3A_4 = arith.divf %broadcast_in_dim3A, %div3A_3 : vector<256x1xf32>
    %sub3A = vector.broadcast %div3A_4 : vector<256x1xf32> to vector<256x1024xf32>
    %sub3A_5 = arith.subf %get3A_1, %sub3A : vector<256x1024xf32>
    %integer_pow3A = arith.mulf %sub3A_5, %sub3A_5 : vector<256x1024xf32>
    %reduce_sum3A_6 = arith.constant dense<0.000000e+00> : vector<256xf32>
    %reduce_sum3A_7 = vector.multi_reduction <add>, %integer_pow3A, %reduce_sum3A_6 [1] : vector<256x1024xf32> to vector<256xf32>
    %broadcast_in_dim3A_8 = vector.shape_cast %reduce_sum3A_7 : vector<256xf32> to vector<256x1xf32>
    %div3A_9 = arith.constant 1.024000e+03 : f32
    %div3A_10 = vector.broadcast %div3A_9 : f32 to vector<256x1xf32>
    %div3A_11 = arith.divf %broadcast_in_dim3A_8, %div3A_10 : vector<256x1xf32>
    %sub3A_12 = vector.broadcast %div3A_4 : vector<256x1xf32> to vector<256x1024xf32>
    %sub3A_13 = arith.subf %get3A_1, %sub3A_12 : vector<256x1024xf32>
    %add3A = arith.constant 9.99999974E-6 : f32
    %add3A_14 = vector.broadcast %add3A : f32 to vector<256x1xf32>
    %add3A_15 = arith.addf %div3A_11, %add3A_14 : vector<256x1xf32>
    %rsqrt3A = math.rsqrt %add3A_15 : vector<256x1xf32>
    %mul3A = vector.broadcast %rsqrt3A : vector<256x1xf32> to vector<256x1024xf32>
    %mul3A_16 = arith.mulf %sub3A_13, %mul3A : vector<256x1024xf32>
    %get3A_17 = arith.constant 0 : index
    %get3A_18 = arith.constant 0 : index
    %get3A_19 = vector.load %arg3[%get3A_17, %get3A_18] : memref<1x1024xf32, #tpu.memory_space<vmem>>, vector<1x1024xf32>
    %mul3A_20 = vector.broadcast %get3A_19 : vector<1x1024xf32> to vector<256x1024xf32>
    %mul3A_21 = arith.mulf %mul3A_16, %mul3A_20 : vector<256x1024xf32>
    %get3A_22 = arith.constant 0 : index
    %get3A_23 = arith.constant 0 : index
    %get3A_24 = vector.load %arg4[%get3A_22, %get3A_23] : memref<1x1024xf32, #tpu.memory_space<vmem>>, vector<1x1024xf32>
    %add3A_25 = vector.broadcast %get3A_24 : vector<1x1024xf32> to vector<256x1024xf32>
    %add3A_26 = arith.addf %mul3A_21, %add3A_25 : vector<256x1024xf32>
    %get3A_27 = arith.constant 0 : index
    %get3A_28 = arith.constant 0 : index
    %get3A_29 = vector.load %arg5[%get3A_27, %get3A_28] : memref<512x1024xf32, #tpu.memory_space<vmem>>, vector<512x1024xf32>
    %dot_general3A = arith.constant dense<0.000000e+00> : vector<256x512xf32>
    %dot_general3A_30 = tpu.matmul %add3A_26, %get3A_29, %dot_general3A {dimension_numbers = #tpu.dot_dimension_numbers<[1], [1], [0], [0], [0, 0, 1, 0], [], []>, transpose_lhs_hint = false} : vector<256x1024xf32>, vector<512x1024xf32>, vector<256x512xf32> -> vector<256x512xf32>
    %get3A_31 = arith.constant 0 : index
    %get3A_32 = arith.constant 0 : index
    %get3A_33 = vector.load %arg6[%get3A_31, %get3A_32] : memref<1x512xf32, #tpu.memory_space<vmem>>, vector<1x512xf32>
    %add3A_34 = vector.broadcast %get3A_33 : vector<1x512xf32> to vector<256x512xf32>
    %add3A_35 = arith.addf %dot_general3A_30, %add3A_34 : vector<256x512xf32>
    %swap3A = arith.constant 0 : index
    %swap3A_36 = arith.constant 0 : index
    %swap3A_37 = vector.load %arg7[%swap3A, %swap3A_36] : memref<256x512xf32, #tpu.memory_space<vmem>>, vector<256x512xf32>
    tpu.vector_store %arg7[%swap3A, %swap3A_36], %add3A_35 {strides = array<i32>} : memref<256x512xf32, #tpu.memory_space<vmem>>, vector<256x512xf32>,
    return
  }
  func.func @transform_0(%arg0: i32, %arg1: i32) -> (i32, i32) {
    %c0_i32 = arith.constant 0 : i32
    %c0_i32_0 = arith.constant 0 : i32
    return %arg0, %c0_i32 : i32, i32
  }
  func.func @transform_1(%arg0: i32, %arg1: i32) -> (i32, i32) {
    %c0_i32 = arith.constant 0 : i32
    %c0_i32_0 = arith.constant 0 : i32
    %c0_i32_1 = arith.constant 0 : i32
    return %c0_i32, %c0_i32_0 : i32, i32
  }
  func.func @transform_2(%arg0: i32, %arg1: i32) -> (i32, i32) {
    %c0_i32 = arith.constant 0 : i32
    %c0_i32_0 = arith.constant 0 : i32
    %c0_i32_1 = arith.constant 0 : i32
    return %c0_i32, %c0_i32_0 : i32, i32
  }
  func.func @transform_3(%arg0: i32, %arg1: i32) -> (i32, i32) {
    %c0_i32 = arith.constant 0 : i32
    %c0_i32_0 = arith.constant 0 : i32
    return %arg1, %c0_i32 : i32, i32
  }
  func.func @transform_4(%arg0: i32, %arg1: i32) -> (i32, i32) {
    %c0_i32 = arith.constant 0 : i32
    %c0_i32_0 = arith.constant 0 : i32
    return %c0_i32, %arg1 : i32, i32
  }
  func.func @transform_5(%arg0: i32, %arg1: i32) -> (i32, i32) {
    %c0_i32 = arith.constant 0 : i32
    return %arg0, %arg1 : i32, i32
  }
}

module attributes {stable_mosaic.version = 14 : i64} {
  func.func @_attn_body(%arg0: i32, %arg1: i32, %arg2: memref<1x512x64xf32, #tpu.memory_space<vmem>>, %arg3: memref<1x2048x64xf32, #tpu.memory_space<vmem>>, %arg4: memref<1x2048x64xf32, #tpu.memory_space<vmem>>, %arg5: memref<1x512x64xf32, #tpu.memory_space<vmem>>, %arg6: memref<512x2048xf32, #tpu.memory_space<vmem>>) attributes {dimension_semantics = [#tpu.dimension_semantics<arbitrary>, #tpu.dimension_semantics<arbitrary>], iteration_bounds = array<i64: 4, 16>, scalar_prefetch = 0 : i64, scratch_operands = 0 : i64, tpu.core_type = #tpu.core_type<tc>, window_params = [{transform_indices = @transform_0, window_bounds = array<i64: 1, 512, 64>}, {transform_indices = @transform_1, window_bounds = array<i64: 1, 2048, 64>}, {transform_indices = @transform_2, window_bounds = array<i64: 1, 2048, 64>}, {transform_indices = @transform_3, window_bounds = array<i64: 1, 512, 64>}, {transform_indices = @transform_4, window_bounds = array<i64: 512, 2048>}]} {
    %get3A = arith.constant 0 : index
    %get3A_0 = arith.constant 0 : index
    %get3A_1 = arith.constant 0 : index
    %get3A_2 = vector.load %arg2[%get3A, %get3A_0, %get3A_1] : memref<1x512x64xf32, #tpu.memory_space<vmem>>, vector<1x512x64xf32>
    %get3A_3 = vector.shape_cast %get3A_2 : vector<1x512x64xf32> to vector<512x64xf32>
    %get3A_4 = arith.constant 0 : index
    %get3A_5 = arith.constant 0 : index
    %get3A_6 = arith.constant 0 : index
    %get3A_7 = vector.load %arg3[%get3A_4, %get3A_5, %get3A_6] : memref<1x2048x64xf32, #tpu.memory_space<vmem>>, vector<1x2048x64xf32>
    %get3A_8 = vector.shape_cast %get3A_7 : vector<1x2048x64xf32> to vector<2048x64xf32>
    %get3A_9 = arith.constant 0 : index
    %get3A_10 = arith.constant 0 : index
    %get3A_11 = arith.constant 0 : index
    %get3A_12 = vector.load %arg4[%get3A_9, %get3A_10, %get3A_11] : memref<1x2048x64xf32, #tpu.memory_space<vmem>>, vector<1x2048x64xf32>
    %get3A_13 = vector.shape_cast %get3A_12 : vector<1x2048x64xf32> to vector<2048x64xf32>
    %dot_general3A = arith.constant dense<0.000000e+00> : vector<512x2048xf32>
    %dot_general3A_14 = tpu.matmul %get3A_3, %get3A_8, %dot_general3A {dimension_numbers = #tpu.dot_dimension_numbers<[1], [1], [0], [0], [0, 0, 1, 0], [], []>, transpose_lhs_hint = false} : vector<512x64xf32>, vector<2048x64xf32>, vector<512x2048xf32> -> vector<512x2048xf32>
    %mul3A = arith.constant 1.250000e-01 : f32
    %mul3A_15 = vector.broadcast %mul3A : f32 to vector<512x2048xf32>
    %mul3A_16 = arith.mulf %dot_general3A_14, %mul3A_15 : vector<512x2048xf32>
    %reduce_max3A = arith.constant dense<0xFF800000> : vector<512xf32>
    %reduce_max3A_17 = vector.multi_reduction <maximumf>, %mul3A_16, %reduce_max3A [1] : vector<512x2048xf32> to vector<512xf32>
    %broadcast_in_dim3A = vector.shape_cast %reduce_max3A_17 : vector<512xf32> to vector<512x1xf32>
    %sub3A = vector.broadcast %broadcast_in_dim3A : vector<512x1xf32> to vector<512x2048xf32>
    %sub3A_18 = arith.subf %mul3A_16, %sub3A : vector<512x2048xf32>
    %exp3A = math.exp %sub3A_18 : vector<512x2048xf32>
    %reduce_sum3A = arith.constant dense<0.000000e+00> : vector<512xf32>
    %reduce_sum3A_19 = vector.multi_reduction <add>, %exp3A, %reduce_sum3A [1] : vector<512x2048xf32> to vector<512xf32>
    %broadcast_in_dim3A_20 = vector.shape_cast %reduce_sum3A_19 : vector<512xf32> to vector<512x1xf32>
    %div3A = vector.broadcast %broadcast_in_dim3A_20 : vector<512x1xf32> to vector<512x2048xf32>
    %div3A_21 = arith.divf %exp3A, %div3A : vector<512x2048xf32>
    %dot_general3A_22 = arith.constant dense<0.000000e+00> : vector<512x64xf32>
    %dot_general3A_23 = tpu.matmul %div3A_21, %get3A_13, %dot_general3A_22 {dimension_numbers = #tpu.dot_dimension_numbers<[1], [0], [0], [1], [0, 0, 1, 1], [], []>, transpose_lhs_hint = false} : vector<512x2048xf32>, vector<2048x64xf32>, vector<512x64xf32> -> vector<512x64xf32>
    %swap3A = arith.constant 0 : index
    %swap3A_24 = arith.constant 0 : index
    %swap3A_25 = arith.constant 0 : index
    %swap3A_26 = vector.load %arg5[%swap3A, %swap3A_24, %swap3A_25] : memref<1x512x64xf32, #tpu.memory_space<vmem>>, vector<1x512x64xf32>
    %swap3A_27 = vector.shape_cast %swap3A_26 : vector<1x512x64xf32> to vector<512x64xf32>
    %swap3A_28 = vector.shape_cast %dot_general3A_23 : vector<512x64xf32> to vector<1x512x64xf32>
    tpu.vector_store %arg5[%swap3A, %swap3A_24, %swap3A_25], %swap3A_28 {strides = array<i32>} : memref<1x512x64xf32, #tpu.memory_space<vmem>>, vector<1x512x64xf32>,
    %eq3A = arith.constant 0 : i32
    %eq3A_29 = arith.cmpi eq, %arg1, %eq3A : i32
    %convert_element_type3A = arith.extui %eq3A_29 : i1 to i32
    %cond3A = arith.constant 0 : i32
    %cond3A_30 = arith.cmpi ne, %convert_element_type3A, %cond3A : i32
    scf.if %cond3A_30 {
      %mul3A_35 = arith.constant 6.250000e-02 : f32
      %mul3A_36 = vector.broadcast %mul3A_35 : f32 to vector<512x2048xf32>
      %mul3A_37 = arith.mulf %div3A_21, %mul3A_36 : vector<512x2048xf32>
      %swap3A_38 = arith.constant 0 : index
      %swap3A_39 = arith.constant 0 : index
      %swap3A_40 = vector.load %arg6[%swap3A_38, %swap3A_39] : memref<512x2048xf32, #tpu.memory_space<vmem>>, vector<512x2048xf32>
      tpu.vector_store %arg6[%swap3A_38, %swap3A_39], %mul3A_37 {strides = array<i32>} : memref<512x2048xf32, #tpu.memory_space<vmem>>, vector<512x2048xf32>,
    } else {
    }
    %ne3A = arith.constant 0 : i32
    %ne3A_31 = arith.cmpi ne, %arg1, %ne3A : i32
    %convert_element_type3A_32 = arith.extui %ne3A_31 : i1 to i32
    %cond3A_33 = arith.constant 0 : i32
    %cond3A_34 = arith.cmpi ne, %convert_element_type3A_32, %cond3A_33 : i32
    scf.if %cond3A_34 {
      %get3A_35 = arith.constant 0 : index
      %get3A_36 = arith.constant 0 : index
      %get3A_37 = vector.load %arg6[%get3A_35, %get3A_36] : memref<512x2048xf32, #tpu.memory_space<vmem>>, vector<512x2048xf32>
      %mul3A_38 = arith.constant 6.250000e-02 : f32
      %mul3A_39 = vector.broadcast %mul3A_38 : f32 to vector<512x2048xf32>
      %mul3A_40 = arith.mulf %div3A_21, %mul3A_39 : vector<512x2048xf32>
      %add3A = arith.addf %get3A_37, %mul3A_40 : vector<512x2048xf32>
      %swap3A_41 = arith.constant 0 : index
      %swap3A_42 = arith.constant 0 : index
      %swap3A_43 = vector.load %arg6[%swap3A_41, %swap3A_42] : memref<512x2048xf32, #tpu.memory_space<vmem>>, vector<512x2048xf32>
      tpu.vector_store %arg6[%swap3A_41, %swap3A_42], %add3A {strides = array<i32>} : memref<512x2048xf32, #tpu.memory_space<vmem>>, vector<512x2048xf32>,
    } else {
    }
    return
  }
  func.func @transform_0(%arg0: i32, %arg1: i32) -> (i32, i32, i32) {
    %c0_i32 = arith.constant 0 : i32
    %c0_i32_0 = arith.constant 0 : i32
    return %arg1, %arg0, %c0_i32 : i32, i32, i32
  }
  func.func @transform_1(%arg0: i32, %arg1: i32) -> (i32, i32, i32) {
    %add3A = arith.constant 16 : i32
    %add3A_0 = arith.addi %add3A, %arg1 : i32
    %c0_i32 = arith.constant 0 : i32
    %c0_i32_1 = arith.constant 0 : i32
    %c0_i32_2 = arith.constant 0 : i32
    return %add3A_0, %c0_i32, %c0_i32_1 : i32, i32, i32
  }
  func.func @transform_2(%arg0: i32, %arg1: i32) -> (i32, i32, i32) {
    %add3A = arith.constant 32 : i32
    %add3A_0 = arith.addi %add3A, %arg1 : i32
    %c0_i32 = arith.constant 0 : i32
    %c0_i32_1 = arith.constant 0 : i32
    %c0_i32_2 = arith.constant 0 : i32
    return %add3A_0, %c0_i32, %c0_i32_1 : i32, i32, i32
  }
  func.func @transform_3(%arg0: i32, %arg1: i32) -> (i32, i32, i32) {
    %c0_i32 = arith.constant 0 : i32
    %c0_i32_0 = arith.constant 0 : i32
    return %arg1, %arg0, %c0_i32 : i32, i32, i32
  }
  func.func @transform_4(%arg0: i32, %arg1: i32) -> (i32, i32) {
    %c0_i32 = arith.constant 0 : i32
    %c0_i32_0 = arith.constant 0 : i32
    return %arg0, %c0_i32 : i32, i32
  }
}

module attributes {stable_mosaic.version = 14 : i64} {
  func.func @_post_attn_body(%arg0: i32, %arg1: memref<256x1024xf32, #tpu.memory_space<vmem>>, %arg2: memref<1024x1024xf32, #tpu.memory_space<vmem>>, %arg3: memref<1x1024xf32, #tpu.memory_space<vmem>>, %arg4: memref<256x1024xf32, #tpu.memory_space<vmem>>, %arg5: memref<1x1024xf32, #tpu.memory_space<vmem>>, %arg6: memref<1x1024xf32, #tpu.memory_space<vmem>>, %arg7: memref<8x1024xf32, #tpu.memory_space<vmem>>, %arg8: memref<1x8xf32, #tpu.memory_space<vmem>>, %arg9: memref<256x1024xf32, #tpu.memory_space<vmem>>, %arg10: memref<256x1024xf32, #tpu.memory_space<vmem>>, %arg11: memref<256x8xf32, #tpu.memory_space<vmem>>, %arg12: memref<256x8xf32, #tpu.memory_space<vmem>>, %arg13: memref<256x2xi32, #tpu.memory_space<vmem>>, %arg14: memref<256x2xf32, #tpu.memory_space<vmem>>) attributes {dimension_semantics = [#tpu.dimension_semantics<arbitrary>], iteration_bounds = array<i64: 8>, scalar_prefetch = 0 : i64, scratch_operands = 0 : i64, tpu.core_type = #tpu.core_type<tc>, window_params = [{transform_indices = @transform_0, window_bounds = array<i64: 256, 1024>}, {pipeline_mode = #tpu.pipeline_mode<synchronous>, transform_indices = @transform_1, window_bounds = array<i64: 1024, 1024>}, {pipeline_mode = #tpu.pipeline_mode<synchronous>, transform_indices = @transform_2, window_bounds = array<i64: 1, 1024>}, {transform_indices = @transform_3, window_bounds = array<i64: 256, 1024>}, {pipeline_mode = #tpu.pipeline_mode<synchronous>, transform_indices = @transform_4, window_bounds = array<i64: 1, 1024>}, {pipeline_mode = #tpu.pipeline_mode<synchronous>, transform_indices = @transform_5, window_bounds = array<i64: 1, 1024>}, {pipeline_mode = #tpu.pipeline_mode<synchronous>, transform_indices = @transform_6, window_bounds = array<i64: 8, 1024>}, {pipeline_mode = #tpu.pipeline_mode<synchronous>, transform_indices = @transform_7, window_bounds = array<i64: 1, 8>}, {transform_indices = @transform_8, window_bounds = array<i64: 256, 1024>}, {transform_indices = @transform_9, window_bounds = array<i64: 256, 1024>}, {transform_indices = @transform_10, window_bounds = array<i64: 256, 8>}, {transform_indices = @transform_11, window_bounds = array<i64: 256, 8>}, {transform_indices = @transform_12, window_bounds = array<i64: 256, 2>}, {transform_indices = @transform_13, window_bounds = array<i64: 256, 2>}]} {
    %get3A = arith.constant 0 : index
    %get3A_0 = arith.constant 0 : index
    %get3A_1 = vector.load %arg1[%get3A, %get3A_0] : memref<256x1024xf32, #tpu.memory_space<vmem>>, vector<256x1024xf32>
    %get3A_2 = arith.constant 0 : index
    %get3A_3 = arith.constant 0 : index
    %get3A_4 = vector.load %arg2[%get3A_2, %get3A_3] : memref<1024x1024xf32, #tpu.memory_space<vmem>>, vector<1024x1024xf32>
    %dot_general3A = arith.constant dense<0.000000e+00> : vector<256x1024xf32>
    %dot_general3A_5 = tpu.matmul %get3A_1, %get3A_4, %dot_general3A {dimension_numbers = #tpu.dot_dimension_numbers<[1], [1], [0], [0], [0, 0, 1, 0], [], []>, transpose_lhs_hint = false} : vector<256x1024xf32>, vector<1024x1024xf32>, vector<256x1024xf32> -> vector<256x1024xf32>
    %get3A_6 = arith.constant 0 : index
    %get3A_7 = arith.constant 0 : index
    %get3A_8 = vector.load %arg3[%get3A_6, %get3A_7] : memref<1x1024xf32, #tpu.memory_space<vmem>>, vector<1x1024xf32>
    %add3A = vector.broadcast %get3A_8 : vector<1x1024xf32> to vector<256x1024xf32>
    %add3A_9 = arith.addf %dot_general3A_5, %add3A : vector<256x1024xf32>
    %get3A_10 = arith.constant 0 : index
    %get3A_11 = arith.constant 0 : index
    %get3A_12 = vector.load %arg4[%get3A_10, %get3A_11] : memref<256x1024xf32, #tpu.memory_space<vmem>>, vector<256x1024xf32>
    %add3A_13 = arith.addf %add3A_9, %get3A_12 : vector<256x1024xf32>
    %swap3A = arith.constant 0 : index
    %swap3A_14 = arith.constant 0 : index
    %swap3A_15 = vector.load %arg9[%swap3A, %swap3A_14] : memref<256x1024xf32, #tpu.memory_space<vmem>>, vector<256x1024xf32>
    tpu.vector_store %arg9[%swap3A, %swap3A_14], %add3A_13 {strides = array<i32>} : memref<256x1024xf32, #tpu.memory_space<vmem>>, vector<256x1024xf32>,
    %reduce_sum3A = arith.constant dense<0.000000e+00> : vector<256xf32>
    %reduce_sum3A_16 = vector.multi_reduction <add>, %add3A_13, %reduce_sum3A [1] : vector<256x1024xf32> to vector<256xf32>
    %broadcast_in_dim3A = vector.shape_cast %reduce_sum3A_16 : vector<256xf32> to vector<256x1xf32>
    %div3A = arith.constant 1.024000e+03 : f32
    %div3A_17 = vector.broadcast %div3A : f32 to vector<256x1xf32>
    %div3A_18 = arith.divf %broadcast_in_dim3A, %div3A_17 : vector<256x1xf32>
    %sub3A = vector.broadcast %div3A_18 : vector<256x1xf32> to vector<256x1024xf32>
    %sub3A_19 = arith.subf %add3A_13, %sub3A : vector<256x1024xf32>
    %integer_pow3A = arith.mulf %sub3A_19, %sub3A_19 : vector<256x1024xf32>
    %reduce_sum3A_20 = arith.constant dense<0.000000e+00> : vector<256xf32>
    %reduce_sum3A_21 = vector.multi_reduction <add>, %integer_pow3A, %reduce_sum3A_20 [1] : vector<256x1024xf32> to vector<256xf32>
    %broadcast_in_dim3A_22 = vector.shape_cast %reduce_sum3A_21 : vector<256xf32> to vector<256x1xf32>
    %div3A_23 = arith.constant 1.024000e+03 : f32
    %div3A_24 = vector.broadcast %div3A_23 : f32 to vector<256x1xf32>
    %div3A_25 = arith.divf %broadcast_in_dim3A_22, %div3A_24 : vector<256x1xf32>
    %sub3A_26 = vector.broadcast %div3A_18 : vector<256x1xf32> to vector<256x1024xf32>
    %sub3A_27 = arith.subf %add3A_13, %sub3A_26 : vector<256x1024xf32>
    %add3A_28 = arith.constant 9.99999974E-6 : f32
    %add3A_29 = vector.broadcast %add3A_28 : f32 to vector<256x1xf32>
    %add3A_30 = arith.addf %div3A_25, %add3A_29 : vector<256x1xf32>
    %rsqrt3A = math.rsqrt %add3A_30 : vector<256x1xf32>
    %mul3A = vector.broadcast %rsqrt3A : vector<256x1xf32> to vector<256x1024xf32>
    %mul3A_31 = arith.mulf %sub3A_27, %mul3A : vector<256x1024xf32>
    %swap3A_32 = arith.constant 0 : index
    %swap3A_33 = arith.constant 0 : index
    %swap3A_34 = vector.load %arg10[%swap3A_32, %swap3A_33] : memref<256x1024xf32, #tpu.memory_space<vmem>>, vector<256x1024xf32>
    tpu.vector_store %arg10[%swap3A_32, %swap3A_33], %mul3A_31 {strides = array<i32>} : memref<256x1024xf32, #tpu.memory_space<vmem>>, vector<256x1024xf32>,
    %get3A_35 = arith.constant 0 : index
    %get3A_36 = arith.constant 0 : index
    %get3A_37 = vector.load %arg5[%get3A_35, %get3A_36] : memref<1x1024xf32, #tpu.memory_space<vmem>>, vector<1x1024xf32>
    %mul3A_38 = vector.broadcast %get3A_37 : vector<1x1024xf32> to vector<256x1024xf32>
    %mul3A_39 = arith.mulf %mul3A_31, %mul3A_38 : vector<256x1024xf32>
    %get3A_40 = arith.constant 0 : index
    %get3A_41 = arith.constant 0 : index
    %get3A_42 = vector.load %arg6[%get3A_40, %get3A_41] : memref<1x1024xf32, #tpu.memory_space<vmem>>, vector<1x1024xf32>
    %add3A_43 = vector.broadcast %get3A_42 : vector<1x1024xf32> to vector<256x1024xf32>
    %add3A_44 = arith.addf %mul3A_39, %add3A_43 : vector<256x1024xf32>
    %get3A_45 = arith.constant 0 : index
    %get3A_46 = arith.constant 0 : index
    %get3A_47 = vector.load %arg7[%get3A_45, %get3A_46] : memref<8x1024xf32, #tpu.memory_space<vmem>>, vector<8x1024xf32>
    %dot_general3A_48 = arith.constant dense<0.000000e+00> : vector<256x8xf32>
    %dot_general3A_49 = tpu.matmul %add3A_44, %get3A_47, %dot_general3A_48 {dimension_numbers = #tpu.dot_dimension_numbers<[1], [1], [0], [0], [0, 0, 1, 0], [], []>, transpose_lhs_hint = false} : vector<256x1024xf32>, vector<8x1024xf32>, vector<256x8xf32> -> vector<256x8xf32>
    %get3A_50 = arith.constant 0 : index
    %get3A_51 = arith.constant 0 : index
    %get3A_52 = vector.load %arg8[%get3A_50, %get3A_51] : memref<1x8xf32, #tpu.memory_space<vmem>>, vector<1x8xf32>
    %add3A_53 = vector.broadcast %get3A_52 : vector<1x8xf32> to vector<256x8xf32>
    %add3A_54 = arith.addf %dot_general3A_49, %add3A_53 : vector<256x8xf32>
    %swap3A_55 = arith.constant 0 : index
    %swap3A_56 = arith.constant 0 : index
    %swap3A_57 = vector.load %arg11[%swap3A_55, %swap3A_56] : memref<256x8xf32, #tpu.memory_space<vmem>>, vector<256x8xf32>
    tpu.vector_store %arg11[%swap3A_55, %swap3A_56], %add3A_54 {strides = array<i32>} : memref<256x8xf32, #tpu.memory_space<vmem>>, vector<256x8xf32>,
    %reduce_max3A = arith.constant dense<0xFF800000> : vector<256xf32>
    %reduce_max3A_58 = vector.multi_reduction <maximumf>, %add3A_54, %reduce_max3A [1] : vector<256x8xf32> to vector<256xf32>
    %broadcast_in_dim3A_59 = vector.shape_cast %reduce_max3A_58 : vector<256xf32> to vector<256x1xf32>
    %sub3A_60 = vector.broadcast %broadcast_in_dim3A_59 : vector<256x1xf32> to vector<256x8xf32>
    %sub3A_61 = arith.subf %add3A_54, %sub3A_60 : vector<256x8xf32>
    %exp3A = math.exp %sub3A_61 : vector<256x8xf32>
    %reduce_sum3A_62 = arith.constant dense<0.000000e+00> : vector<256xf32>
    %reduce_sum3A_63 = vector.multi_reduction <add>, %exp3A, %reduce_sum3A_62 [1] : vector<256x8xf32> to vector<256xf32>
    %broadcast_in_dim3A_64 = vector.shape_cast %reduce_sum3A_63 : vector<256xf32> to vector<256x1xf32>
    %div3A_65 = vector.broadcast %broadcast_in_dim3A_64 : vector<256x1xf32> to vector<256x8xf32>
    %div3A_66 = arith.divf %exp3A, %div3A_65 : vector<256x8xf32>
    %swap3A_67 = arith.constant 0 : index
    %swap3A_68 = arith.constant 0 : index
    %swap3A_69 = vector.load %arg12[%swap3A_67, %swap3A_68] : memref<256x8xf32, #tpu.memory_space<vmem>>, vector<256x8xf32>
    tpu.vector_store %arg12[%swap3A_67, %swap3A_68], %div3A_66 {strides = array<i32>} : memref<256x8xf32, #tpu.memory_space<vmem>>, vector<256x8xf32>,
    %iota3A = tpu.iota {dimensions = array<i32: 1>} : vector<256x8xi32>
    %reduce_max3A_70 = arith.constant dense<0xFF800000> : vector<256xf32>
    %reduce_max3A_71 = vector.multi_reduction <maximumf>, %div3A_66, %reduce_max3A_70 [1] : vector<256x8xf32> to vector<256xf32>
    %broadcast_in_dim3A_72 = vector.shape_cast %reduce_max3A_71 : vector<256xf32> to vector<256x1xf32>
    %eq3A = vector.broadcast %broadcast_in_dim3A_72 : vector<256x1xf32> to vector<256x8xf32>
    %eq3A_73 = arith.cmpf oeq, %div3A_66, %eq3A : vector<256x8xf32>
    %jit3A = arith.constant 8 : i32
    %broadcast_in_dim3A_74 = vector.broadcast %jit3A : i32 to vector<256x8xi32>
    %select_n3A = arith.select %eq3A_73, %iota3A, %broadcast_in_dim3A_74 : vector<256x8xi1>, vector<256x8xi32>
    %reduce_min3A = arith.constant dense<2147483647> : vector<256xi32>
    %reduce_min3A_75 = vector.multi_reduction <minsi>, %select_n3A, %reduce_min3A [1] : vector<256x8xi32> to vector<256xi32>
    %broadcast_in_dim3A_76 = vector.shape_cast %reduce_min3A_75 : vector<256xi32> to vector<256x1xi32>
    %eq3A_77 = vector.broadcast %broadcast_in_dim3A_76 : vector<256x1xi32> to vector<256x8xi32>
    %eq3A_78 = arith.cmpi eq, %iota3A, %eq3A_77 : vector<256x8xi32>
    %jit3A_79 = arith.constant -1.000000e+30 : f32
    %broadcast_in_dim3A_80 = vector.broadcast %jit3A_79 : f32 to vector<256x8xf32>
    %select_n3A_81 = arith.select %eq3A_78, %broadcast_in_dim3A_80, %div3A_66 : vector<256x8xi1>, vector<256x8xf32>
    %reduce_max3A_82 = arith.constant dense<0xFF800000> : vector<256xf32>
    %reduce_max3A_83 = vector.multi_reduction <maximumf>, %select_n3A_81, %reduce_max3A_82 [1] : vector<256x8xf32> to vector<256xf32>
    %broadcast_in_dim3A_84 = vector.shape_cast %reduce_max3A_83 : vector<256xf32> to vector<256x1xf32>
    %eq3A_85 = vector.broadcast %broadcast_in_dim3A_84 : vector<256x1xf32> to vector<256x8xf32>
    %eq3A_86 = arith.cmpf oeq, %select_n3A_81, %eq3A_85 : vector<256x8xf32>
    %jit3A_87 = arith.constant 8 : i32
    %broadcast_in_dim3A_88 = vector.broadcast %jit3A_87 : i32 to vector<256x8xi32>
    %select_n3A_89 = arith.select %eq3A_86, %iota3A, %broadcast_in_dim3A_88 : vector<256x8xi1>, vector<256x8xi32>
    %reduce_min3A_90 = arith.constant dense<2147483647> : vector<256xi32>
    %reduce_min3A_91 = vector.multi_reduction <minsi>, %select_n3A_89, %reduce_min3A_90 [1] : vector<256x8xi32> to vector<256xi32>
    %broadcast_in_dim3A_92 = vector.shape_cast %reduce_min3A_91 : vector<256xi32> to vector<256x1xi32>
    %sub3A_93 = arith.subf %broadcast_in_dim3A_84, %broadcast_in_dim3A_72 : vector<256x1xf32>
    %exp3A_94 = math.exp %sub3A_93 : vector<256x1xf32>
    %add3A_95 = arith.constant 1.000000e+00 : f32
    %add3A_96 = vector.broadcast %add3A_95 : f32 to vector<256x1xf32>
    %add3A_97 = arith.addf %add3A_96, %exp3A_94 : vector<256x1xf32>
    %div3A_98 = arith.constant 1.000000e+00 : f32
    %div3A_99 = vector.broadcast %div3A_98 : f32 to vector<256x1xf32>
    %div3A_100 = arith.divf %div3A_99, %add3A_97 : vector<256x1xf32>
    %add3A_101 = arith.constant 1.000000e+00 : f32
    %add3A_102 = vector.broadcast %add3A_101 : f32 to vector<256x1xf32>
    %add3A_103 = arith.addf %add3A_102, %exp3A_94 : vector<256x1xf32>
    %div3A_104 = arith.divf %exp3A_94, %add3A_103 : vector<256x1xf32>
    %concatenate3A = tpu.concatenate %broadcast_in_dim3A_76, %broadcast_in_dim3A_92 in 1 : vector<256x1xi32>, vector<256x1xi32> -> vector<256x2xi32>
    %swap3A_105 = arith.constant 0 : index
    %swap3A_106 = arith.constant 0 : index
    %swap3A_107 = vector.load %arg13[%swap3A_105, %swap3A_106] : memref<256x2xi32, #tpu.memory_space<vmem>>, vector<256x2xi32>
    tpu.vector_store %arg13[%swap3A_105, %swap3A_106], %concatenate3A {strides = array<i32>} : memref<256x2xi32, #tpu.memory_space<vmem>>, vector<256x2xi32>,
    %concatenate3A_108 = tpu.concatenate %div3A_100, %div3A_104 in 1 : vector<256x1xf32>, vector<256x1xf32> -> vector<256x2xf32>
    %swap3A_109 = arith.constant 0 : index
    %swap3A_110 = arith.constant 0 : index
    %swap3A_111 = vector.load %arg14[%swap3A_109, %swap3A_110] : memref<256x2xf32, #tpu.memory_space<vmem>>, vector<256x2xf32>
    tpu.vector_store %arg14[%swap3A_109, %swap3A_110], %concatenate3A_108 {strides = array<i32>} : memref<256x2xf32, #tpu.memory_space<vmem>>, vector<256x2xf32>,
    return
  }
  func.func @transform_0(%arg0: i32) -> (i32, i32) {
    %c0_i32 = arith.constant 0 : i32
    %c0_i32_0 = arith.constant 0 : i32
    return %arg0, %c0_i32 : i32, i32
  }
  func.func @transform_1(%arg0: i32) -> (i32, i32) {
    %c0_i32 = arith.constant 0 : i32
    %c0_i32_0 = arith.constant 0 : i32
    %c0_i32_1 = arith.constant 0 : i32
    return %c0_i32, %c0_i32_0 : i32, i32
  }
  func.func @transform_2(%arg0: i32) -> (i32, i32) {
    %c0_i32 = arith.constant 0 : i32
    %c0_i32_0 = arith.constant 0 : i32
    %c0_i32_1 = arith.constant 0 : i32
    return %c0_i32, %c0_i32_0 : i32, i32
  }
  func.func @transform_3(%arg0: i32) -> (i32, i32) {
    %c0_i32 = arith.constant 0 : i32
    %c0_i32_0 = arith.constant 0 : i32
    return %arg0, %c0_i32 : i32, i32
  }
  func.func @transform_4(%arg0: i32) -> (i32, i32) {
    %c0_i32 = arith.constant 0 : i32
    %c0_i32_0 = arith.constant 0 : i32
    %c0_i32_1 = arith.constant 0 : i32
    return %c0_i32, %c0_i32_0 : i32, i32
  }
  func.func @transform_5(%arg0: i32) -> (i32, i32) {
    %c0_i32 = arith.constant 0 : i32
    %c0_i32_0 = arith.constant 0 : i32
    %c0_i32_1 = arith.constant 0 : i32
    return %c0_i32, %c0_i32_0 : i32, i32
  }
  func.func @transform_6(%arg0: i32) -> (i32, i32) {
    %c0_i32 = arith.constant 0 : i32
    %c0_i32_0 = arith.constant 0 : i32
    %c0_i32_1 = arith.constant 0 : i32
    return %c0_i32, %c0_i32_0 : i32, i32
  }
  func.func @transform_7(%arg0: i32) -> (i32, i32) {
    %c0_i32 = arith.constant 0 : i32
    %c0_i32_0 = arith.constant 0 : i32
    %c0_i32_1 = arith.constant 0 : i32
    return %c0_i32, %c0_i32_0 : i32, i32
  }
  func.func @transform_8(%arg0: i32) -> (i32, i32) {
    %c0_i32 = arith.constant 0 : i32
    %c0_i32_0 = arith.constant 0 : i32
    return %arg0, %c0_i32 : i32, i32
  }
  func.func @transform_9(%arg0: i32) -> (i32, i32) {
    %c0_i32 = arith.constant 0 : i32
    %c0_i32_0 = arith.constant 0 : i32
    return %arg0, %c0_i32 : i32, i32
  }
  func.func @transform_10(%arg0: i32) -> (i32, i32) {
    %c0_i32 = arith.constant 0 : i32
    %c0_i32_0 = arith.constant 0 : i32
    return %arg0, %c0_i32 : i32, i32
  }
  func.func @transform_11(%arg0: i32) -> (i32, i32) {
    %c0_i32 = arith.constant 0 : i32
    %c0_i32_0 = arith.constant 0 : i32
    return %arg0, %c0_i32 : i32, i32
  }
  func.func @transform_12(%arg0: i32) -> (i32, i32) {
    %c0_i32 = arith.constant 0 : i32
    %c0_i32_0 = arith.constant 0 : i32
    return %arg0, %c0_i32 : i32, i32
  }
  func.func @transform_13(%arg0: i32) -> (i32, i32) {
    %c0_i32 = arith.constant 0 : i32
    %c0_i32_0 = arith.constant 0 : i32
    return %arg0, %c0_i32 : i32, i32
  }
}

module attributes {stable_mosaic.version = 14 : i64} {
  func.func @_grouped_body(%arg0: i32, %arg1: i32, %arg2: memref<40xi32, #tpu.memory_space<smem>>, %arg3: memref<128x1024xf32, #tpu.memory_space<vmem>>, %arg4: memref<128x1xf32, #tpu.memory_space<vmem>>, %arg5: memref<1x1x1024xf32, #tpu.memory_space<vmem>>, %arg6: memref<1x1x1024xf32, #tpu.memory_space<vmem>>, %arg7: memref<1x1024x1024xf32, #tpu.memory_space<vmem>>, %arg8: memref<1x1x1024xf32, #tpu.memory_space<vmem>>, %arg9: memref<1x1024x1024xf32, #tpu.memory_space<vmem>>, %arg10: memref<1x1x1024xf32, #tpu.memory_space<vmem>>, %arg11: memref<128x1024xf32, #tpu.memory_space<vmem>>) attributes {dimension_semantics = [#tpu.dimension_semantics<arbitrary>, #tpu.dimension_semantics<arbitrary>], iteration_bounds = array<i64: 40, 4>, scalar_prefetch = 1 : i64, scratch_operands = 0 : i64, tpu.core_type = #tpu.core_type<tc>, window_params = [{transform_indices = @transform_0, window_bounds = array<i64: 128, 1024>}, {transform_indices = @transform_1, window_bounds = array<i64: 128, 1>}, {transform_indices = @transform_2, window_bounds = array<i64: 1, 1, 1024>}, {transform_indices = @transform_3, window_bounds = array<i64: 1, 1, 1024>}, {transform_indices = @transform_4, window_bounds = array<i64: 1, 1024, 1024>}, {transform_indices = @transform_5, window_bounds = array<i64: 1, 1, 1024>}, {transform_indices = @transform_6, window_bounds = array<i64: 1, 1024, 1024>}, {transform_indices = @transform_7, window_bounds = array<i64: 1, 1, 1024>}, {transform_indices = @transform_8, window_bounds = array<i64: 128, 1024>}]} {
    %get3A = arith.constant 0 : index
    %get3A_0 = arith.constant 0 : index
    %get3A_1 = vector.load %arg3[%get3A, %get3A_0] : memref<128x1024xf32, #tpu.memory_space<vmem>>, vector<128x1024xf32>
    %get3A_2 = arith.constant 0 : index
    %get3A_3 = arith.constant 0 : index
    %get3A_4 = arith.constant 0 : index
    %get3A_5 = vector.load %arg5[%get3A_2, %get3A_3, %get3A_4] : memref<1x1x1024xf32, #tpu.memory_space<vmem>>, vector<1x1x1024xf32>
    %get3A_6 = vector.shape_cast %get3A_5 : vector<1x1x1024xf32> to vector<1x1024xf32>
    %mul3A = vector.broadcast %get3A_6 : vector<1x1024xf32> to vector<128x1024xf32>
    %mul3A_7 = arith.mulf %get3A_1, %mul3A : vector<128x1024xf32>
    %get3A_8 = arith.constant 0 : index
    %get3A_9 = arith.constant 0 : index
    %get3A_10 = arith.constant 0 : index
    %get3A_11 = vector.load %arg6[%get3A_8, %get3A_9, %get3A_10] : memref<1x1x1024xf32, #tpu.memory_space<vmem>>, vector<1x1x1024xf32>
    %get3A_12 = vector.shape_cast %get3A_11 : vector<1x1x1024xf32> to vector<1x1024xf32>
    %add3A = vector.broadcast %get3A_12 : vector<1x1024xf32> to vector<128x1024xf32>
    %add3A_13 = arith.addf %mul3A_7, %add3A : vector<128x1024xf32>
    %get3A_14 = arith.constant 0 : index
    %get3A_15 = arith.constant 0 : index
    %get3A_16 = arith.constant 0 : index
    %get3A_17 = vector.load %arg7[%get3A_14, %get3A_15, %get3A_16] : memref<1x1024x1024xf32, #tpu.memory_space<vmem>>, vector<1x1024x1024xf32>
    %get3A_18 = vector.shape_cast %get3A_17 : vector<1x1024x1024xf32> to vector<1024x1024xf32>
    %dot_general3A = arith.constant dense<0.000000e+00> : vector<128x1024xf32>
    %dot_general3A_19 = tpu.matmul %add3A_13, %get3A_18, %dot_general3A {dimension_numbers = #tpu.dot_dimension_numbers<[1], [1], [0], [0], [0, 0, 1, 0], [], []>, transpose_lhs_hint = false} : vector<128x1024xf32>, vector<1024x1024xf32>, vector<128x1024xf32> -> vector<128x1024xf32>
    %get3A_20 = arith.constant 0 : index
    %get3A_21 = arith.constant 0 : index
    %get3A_22 = arith.constant 0 : index
    %get3A_23 = vector.load %arg8[%get3A_20, %get3A_21, %get3A_22] : memref<1x1x1024xf32, #tpu.memory_space<vmem>>, vector<1x1x1024xf32>
    %get3A_24 = vector.shape_cast %get3A_23 : vector<1x1x1024xf32> to vector<1x1024xf32>
    %add3A_25 = vector.broadcast %get3A_24 : vector<1x1024xf32> to vector<128x1024xf32>
    %add3A_26 = arith.addf %dot_general3A_19, %add3A_25 : vector<128x1024xf32>
    %mul3A_27 = arith.constant 5.000000e-01 : f32
    %mul3A_28 = vector.broadcast %mul3A_27 : f32 to vector<128x1024xf32>
    %mul3A_29 = arith.mulf %add3A_26, %mul3A_28 : vector<128x1024xf32>
    %mul3A_30 = arith.constant 0.707106769 : f32
    %mul3A_31 = vector.broadcast %mul3A_30 : f32 to vector<128x1024xf32>
    %mul3A_32 = arith.mulf %add3A_26, %mul3A_31 : vector<128x1024xf32>
    %erf3A = math.erf %mul3A_32 : vector<128x1024xf32>
    %add3A_33 = arith.constant 1.000000e+00 : f32
    %add3A_34 = vector.broadcast %add3A_33 : f32 to vector<128x1024xf32>
    %add3A_35 = arith.addf %add3A_34, %erf3A : vector<128x1024xf32>
    %mul3A_36 = arith.mulf %mul3A_29, %add3A_35 : vector<128x1024xf32>
    %get3A_37 = arith.constant 0 : index
    %get3A_38 = arith.constant 0 : index
    %get3A_39 = arith.constant 0 : index
    %get3A_40 = vector.load %arg9[%get3A_37, %get3A_38, %get3A_39] : memref<1x1024x1024xf32, #tpu.memory_space<vmem>>, vector<1x1024x1024xf32>
    %get3A_41 = vector.shape_cast %get3A_40 : vector<1x1024x1024xf32> to vector<1024x1024xf32>
    %dot_general3A_42 = arith.constant dense<0.000000e+00> : vector<128x1024xf32>
    %dot_general3A_43 = tpu.matmul %mul3A_36, %get3A_41, %dot_general3A_42 {dimension_numbers = #tpu.dot_dimension_numbers<[1], [1], [0], [0], [0, 0, 1, 0], [], []>, transpose_lhs_hint = false} : vector<128x1024xf32>, vector<1024x1024xf32>, vector<128x1024xf32> -> vector<128x1024xf32>
    %get3A_44 = arith.constant 0 : index
    %get3A_45 = arith.constant 0 : index
    %get3A_46 = vector.load %arg4[%get3A_44, %get3A_45] : memref<128x1xf32, #tpu.memory_space<vmem>>, vector<128x1xf32>
    %eq3A = arith.constant 0 : i32
    %eq3A_47 = arith.cmpi eq, %arg1, %eq3A : i32
    %convert_element_type3A = arith.extui %eq3A_47 : i1 to i32
    %cond3A = arith.constant 0 : i32
    %cond3A_48 = arith.cmpi ne, %convert_element_type3A, %cond3A : i32
    scf.if %cond3A_48 {
      %mul3A_53 = vector.broadcast %get3A_46 : vector<128x1xf32> to vector<128x1024xf32>
      %mul3A_54 = arith.mulf %dot_general3A_43, %mul3A_53 : vector<128x1024xf32>
      %get3A_55 = arith.constant 0 : index
      %get3A_56 = arith.constant 0 : index
      %get3A_57 = arith.constant 0 : index
      %get3A_58 = vector.load %arg10[%get3A_55, %get3A_56, %get3A_57] : memref<1x1x1024xf32, #tpu.memory_space<vmem>>, vector<1x1x1024xf32>
      %get3A_59 = vector.shape_cast %get3A_58 : vector<1x1x1024xf32> to vector<1x1024xf32>
      %mul3A_60 = vector.broadcast %get3A_46 : vector<128x1xf32> to vector<128x1024xf32>
      %mul3A_61 = vector.broadcast %get3A_59 : vector<1x1024xf32> to vector<128x1024xf32>
      %mul3A_62 = arith.mulf %mul3A_60, %mul3A_61 : vector<128x1024xf32>
      %add3A_63 = arith.addf %mul3A_54, %mul3A_62 : vector<128x1024xf32>
      %swap3A = arith.constant 0 : index
      %swap3A_64 = arith.constant 0 : index
      %swap3A_65 = vector.load %arg11[%swap3A, %swap3A_64] : memref<128x1024xf32, #tpu.memory_space<vmem>>, vector<128x1024xf32>
      tpu.vector_store %arg11[%swap3A, %swap3A_64], %add3A_63 {strides = array<i32>} : memref<128x1024xf32, #tpu.memory_space<vmem>>, vector<128x1024xf32>,
    } else {
    }
    %ne3A = arith.constant 0 : i32
    %ne3A_49 = arith.cmpi ne, %arg1, %ne3A : i32
    %convert_element_type3A_50 = arith.extui %ne3A_49 : i1 to i32
    %cond3A_51 = arith.constant 0 : i32
    %cond3A_52 = arith.cmpi ne, %convert_element_type3A_50, %cond3A_51 : i32
    scf.if %cond3A_52 {
      %get3A_53 = arith.constant 0 : index
      %get3A_54 = arith.constant 0 : index
      %get3A_55 = vector.load %arg11[%get3A_53, %get3A_54] : memref<128x1024xf32, #tpu.memory_space<vmem>>, vector<128x1024xf32>
      %mul3A_56 = vector.broadcast %get3A_46 : vector<128x1xf32> to vector<128x1024xf32>
      %mul3A_57 = arith.mulf %dot_general3A_43, %mul3A_56 : vector<128x1024xf32>
      %add3A_58 = arith.addf %get3A_55, %mul3A_57 : vector<128x1024xf32>
      %swap3A = arith.constant 0 : index
      %swap3A_59 = arith.constant 0 : index
      %swap3A_60 = vector.load %arg11[%swap3A, %swap3A_59] : memref<128x1024xf32, #tpu.memory_space<vmem>>, vector<128x1024xf32>
      tpu.vector_store %arg11[%swap3A, %swap3A_59], %add3A_58 {strides = array<i32>} : memref<128x1024xf32, #tpu.memory_space<vmem>>, vector<128x1024xf32>,
    } else {
    }
    return
  }
  func.func @transform_0(%arg0: i32, %arg1: i32, %arg2: memref<40xi32, #tpu.memory_space<smem>>) -> (i32, i32) {
    %c0_i32 = arith.constant 0 : i32
    %c0_i32_0 = arith.constant 0 : i32
    return %arg0, %c0_i32 : i32, i32
  }
  func.func @transform_1(%arg0: i32, %arg1: i32, %arg2: memref<40xi32, #tpu.memory_space<smem>>) -> (i32, i32) {
    %c0_i32 = arith.constant 0 : i32
    %c0_i32_0 = arith.constant 0 : i32
    return %arg0, %c0_i32 : i32, i32
  }
  func.func @transform_2(%arg0: i32, %arg1: i32, %arg2: memref<40xi32, #tpu.memory_space<smem>>) -> (i32, i32, i32) {
    %get3A = arith.index_cast %arg0 : i32 to index
    %get3A_0 = memref.load %arg2[%get3A] : memref<40xi32, #tpu.memory_space<smem>>
    %c0_i32 = arith.constant 0 : i32
    %c0_i32_1 = arith.constant 0 : i32
    %c0_i32_2 = arith.constant 0 : i32
    return %get3A_0, %c0_i32, %c0_i32_1 : i32, i32, i32
  }
  func.func @transform_3(%arg0: i32, %arg1: i32, %arg2: memref<40xi32, #tpu.memory_space<smem>>) -> (i32, i32, i32) {
    %get3A = arith.index_cast %arg0 : i32 to index
    %get3A_0 = memref.load %arg2[%get3A] : memref<40xi32, #tpu.memory_space<smem>>
    %c0_i32 = arith.constant 0 : i32
    %c0_i32_1 = arith.constant 0 : i32
    %c0_i32_2 = arith.constant 0 : i32
    return %get3A_0, %c0_i32, %c0_i32_1 : i32, i32, i32
  }
  func.func @transform_4(%arg0: i32, %arg1: i32, %arg2: memref<40xi32, #tpu.memory_space<smem>>) -> (i32, i32, i32) {
    %get3A = arith.index_cast %arg0 : i32 to index
    %get3A_0 = memref.load %arg2[%get3A] : memref<40xi32, #tpu.memory_space<smem>>
    %c0_i32 = arith.constant 0 : i32
    %c0_i32_1 = arith.constant 0 : i32
    return %get3A_0, %arg1, %c0_i32 : i32, i32, i32
  }
  func.func @transform_5(%arg0: i32, %arg1: i32, %arg2: memref<40xi32, #tpu.memory_space<smem>>) -> (i32, i32, i32) {
    %get3A = arith.index_cast %arg0 : i32 to index
    %get3A_0 = memref.load %arg2[%get3A] : memref<40xi32, #tpu.memory_space<smem>>
    %c0_i32 = arith.constant 0 : i32
    %c0_i32_1 = arith.constant 0 : i32
    return %get3A_0, %c0_i32, %arg1 : i32, i32, i32
  }
  func.func @transform_6(%arg0: i32, %arg1: i32, %arg2: memref<40xi32, #tpu.memory_space<smem>>) -> (i32, i32, i32) {
    %get3A = arith.index_cast %arg0 : i32 to index
    %get3A_0 = memref.load %arg2[%get3A] : memref<40xi32, #tpu.memory_space<smem>>
    %c0_i32 = arith.constant 0 : i32
    %c0_i32_1 = arith.constant 0 : i32
    return %get3A_0, %c0_i32, %arg1 : i32, i32, i32
  }
  func.func @transform_7(%arg0: i32, %arg1: i32, %arg2: memref<40xi32, #tpu.memory_space<smem>>) -> (i32, i32, i32) {
    %get3A = arith.index_cast %arg0 : i32 to index
    %get3A_0 = memref.load %arg2[%get3A] : memref<40xi32, #tpu.memory_space<smem>>
    %c0_i32 = arith.constant 0 : i32
    %c0_i32_1 = arith.constant 0 : i32
    %c0_i32_2 = arith.constant 0 : i32
    return %get3A_0, %c0_i32, %c0_i32_1 : i32, i32, i32
  }
  func.func @transform_8(%arg0: i32, %arg1: i32, %arg2: memref<40xi32, #tpu.memory_space<smem>>) -> (i32, i32) {
    %c0_i32 = arith.constant 0 : i32
    %c0_i32_0 = arith.constant 0 : i32
    return %arg0, %c0_i32 : i32, i32
  }
}

module attributes {stable_mosaic.version = 14 : i64} {
  func.func @_experts_body(%arg0: i32, %arg1: i32, %arg2: i32, %arg3: memref<256x1024xf32, #tpu.memory_space<vmem>>, %arg4: memref<256x1024xf32, #tpu.memory_space<vmem>>, %arg5: memref<256x3xf32, #tpu.memory_space<vmem>>, %arg6: memref<1x1x1024xf32, #tpu.memory_space<vmem>>, %arg7: memref<1x1x1024xf32, #tpu.memory_space<vmem>>, %arg8: memref<1x1024x1024xf32, #tpu.memory_space<vmem>>, %arg9: memref<1x1x1024xf32, #tpu.memory_space<vmem>>, %arg10: memref<1x1024x1024xf32, #tpu.memory_space<vmem>>, %arg11: memref<1x1x1024xf32, #tpu.memory_space<vmem>>, %arg12: memref<256x1024xf32, #tpu.memory_space<vmem>>) attributes {dimension_semantics = [#tpu.dimension_semantics<arbitrary>, #tpu.dimension_semantics<arbitrary>, #tpu.dimension_semantics<arbitrary>], iteration_bounds = array<i64: 8, 3, 4>, scalar_prefetch = 0 : i64, scratch_operands = 0 : i64, tpu.core_type = #tpu.core_type<tc>, window_params = [{transform_indices = @transform_0, window_bounds = array<i64: 256, 1024>}, {transform_indices = @transform_1, window_bounds = array<i64: 256, 1024>}, {transform_indices = @transform_2, window_bounds = array<i64: 256, 3>}, {transform_indices = @transform_3, window_bounds = array<i64: 1, 1, 1024>}, {transform_indices = @transform_4, window_bounds = array<i64: 1, 1, 1024>}, {transform_indices = @transform_5, window_bounds = array<i64: 1, 1024, 1024>}, {transform_indices = @transform_6, window_bounds = array<i64: 1, 1, 1024>}, {transform_indices = @transform_7, window_bounds = array<i64: 1, 1024, 1024>}, {transform_indices = @transform_8, window_bounds = array<i64: 1, 1, 1024>}, {transform_indices = @transform_9, window_bounds = array<i64: 256, 1024>}]} {
    %eq3A = arith.constant 0 : i32
    %eq3A_0 = arith.cmpi eq, %arg1, %eq3A : i32
    %eq3A_1 = arith.constant 0 : i32
    %eq3A_2 = arith.cmpi eq, %arg2, %eq3A_1 : i32
    %and3A = arith.andi %eq3A_0, %eq3A_2 : i1
    %convert_element_type3A = arith.extui %and3A : i1 to i32
    %cond3A = arith.constant 0 : i32
    %cond3A_3 = arith.cmpi ne, %convert_element_type3A, %cond3A : i32
    scf.if %cond3A_3 {
      %get3A_64 = arith.constant 0 : index
      %get3A_65 = arith.constant 0 : index
      %get3A_66 = vector.load %arg4[%get3A_64, %get3A_65] : memref<256x1024xf32, #tpu.memory_space<vmem>>, vector<256x1024xf32>
      %swap3A = arith.constant 0 : index
      %swap3A_67 = arith.constant 0 : index
      %swap3A_68 = vector.load %arg12[%swap3A, %swap3A_67] : memref<256x1024xf32, #tpu.memory_space<vmem>>, vector<256x1024xf32>
      tpu.vector_store %arg12[%swap3A, %swap3A_67], %get3A_66 {strides = array<i32>} : memref<256x1024xf32, #tpu.memory_space<vmem>>, vector<256x1024xf32>,
    } else {
    }
    %get3A = arith.constant 0 : index
    %get3A_4 = arith.constant 0 : index
    %get3A_5 = vector.load %arg3[%get3A, %get3A_4] : memref<256x1024xf32, #tpu.memory_space<vmem>>, vector<256x1024xf32>
    %get3A_6 = arith.constant 0 : index
    %get3A_7 = arith.constant 0 : index
    %get3A_8 = arith.constant 0 : index
    %get3A_9 = vector.load %arg6[%get3A_6, %get3A_7, %get3A_8] : memref<1x1x1024xf32, #tpu.memory_space<vmem>>, vector<1x1x1024xf32>
    %get3A_10 = vector.shape_cast %get3A_9 : vector<1x1x1024xf32> to vector<1x1024xf32>
    %mul3A = vector.broadcast %get3A_10 : vector<1x1024xf32> to vector<256x1024xf32>
    %mul3A_11 = arith.mulf %get3A_5, %mul3A : vector<256x1024xf32>
    %get3A_12 = arith.constant 0 : index
    %get3A_13 = arith.constant 0 : index
    %get3A_14 = arith.constant 0 : index
    %get3A_15 = vector.load %arg7[%get3A_12, %get3A_13, %get3A_14] : memref<1x1x1024xf32, #tpu.memory_space<vmem>>, vector<1x1x1024xf32>
    %get3A_16 = vector.shape_cast %get3A_15 : vector<1x1x1024xf32> to vector<1x1024xf32>
    %add3A = vector.broadcast %get3A_16 : vector<1x1024xf32> to vector<256x1024xf32>
    %add3A_17 = arith.addf %mul3A_11, %add3A : vector<256x1024xf32>
    %get3A_18 = arith.constant 0 : index
    %get3A_19 = arith.constant 0 : index
    %get3A_20 = arith.constant 0 : index
    %get3A_21 = vector.load %arg8[%get3A_18, %get3A_19, %get3A_20] : memref<1x1024x1024xf32, #tpu.memory_space<vmem>>, vector<1x1024x1024xf32>
    %get3A_22 = vector.shape_cast %get3A_21 : vector<1x1024x1024xf32> to vector<1024x1024xf32>
    %dot_general3A = arith.constant dense<0.000000e+00> : vector<256x1024xf32>
    %dot_general3A_23 = tpu.matmul %add3A_17, %get3A_22, %dot_general3A {dimension_numbers = #tpu.dot_dimension_numbers<[1], [1], [0], [0], [0, 0, 1, 0], [], []>, transpose_lhs_hint = false} : vector<256x1024xf32>, vector<1024x1024xf32>, vector<256x1024xf32> -> vector<256x1024xf32>
    %get3A_24 = arith.constant 0 : index
    %get3A_25 = arith.constant 0 : index
    %get3A_26 = arith.constant 0 : index
    %get3A_27 = vector.load %arg9[%get3A_24, %get3A_25, %get3A_26] : memref<1x1x1024xf32, #tpu.memory_space<vmem>>, vector<1x1x1024xf32>
    %get3A_28 = vector.shape_cast %get3A_27 : vector<1x1x1024xf32> to vector<1x1024xf32>
    %add3A_29 = vector.broadcast %get3A_28 : vector<1x1024xf32> to vector<256x1024xf32>
    %add3A_30 = arith.addf %dot_general3A_23, %add3A_29 : vector<256x1024xf32>
    %mul3A_31 = arith.constant 5.000000e-01 : f32
    %mul3A_32 = vector.broadcast %mul3A_31 : f32 to vector<256x1024xf32>
    %mul3A_33 = arith.mulf %add3A_30, %mul3A_32 : vector<256x1024xf32>
    %mul3A_34 = arith.constant 0.707106769 : f32
    %mul3A_35 = vector.broadcast %mul3A_34 : f32 to vector<256x1024xf32>
    %mul3A_36 = arith.mulf %add3A_30, %mul3A_35 : vector<256x1024xf32>
    %erf3A = math.erf %mul3A_36 : vector<256x1024xf32>
    %add3A_37 = arith.constant 1.000000e+00 : f32
    %add3A_38 = vector.broadcast %add3A_37 : f32 to vector<256x1024xf32>
    %add3A_39 = arith.addf %add3A_38, %erf3A : vector<256x1024xf32>
    %mul3A_40 = arith.mulf %mul3A_33, %add3A_39 : vector<256x1024xf32>
    %get3A_41 = arith.constant 0 : index
    %get3A_42 = arith.constant 0 : index
    %get3A_43 = arith.constant 0 : index
    %get3A_44 = vector.load %arg10[%get3A_41, %get3A_42, %get3A_43] : memref<1x1024x1024xf32, #tpu.memory_space<vmem>>, vector<1x1024x1024xf32>
    %get3A_45 = vector.shape_cast %get3A_44 : vector<1x1024x1024xf32> to vector<1024x1024xf32>
    %dot_general3A_46 = arith.constant dense<0.000000e+00> : vector<256x1024xf32>
    %dot_general3A_47 = tpu.matmul %mul3A_40, %get3A_45, %dot_general3A_46 {dimension_numbers = #tpu.dot_dimension_numbers<[1], [1], [0], [0], [0, 0, 1, 0], [], []>, transpose_lhs_hint = false} : vector<256x1024xf32>, vector<1024x1024xf32>, vector<256x1024xf32> -> vector<256x1024xf32>
    %iota3A = tpu.iota {dimensions = array<i32: 1>} : vector<256x3xi32>
    %eq3A_48 = vector.broadcast %arg1 : i32 to vector<256x3xi32>
    %eq3A_49 = arith.cmpi eq, %iota3A, %eq3A_48 : vector<256x3xi32>
    %get3A_50 = arith.constant 0 : index
    %get3A_51 = arith.constant 0 : index
    %get3A_52 = vector.load %arg5[%get3A_50, %get3A_51] : memref<256x3xf32, #tpu.memory_space<vmem>>, vector<256x3xf32>
    %jit3A = arith.constant 0.000000e+00 : f32
    %broadcast_in_dim3A = vector.broadcast %jit3A : f32 to vector<256x3xf32>
    %select_n3A = arith.select %eq3A_49, %get3A_52, %broadcast_in_dim3A : vector<256x3xi1>, vector<256x3xf32>
    %reduce_sum3A = arith.constant dense<0.000000e+00> : vector<256xf32>
    %reduce_sum3A_53 = vector.multi_reduction <add>, %select_n3A, %reduce_sum3A [1] : vector<256x3xf32> to vector<256xf32>
    %broadcast_in_dim3A_54 = vector.shape_cast %reduce_sum3A_53 : vector<256xf32> to vector<256x1xf32>
    %eq3A_55 = arith.constant 0 : i32
    %eq3A_56 = arith.cmpi eq, %arg2, %eq3A_55 : i32
    %convert_element_type3A_57 = arith.extui %eq3A_56 : i1 to i32
    %cond3A_58 = arith.constant 0 : i32
    %cond3A_59 = arith.cmpi ne, %convert_element_type3A_57, %cond3A_58 : i32
    scf.if %cond3A_59 {
      %get3A_64 = arith.constant 0 : index
      %get3A_65 = arith.constant 0 : index
      %get3A_66 = vector.load %arg12[%get3A_64, %get3A_65] : memref<256x1024xf32, #tpu.memory_space<vmem>>, vector<256x1024xf32>
      %mul3A_67 = vector.broadcast %broadcast_in_dim3A_54 : vector<256x1xf32> to vector<256x1024xf32>
      %mul3A_68 = arith.mulf %dot_general3A_47, %mul3A_67 : vector<256x1024xf32>
      %get3A_69 = arith.constant 0 : index
      %get3A_70 = arith.constant 0 : index
      %get3A_71 = arith.constant 0 : index
      %get3A_72 = vector.load %arg11[%get3A_69, %get3A_70, %get3A_71] : memref<1x1x1024xf32, #tpu.memory_space<vmem>>, vector<1x1x1024xf32>
      %get3A_73 = vector.shape_cast %get3A_72 : vector<1x1x1024xf32> to vector<1x1024xf32>
      %mul3A_74 = vector.broadcast %broadcast_in_dim3A_54 : vector<256x1xf32> to vector<256x1024xf32>
      %mul3A_75 = vector.broadcast %get3A_73 : vector<1x1024xf32> to vector<256x1024xf32>
      %mul3A_76 = arith.mulf %mul3A_74, %mul3A_75 : vector<256x1024xf32>
      %add3A_77 = arith.addf %mul3A_68, %mul3A_76 : vector<256x1024xf32>
      %add3A_78 = arith.addf %get3A_66, %add3A_77 : vector<256x1024xf32>
      %swap3A = arith.constant 0 : index
      %swap3A_79 = arith.constant 0 : index
      %swap3A_80 = vector.load %arg12[%swap3A, %swap3A_79] : memref<256x1024xf32, #tpu.memory_space<vmem>>, vector<256x1024xf32>
      tpu.vector_store %arg12[%swap3A, %swap3A_79], %add3A_78 {strides = array<i32>} : memref<256x1024xf32, #tpu.memory_space<vmem>>, vector<256x1024xf32>,
    } else {
    }
    %ne3A = arith.constant 0 : i32
    %ne3A_60 = arith.cmpi ne, %arg2, %ne3A : i32
    %convert_element_type3A_61 = arith.extui %ne3A_60 : i1 to i32
    %cond3A_62 = arith.constant 0 : i32
    %cond3A_63 = arith.cmpi ne, %convert_element_type3A_61, %cond3A_62 : i32
    scf.if %cond3A_63 {
      %get3A_64 = arith.constant 0 : index
      %get3A_65 = arith.constant 0 : index
      %get3A_66 = vector.load %arg12[%get3A_64, %get3A_65] : memref<256x1024xf32, #tpu.memory_space<vmem>>, vector<256x1024xf32>
      %mul3A_67 = vector.broadcast %broadcast_in_dim3A_54 : vector<256x1xf32> to vector<256x1024xf32>
      %mul3A_68 = arith.mulf %dot_general3A_47, %mul3A_67 : vector<256x1024xf32>
      %add3A_69 = arith.addf %get3A_66, %mul3A_68 : vector<256x1024xf32>
      %swap3A = arith.constant 0 : index
      %swap3A_70 = arith.constant 0 : index
      %swap3A_71 = vector.load %arg12[%swap3A, %swap3A_70] : memref<256x1024xf32, #tpu.memory_space<vmem>>, vector<256x1024xf32>
      tpu.vector_store %arg12[%swap3A, %swap3A_70], %add3A_69 {strides = array<i32>} : memref<256x1024xf32, #tpu.memory_space<vmem>>, vector<256x1024xf32>,
    } else {
    }
    return
  }
  func.func @transform_0(%arg0: i32, %arg1: i32, %arg2: i32) -> (i32, i32) {
    %c0_i32 = arith.constant 0 : i32
    %c0_i32_0 = arith.constant 0 : i32
    return %arg0, %c0_i32 : i32, i32
  }
  func.func @transform_1(%arg0: i32, %arg1: i32, %arg2: i32) -> (i32, i32) {
    %c0_i32 = arith.constant 0 : i32
    %c0_i32_0 = arith.constant 0 : i32
    return %arg0, %c0_i32 : i32, i32
  }
  func.func @transform_2(%arg0: i32, %arg1: i32, %arg2: i32) -> (i32, i32) {
    %c0_i32 = arith.constant 0 : i32
    %c0_i32_0 = arith.constant 0 : i32
    return %arg0, %c0_i32 : i32, i32
  }
  func.func @transform_3(%arg0: i32, %arg1: i32, %arg2: i32) -> (i32, i32, i32) {
    %c0_i32 = arith.constant 0 : i32
    %c0_i32_0 = arith.constant 0 : i32
    %c0_i32_1 = arith.constant 0 : i32
    return %arg1, %c0_i32, %c0_i32_0 : i32, i32, i32
  }
  func.func @transform_4(%arg0: i32, %arg1: i32, %arg2: i32) -> (i32, i32, i32) {
    %c0_i32 = arith.constant 0 : i32
    %c0_i32_0 = arith.constant 0 : i32
    %c0_i32_1 = arith.constant 0 : i32
    return %arg1, %c0_i32, %c0_i32_0 : i32, i32, i32
  }
  func.func @transform_5(%arg0: i32, %arg1: i32, %arg2: i32) -> (i32, i32, i32) {
    %c0_i32 = arith.constant 0 : i32
    %c0_i32_0 = arith.constant 0 : i32
    return %arg1, %arg2, %c0_i32 : i32, i32, i32
  }
  func.func @transform_6(%arg0: i32, %arg1: i32, %arg2: i32) -> (i32, i32, i32) {
    %c0_i32 = arith.constant 0 : i32
    %c0_i32_0 = arith.constant 0 : i32
    return %arg1, %c0_i32, %arg2 : i32, i32, i32
  }
  func.func @transform_7(%arg0: i32, %arg1: i32, %arg2: i32) -> (i32, i32, i32) {
    %c0_i32 = arith.constant 0 : i32
    %c0_i32_0 = arith.constant 0 : i32
    return %arg1, %c0_i32, %arg2 : i32, i32, i32
  }
  func.func @transform_8(%arg0: i32, %arg1: i32, %arg2: i32) -> (i32, i32, i32) {
    %c0_i32 = arith.constant 0 : i32
    %c0_i32_0 = arith.constant 0 : i32
    %c0_i32_1 = arith.constant 0 : i32
    return %arg1, %c0_i32, %c0_i32_0 : i32, i32, i32
  }
  func.func @transform_9(%arg0: i32, %arg1: i32, %arg2: i32) -> (i32, i32) {
    %c0_i32 = arith.constant 0 : i32
    %c0_i32_0 = arith.constant 0 : i32
    return %arg0, %c0_i32 : i32, i32
  }
}

module attributes {stable_mosaic.version = 14 : i64} {
  func.func @_combine_body(%arg0: i32, %arg1: memref<256x1024xf32, #tpu.memory_space<vmem>>, %arg2: memref<256x1024xf32, #tpu.memory_space<vmem>>, %arg3: memref<256x1024xf32, #tpu.memory_space<vmem>>, %arg4: memref<256x1024xf32, #tpu.memory_space<vmem>>) attributes {dimension_semantics = [#tpu.dimension_semantics<arbitrary>], iteration_bounds = array<i64: 8>, scalar_prefetch = 0 : i64, scratch_operands = 0 : i64, tpu.core_type = #tpu.core_type<tc>, window_params = [{transform_indices = @transform_0, window_bounds = array<i64: 256, 1024>}, {transform_indices = @transform_1, window_bounds = array<i64: 256, 1024>}, {transform_indices = @transform_2, window_bounds = array<i64: 256, 1024>}, {transform_indices = @transform_3, window_bounds = array<i64: 256, 1024>}]} {
    %get3A = arith.constant 0 : index
    %get3A_0 = arith.constant 0 : index
    %get3A_1 = vector.load %arg1[%get3A, %get3A_0] : memref<256x1024xf32, #tpu.memory_space<vmem>>, vector<256x1024xf32>
    %get3A_2 = arith.constant 0 : index
    %get3A_3 = arith.constant 0 : index
    %get3A_4 = vector.load %arg2[%get3A_2, %get3A_3] : memref<256x1024xf32, #tpu.memory_space<vmem>>, vector<256x1024xf32>
    %add3A = arith.addf %get3A_1, %get3A_4 : vector<256x1024xf32>
    %get3A_5 = arith.constant 0 : index
    %get3A_6 = arith.constant 0 : index
    %get3A_7 = vector.load %arg3[%get3A_5, %get3A_6] : memref<256x1024xf32, #tpu.memory_space<vmem>>, vector<256x1024xf32>
    %add3A_8 = arith.addf %add3A, %get3A_7 : vector<256x1024xf32>
    %swap3A = arith.constant 0 : index
    %swap3A_9 = arith.constant 0 : index
    %swap3A_10 = vector.load %arg4[%swap3A, %swap3A_9] : memref<256x1024xf32, #tpu.memory_space<vmem>>, vector<256x1024xf32>
    tpu.vector_store %arg4[%swap3A, %swap3A_9], %add3A_8 {strides = array<i32>} : memref<256x1024xf32, #tpu.memory_space<vmem>>, vector<256x1024xf32>,
    return
  }
  func.func @transform_0(%arg0: i32) -> (i32, i32) {
    %c0_i32 = arith.constant 0 : i32
    %c0_i32_0 = arith.constant 0 : i32
    return %arg0, %c0_i32 : i32, i32
  }
  func.func @transform_1(%arg0: i32) -> (i32, i32) {
    %c0_i32 = arith.constant 0 : i32
    %c0_i32_0 = arith.constant 0 : i32
    return %arg0, %c0_i32 : i32, i32
  }
  func.func @transform_2(%arg0: i32) -> (i32, i32) {
    %add3A = arith.constant 8 : i32
    %add3A_0 = arith.addi %arg0, %add3A : i32
    %c0_i32 = arith.constant 0 : i32
    %c0_i32_1 = arith.constant 0 : i32
    return %add3A_0, %c0_i32 : i32, i32
  }
  func.func @transform_3(%arg0: i32) -> (i32, i32) {
    %c0_i32 = arith.constant 0 : i32
    %c0_i32_0 = arith.constant 0 : i32
    return %arg0, %c0_i32 : i32, i32
  }
}

</mosaic_0001>

<sc_bundles>
// kernel: gather_offload_async_start.1
scs
__scs_entry_jumppad:
0x0: {  	(pc) =	sbr.rel $0x88, $3  }
0x1: {  	(tag) =	ssettag $0x0;
	lr =	simm.s32 $0x1  }
0x2: {  	[smem:$0x3F89] =	sst lr;
	_ =	strace $0xD0000000  }
0x3: {  	_ = 	snop  }
0x4: {  	_ = 	snop  }
0x5: {  	_ = 	snop  }
0x6: {  	_ = 	snop  }
0x7: {  	_ = 	snop  }
__scs_overlays_trampoline_lowered:
0x8: {  	[smem:$0x3F98] =	sst s0  }
0x9: {  	[smem:$0x3F99] =	sst s1  }
0xa: {  	[smem:$0x3F9A] =	sst s2  }
0xb: {  	[smem:$0x3F9B] =	sst s3  }
0xc: {  	[smem:$0x3F9C] =	sst s4  }
0xd: {  	[smem:$0x3F9D] =	sst s5  }
0xe: {  	[smem:$0x3F9E] =	sst s6  }
0xf: {  	[smem:$0x3F9F] =	sst s7  }
0x10: {  	[smem:$0x3FA0] =	sst s8  }
0x11: {  	[smem:$0x3FA1] =	sst s9;
	s0 =	simm.s32 @!p0 $0x0  }
0x12: {  	s1 =	sld [smem:$0x3F87];
	s0 =	simm.s32 @p0 $0x1  }
0x13: {  	[smem:$0x3FA2] =	sst s0;
	s0 =	simm.s32 @!p1 $0x0  }
0x14: {  	s2 =	sld [smem:$0x3F86];
	s0 =	simm.s32 @p1 $0x1  }
0x15: {  	[smem:$0x3FA3] =	sst s0;
	s0 =	simm.s32 @!p2 $0x0  }
0x16: {  	s3 =	sld [smem:$0x3FDB];
	s0 =	simm.s32 @p2 $0x1  }
0x17: {  	s4 =	simm.s32 $0x1BF5;
	[smem:$0x3FA5] =	sst s0  }
0x18: {  	s0 =	sld [smem:$0x3F88];
	_ =	swait.ge [sflag:s4], $0x0  }
0x19: {  	s7 =	sld [smem:$0x3F89]  }
0x1a: {  	s8 =	sadd.s32 $0xFFFFE003, lr  }
0x1b: {  	s9 =	sadd.s32 $0xFFFFFEF7, lr;
	s5 =	simm.s32 $0xFFFFFFFF;
	p2 =	slt.u32 s8, $0xFFFFF086  }
0x1c: {  	p1 =	slt.u32 s9, $0xF7A;
	s5 =	simm.s32 @!p2 $0x0  }
0x1d: {  	s5 =	simm.s32 @p1 $0x1;
	p0 =	seq.s32 s7, s2  }
0x1e: {  	s7 =	smul.u32 @!p0 $0xF7A, s2;
	p2 =	seq.s32 @!p0 s5, $0x0  }
0x1f: {  	s9 =	smul.u32 $0xF7A, s1;
	s8 =	simm.s32 @!p0 $0x1BF5;
	p2 =	por !p2, p0  }
0x20: {  	[sflag:s8] =	ssyncset.s32 @!p0 $0xFFFFF086;
	s6 =	sadd.s32 @!p0 s3, s7;
	s7 =	simm.s32 @!p0 $0x108  }
0x21: {  	s3 =	sadd.s32 s3, s9;
	s6 =	sadd.s32 @!p0 $0x88, s6;
	s7 =	simm.s32 @p2 $0x1082  }
0x22: {  	[simem:s7], [sflag:s8] =	dma.local @!p0 [hbm:s6], $0xF7A  }
0x23: {  	s9 =	sor.u32 $0xD0000000, s2;
	s6 =	simm.s32 $0x108;
	_ =	swait.ge @!p0 [sflag:s8], $0x0  }
0x24: {  	s3 =	sadd.s32 $0x88, s3;
	s6 =	simm.s32 @!p1 $0x1082;
	[sflag:s4] =	ssyncset.s32 $0xFFFFF086  }
0x25: {  	[simem:s6], [sflag:s4] =	dma.local [hbm:s3], $0xF7A  }
0x26: {  	[smem:$0x3F89] =	sst s1;
	(tag) =	ssettag s2;
	_ =	strace s9  }
0x27: {  	s1 =	sld [smem:$0x3F99]  }
0x28: {  	s2 =	sld [smem:$0x3F9A]  }
0x29: {  	s4 =	sld [smem:$0x3F9C]  }
0x2a: {  	p0 =	seq.s32 s5, $0x0;
	s5 =	sld [smem:$0x3F9D]  }
0x2b: {  	s6 =	sld [smem:$0x3F9E]  }
0x2c: {  	s7 =	sld [smem:$0x3F9F]  }
0x2d: {  	s3 =	simm.s32 $0x108;
	s8 =	sld [smem:$0x3FA0]  }
0x2e: {  	s3 =	simm.s32 @!p0 $0x1082;
	s9 =	sld [smem:$0x3FA1]  }
0x2f: {  	lr =	sadd.s32 s0, s3;
	s0 =	sld [smem:$0x3F98]  }
0x30: {  	s3 =	sld [smem:$0x3F9B]  }
0x31: {  	[smem:$0x3FA4] =	sst s10  }
0x32: {  	s10 =	sld [smem:$0x3FA2];
	_ =	sdelay $0x3  }
0x33: {  	p0 =	seq.s32 s10, $0x1;
	s10 =	sld [smem:$0x3FA4];
	_ =	sdelay $0x3  }
0x34: {  	[smem:$0x3FA4] =	sst s10  }
0x35: {  	s10 =	sld [smem:$0x3FA3];
	_ =	sdelay $0x3  }
0x36: {  	p1 =	seq.s32 s10, $0x1;
	s10 =	sld [smem:$0x3FA4];
	_ =	sdelay $0x3  }
0x37: {  	[smem:$0x3FA4] =	sst s10  }
0x38: {  	s10 =	sld [smem:$0x3FA5]  }
0x39: {  	_ = 	snop;
	(pc) =	sbr.ind lr, $3  }
0x3a: {  	_ = 	snop  }
0x3b: {  	_ = 	snop  }
0x3c: {  	p2 =	seq.s32 s10, $0x1;
	s10 =	sld [smem:$0x3FA4]  }
0x3d: {  	_ =	shalt  }
0x3e: {  	_ =	shalt  }
0x3f: {  	_ =	shalt  }
0x40: {  	_ =	shalt  }
0x41: {  	_ =	shalt  }
0x42: {  	_ =	shalt  }
0x43: {  	_ =	shalt  }
0x44: {  	_ =	shalt  }
0x45: {  	_ =	shalt  }
0x46: {  	_ =	shalt  }
0x47: {  	_ =	shalt  }
0x48: {  	_ =	shalt  }
0x49: {  	_ =	shalt  }
0x4a: {  	_ =	shalt  }
0x4b: {  	_ =	shalt  }
0x4c: {  	_ =	shalt  }
0x4d: {  	_ =	shalt  }
0x4e: {  	_ =	shalt  }
0x4f: {  	_ =	shalt  }
0x50: {  	_ =	shalt  }
0x51: {  	_ =	shalt  }
0x52: {  	_ =	shalt  }
0x53: {  	_ =	shalt  }
0x54: {  	_ =	shalt  }
0x55: {  	_ =	shalt  }
0x56: {  	_ =	shalt  }
0x57: {  	_ =	shalt  }
0x58: {  	_ =	shalt  }
0x59: {  	_ =	shalt  }
0x5a: {  	_ =	shalt  }
0x5b: {  	_ =	shalt  }
0x5c: {  	_ =	shalt  }
0x5d: {  	_ =	shalt  }
0x5e: {  	_ =	shalt  }
0x5f: {  	_ =	shalt  }
0x60: {  	_ =	shalt  }
0x61: {  	_ =	shalt  }
0x62: {  	_ =	shalt  }
0x63: {  	_ =	shalt  }
0x64: {  	_ =	shalt  }
0x65: {  	_ =	shalt  }
0x66: {  	_ =	shalt  }
0x67: {  	_ =	shalt  }
0x68: {  	_ =	shalt  }
0x69: {  	_ =	shalt  }
0x6a: {  	_ =	shalt  }
0x6b: {  	_ =	shalt  }
0x6c: {  	_ =	shalt  }
0x6d: {  	_ =	shalt  }
0x6e: {  	_ =	shalt  }
0x6f: {  	_ =	shalt  }
0x70: {  	_ =	shalt  }
0x71: {  	_ =	shalt  }
0x72: {  	_ =	shalt  }
0x73: {  	_ =	shalt  }
0x74: {  	_ =	shalt  }
0x75: {  	_ =	shalt  }
0x76: {  	_ =	shalt  }
0x77: {  	_ =	shalt  }
0x78: {  	_ =	shalt  }
0x79: {  	_ =	shalt  }
0x7a: {  	_ =	shalt  }
0x7b: {  	_ =	shalt  }
0x7c: {  	_ =	shalt  }
0x7d: {  	_ =	shalt  }
0x7e: {  	_ =	shalt  }
0x7f: {  	_ =	shalt  }
0x80: {  	_ =	shalt  }
0x81: {  	_ =	shalt  }
0x82: {  	_ =	shalt  }
0x83: {  	_ =	shalt  }
0x84: {  	_ =	shalt  }
0x85: {  	_ =	shalt  }
0x86: {  	_ =	shalt  }
0x87: {  	_ =	shalt  }
.Lfunc_end0:
.L_simem_size_0:
called_computation.2_lowered:
.L_overlay_start_0:
0x88: {  	s2 =	sld [smem:$0x3FD9]  }
0x89: {  	s3 =	sld [smem:$0x3FFE];
	_ =	sdelay $0x1  }
0x8a: {  	s1 =	srdreg.scid  }
0x8b: {  	s0 =	sand.u32 $0x1, s1  }
0x8c: {  	s14 =	sshll.u32 s0, $0xA;
	s2 =	sadd.s32 s3, s2  }
0x8d: {  	s2 =	sadd.s32 s2, s14  }
0x8e: {  	[smem:$0x3FB0] =	sst s2  }
0x8f: {  	_ = 	snop  }
0x90: {  	s2 =	sld [smem:$0x3FD0];
	_ =	sdelay $0x2  }
0x91: {  	s15 =	simm.s32 $0xB;
	s4 =	simm.s32 $0x10  }
0x92: {  	[smem:s4], [sflag:s15] =	dma.local [hbm:s2], $0x1  }
0x93: {  	_ =	swait.eq [sflag:s15], $0x1  }
0x94: {  	[sflag:s15] =	ssyncset.done $0x0  }
0x95: {  	[sflag:s15] =	ssyncadd.s32 $0xFFFFFFFF  }
0x96: {  	s16 =	sld [smem:$0x11];
	(tm) =	ssettm $0x1  }
0x97: {  	s17 =	sld [smem:$0x3FFB];
	_ =	sdelay $0x3  }
0x98: {  	_ =	strace s17  }
0x99: {  	s3 =	sld [smem:$0x3FFC];
	_ =	sdelay $0x3  }
0x9a: {  	_ =	strace s3  }
0x9b: {  	s3 =	sld [smem:$0x3FFD];
	_ =	sdelay $0x3  }
0x9c: {  	_ =	strace s3  }
0x9d: {  	_ =	strace $0x8FFFFFFF  }
0x9e: {  	s18 =	sld [smem:$0x3FDB];
	_ =	sdelay $0x1  }
0x9f: {  	s19 =	simm.s32 $_scs_section_size  }
0xa0: {  	s5 =	simm.s32 $_size__tile_overlayer_lowered;
	s6 =	simm.s32 $_tile_overlayer_lowered  }
0xa1: {  	s22 =	simm.s32 $0x1BFF;
	s21 =	sshll.u32 s6, $0x1;
	s3 =	sadd.s32 s19, s18  }
0xa2: {  	s7 =	simm.s32 $0x0;
	s20 =	sshll.u32 s5, $0x1;
	s5 =	sadd.s32 s21, s3  }
0xa3: {  	[timem:s7], [sflag:s22] =	dma.local [hbm:s5], s20  }
0xa4: {  	_ =	swait.ge [sflag:s22], s20  }
0xa5: {  	s4 =	ssub.s32 $0x0, s20;
	[sflag:s22] =	ssyncset.done $0x0  }
0xa6: {  	[sflag:s22] =	ssyncadd.s32 s4;
	_ =	sdelay $0x1  }
0xa7: {  	s23 =	simm.s32 $0x1B8B  }
0xa8: {  	_ =	swait.ge [sflag:s23], $0x1  }
0xa9: {  	[sflag:s23] =	ssyncset.done $0x0  }
0xaa: {  	s25 =	simm.s32 $0x1B8E;
	s24 =	sld [smem:$0x3FFE];
	[sflag:s23] =	ssyncadd.s32 $0xFFFFFFFF  }
0xab: {  	s26 =	simm.s32 $execute0_lowered;
	[smem:$0x3FD2] =	sst s25  }
0xac: {  	s5 =	sshll.u32 s26, $0x1;
	_ =	strace $0x8000004C;
	[dreg:$0x1] =	wrdreg $0xFFFFFFFF  }
0xad: {  	s28 =	simm.s32 $_size_execute0_lowered;
	s3 =	sadd.s32 s3, s5;
	[dreg:$0x0] =	wrdreg $0x0  }
0xae: {  	s5 =	sshll.u32 s28, $0x1;
	[dreg:$0x2] =	wrdreg s3  }
0xaf: {  	[dreg:$0x3] =	wrdreg s5  }
0xb0: {  	[dreg:$0x4] =	wrdreg $0xC0  }
0xb1: {  	_ =	task [dreg:s7], $0x5FFFF  }
0xb2: {  	[dreg:$0x1] =	wrdreg $0xFFFFFFFF  }
0xb3: {  	[dreg:$0x0] =	wrdreg $0x60  }
0xb4: {  	[dreg:$0x2] =	wrdreg s24  }
0xb5: {  	[dreg:$0x3] =	wrdreg s16  }
0xb6: {  	[dreg:$0x4] =	wrdreg $0x9  }
0xb7: {  	_ =	task.clear_ibuf [dreg:s7], $0x5FFFF;
	_ =	strace $0x9000004C  }
0xb8: {  	s29 =	simm.s32 $0x9;
	_ =	strace $0x8000004E  }
0xb9: {  	_ =	swait.ge [sflag:s29], $0x1  }
0xba: {  	[sflag:s29] =	ssyncadd.s32 $0xFFFFFFFF  }
0xbb: {  	_ =	strace $0x9000004E  }
0xbc: {  	_ =	sfence  }
0xbd: {  	s30 =	sld [smem:$0x0];
	_ =	sdelay $0x2  }
0xbe: {  	s31 =	sshll.u32 s1, $0xD;
	s1 =	sshrl.u32 s1, $0x2  }
0xbf: {  	s3 =	sand.u32 $0x4000, s31;
	s1 =	sadd.s32 s1, s30  }
0xc0: {  	s0 =	sor.u32 s3, s0;
	s1 =	sshll.u32 s1, $0x11  }
0xc1: {  	s0 =	sor.u32 s1, s0  }
0xc2: {  	s0 =	sadd.s32 $0x8F2B, s0  }
0xc3: {  	[sflag:s0] =	ssyncadd.remote.s32 $0x1  }
0xc4: {  	_ =	sfence.sel $0xFFFF  }
0xc5: {  	[dreg:$0x0] =	wrdreg $0xFFFFFFFF;
	(pc) =	sbr.abs _section_cstart, $3  }
0xc6: {  	[dreg:$0x1] =	wrdreg $0xFFFFFFFF  }
0xc7: {  	_ =	task.clear_ibuf [dreg:s7], $0x2FFFF;
	_ =	strace $0x9FFFFFFF  }
0xc8: {  	(tm) =	ssettm $0x7FFFFFFF  }
0xc9: {  	_ =	shalt  }
tec
execute0_lowered:
.L_overlay_start_1:
0x0: {  	(tag) =	ssettag $0x1  }
0x1: {  	s1 =	srdreg.scid;
	s5 =	rddreg [dreg:$0x0]  }
0x2: {  	s0 =	stileid.u32;
	s2 =	rddreg [dreg:$0x1];
	s6 =	simm.s32 $0x1  }
0x3: {  	s9 =	simm.s32 $0x1;
	s10 =	simm.s32 $0x3;
	s1 =	sshll.u32 s1, $0x6  }
0x4: {  	s13 =	simm.s32 $0x0;
	s3 =	sshll.u32 s0, $0x7;
	s4 =	sand.u32 $0x40, s1  }
0x5: {  	s12 =	simm.s32 $0x0;
	s1 =	rddreg [dreg:$0x2];
	s3 =	sor.u32 s3, s4  }
0x6: {  	_ =	strace $0x8000004D;
	s4 =	sadd.s32 $0x51600, s5;
	s8 =	ssub.s32 $0x1000, s3  }
.Ltmp0:
0x7: {  	s5 =	sadd.s32 $0x51400, s5;
	s7 =	sand.u32 $0x7C0, s8;
	(pc) =	sbr.rel .LBB2_1-.Ltmp0, $4  }
0x8: {  	[sflag:s6] =	ssyncpa.u1 $0x0;
	s11 =	smov.u32 s3;
	p0 =	sne.s32 s7, $0x0  }
0x9: {  	s8 =	sshrl.u32 s8, $0xB;
	s7 =	simm.s32 $0x2;
	s9 =	simm.s32 @!p0 $0x0  }
0xa: {  	[sflag:s7] =	ssyncpa.u1 $0x0;
	p0 =	por $0x0, $0x0;
	s8 =	sadd.s32 s9, s8  }
0xb: {  	vm0 =	vmmov $0xffff;
	[sflag:s10] =	ssyncpa.u1 $0x0;
	s10 =	simm.s32 $0x0;
	s9 =	sadd.s32 $0x1, s8  }
.LBB2_4:
0xc: {  	v2 =	vnsel vm1, $0x0, v2  }
0xd: {  	vm1 =	vgt.s32 v0, $0x0;
	v2 =	vmin.u32 v2, $0xFFF  }
0xe: {  	v0 =	vnsel vm1, $0x0, v0  }
0xf: {  	v0 =	vmin.u32 v0, $0xFFF  }
0x10: {  	[tilespmem:s15], [sflag:$0x1] =	stream.indirect_vreg.gather [hbm4b:s4+s10], $0x1, v1, vm0, $0x4038;
	[tilespmem:$0x100] =	vst v63  }
0x11: {  	(ifvalue) =	ssetifvalue $0x7FFFFFFF  }
0x12: {  	[tilespmem:s16], [sflag:$0x1] =	stream.indirect_vreg.gather [hbm4b:s4+s10], $0x1, v2, vm0, $0x4038;
	[tilespmem:$0x100] =	vst v63  }
0x13: {  	s29 =	sadd.s32 $0x10, s16;
	(ifvalue) =	ssetifvalue $0x7FFFFFFF  }
0x14: {  	[tilespmem:s29], [sflag:$0x1] =	stream.indirect_vreg.gather [hbm4b:s4+s10], $0x1, v0, vm0, $0x4038;
	[tilespmem:$0x100] =	vst v63  }
0x15: {  	_ =	swait.ge [sflag:s6], $0x40  }
0x16: {  	s30 =	sshrl.u32 s13, $0x3;
	[sflag:s6] =	ssyncset.done $0x0  }
0x17: {  	s31 =	sand.u32 $0x7, s13;
	s15 =	sadd.s32 s2, s30;
	[sflag:s6] =	ssyncadd.s32 $0xFFFFFFC0  }
0x18: {  	[hbm4b:s15+s31] =	stream.linear.scatter [tilespmem:s14], [sflag:$0x3], $0x40, $0x38;
	[tilespmem:$0x100] =	vst v63  }
.LBB2_5:
0x19: {  	s15 =	sadd.s32 $0x800, s11  }
0x1a: {  	p2 =	sgt.s32 s15, $0xFFF  }
0x1b: {  	s15 =	smov.u32 @p2 s3;
	p2 =	sne.s32 s12, s9  }
.Ltmp1:
0x1c: {  	p1 =	slt.u32 s12, $0x2;
	(pc) =	sbr.rel @!p2 .LBB2_6-.Ltmp1, $4  }
0x1d: {  	s14 =	simm.s32 @!p1 $0x3  }
0x1e: {  	s16 =	sadd.s32 $0x1, s12;
	_ =	swait.ge @!p1 [sflag:s14], $0x40  }
0x1f: {  	s13 =	smov.u32 s11;
	p0 =	por !p0, !p0;
	[sflag:s14] =	ssyncset.done @!p1 $0x0  }
0x20: {  	s12 =	smov.u32 s16;
	s11 =	smov.u32 s15;
	[sflag:s14] =	ssyncadd.s32 @!p1 $0xFFFFFFC0  }
.LBB2_1:
0x21: {  	p1 =	sge.u32 s12, s8  }
0x22: {  	s14 =	sxor.u32 @!p1 $0xFFFFFFFF, s12  }
0x23: {  	s31 =	sadd.s32 $0xFFFFFFFF, s12;
	s15 =	sshrl.u32 @!p1 s11, $0x3;
	s14 =	sshll.u32 @!p1 s14, $0x6  }
0x24: {  	s16 =	sand.u32 @!p1 $0x7, s11;
	s15 =	sadd.s32 @!p1 s5, s15;
	s14 =	sand.u32 @!p1 $0x40, s14  }
0x25: {  	[tilespmem:s14], [sflag:$0x2] =	stream.linear.gather @!p1 [hbm4b:s15+s16], $0x40, $0x38;
	[tilespmem:$0x100] =	vst v63  }
0x26: {  	p1 =	sge.u32 s31, s8  }
.Ltmp2:
0x27: {  	_ = 	snop;
	(pc) =	sbr.rel @p1 .LBB2_5-.Ltmp2, $1  }
0x28: {  	_ =	sdelay $0x3  }
0x29: {  	s14 =	simm.s32 $0x1  }
0x2a: {  	_ =	swait.ge [sflag:s7], $0x40;
	s14 =	simm.s32 @!p0 $0x0  }
0x2b: {  	[sflag:s7] =	ssyncset.done $0x0;
	s14 =	sshll.u32 s14, $0x6  }
0x2c: {  	[sflag:s7] =	ssyncadd.s32 $0xFFFFFFC0;
	(ifvalue) =	ssetifvalue $0x7FFFFFFF;
	v0 =	vld.msk [tilespmem:s14+$0x0 ss:$0x1], $0xffff;
	_ =	sdelay $0x4  }
0x2d: {  	s15 =	sadd.s32 $0x10, s14;
	vm1 =	vgt.s32 v0, $0x0  }
0x2e: {  	v2 =	vld.msk [tilespmem:s15+$0x0 ss:$0x1], $0xffff;
	v1 =	vnsel vm1, $0x0, v0  }
0x2f: {  	v1 =	vmin.u32 v1, $0xFFF;
	_ =	sdelay $0x1  }
0x30: {  	s16 =	sshll.u32 s12, $0x6;
	s18 =	simm.s32 $0x20  }
0x31: {  	s16 =	sand.u32 $0x40, s16;
	s17 =	sadd.s32 $0x10, s15;
	s15 =	sor.u32 $0x80, s14  }
0x32: {  	s14 =	sor.u32 $0x80, s16;
	s16 =	sadd.s32 $0x10, s15;
	v0 =	vld.msk [tilespmem:s17+$0x0 ss:$0x1], $0xffff;
	vm1 =	vgt.s32 v2, $0x0;
	(ifvalue) =	ssetifvalue $0x7FFFFFFF  }
.LBB2_3:
0x33: {  	[tilespmem:s15], [sflag:$0x1] =	stream.indirect_vreg.gather [hbm4b:s4+s10], $0x1, v1, vm0, $0x4038;
	[tilespmem:$0x100] =	vst v63  }
0x34: {  	s18 =	sadd.s32 $0x10, s18  }
0x35: {  	v2 =	vnsel vm1, $0x0, v2;
	p1 =	slt.u32 s18, $0x30  }
.Ltmp3:
0x36: {  	s15 =	smov.u32 s16;
	v1 =	vmin.u32 v2, $0xFFF;
	(pc) =	sbr.rel @p1 .LBB2_3-.Ltmp3, $3  }
0x37: {  	_ =	sdelay $0x1  }
0x38: {  	s17 =	sadd.s32 $0x10, s17  }
0x39: {  	vm1 =	vgt.s32 v0, $0x0;
	s16 =	sadd.s32 $0x10, s16;
	v2 =	vmov v0;
	(ifvalue) =	ssetifvalue $0x7FFFFFFF;
	v0 =	vld.msk [tilespmem:s17+$0x0 ss:$0x1], $0xffff  }
.Ltmp4:
0x3a: {  	_ = 	snop;
	(pc) =	sbr.rel .LBB2_4-.Ltmp4, $1  }
0x3b: {  	_ =	sdelay $0x3  }
.LBB2_6:
0x3c: {  	_ =	sfence.sel $0x180000  }
0x3d: {  	s2 =	simm.s32 $0x2;
	[bflag:$0x0] =	sbarrier.arrive $0xFFFF  }
0x3e: {  	s30 =	simm.s32 $0x3;
	[sflag:s2] =	ssyncpa.u1 $0x1  }
0x3f: {  	s31 =	simm.s32 $0x1;
	[sflag:s30] =	ssyncpa.u1 $0x1  }
0x40: {  	[sflag:s31] =	ssyncpa.u1 $0x1  }
0x41: {  	p0 =	sne.s32 s0, $0x0;
	_ =	strace $0x9000004D  }
0x42: {  	s0 =	sadd.s32 @!p0 $0x100000, s1;
	[bflag:$0x2] =	sbarrier.arrive $0xFFFF  }
0x43: {  	[sflag:s0] =	ssyncadd.tile.s32 @!p0 $0x1;
	_ =	shalt  }
.Lfunc_end2:
_tile_overlayer_lowered:
.L_overlay_start_2:
0x44: {  	(tag) =	ssettag $0x2  }
0x45: {  	s0 =	rddreg [dreg:$0x0];
	s2 =	stileid.u32  }
0x46: {  	s1 =	rddreg [dreg:$0x1];
	p0 =	sne.s32 s2, $0x0  }
0x47: {  	s3 =	rddreg [dreg:$0x2];
	[bflag:$0x3] =	sbarrier.arrive $0xFFFF;
	s2 =	simm.s32 @!p0 $0x1C01  }
0x48: {  	[timem:s3], [sflag:s2] =	dma.local @!p0 [hbm:s0], s1  }
0x49: {  	s0 =	simm.s32 @!p0 $0x1  }
0x4a: {  	_ =	swait.ge @!p0 [sflag:s0], s1  }
0x4b: {  	s1 =	ssub.s32 @!p0 $0x0, s1;
	[sflag:s0] =	ssyncset.done @!p0 $0x0  }
0x4c: {  	[sflag:s0] =	ssyncadd.s32 @!p0 s1  }
0x4d: {  	[bflag:$0x3] =	sbarrier.arrive $0xFFFF  }
0x4e: {  	_ =	shalt  }

// kernel: gather_offload_async_start.2
scs
__scs_entry_jumppad:
0x0: {  	(pc) =	sbr.rel $0x88, $3  }
0x1: {  	(tag) =	ssettag $0x0;
	lr =	simm.s32 $0x1  }
0x2: {  	[smem:$0x3F89] =	sst lr;
	_ =	strace $0xD0000000  }
0x3: {  	_ = 	snop  }
0x4: {  	_ = 	snop  }
0x5: {  	_ = 	snop  }
0x6: {  	_ = 	snop  }
0x7: {  	_ = 	snop  }
__scs_overlays_trampoline_lowered:
0x8: {  	[smem:$0x3F98] =	sst s0  }
0x9: {  	[smem:$0x3F99] =	sst s1  }
0xa: {  	[smem:$0x3F9A] =	sst s2  }
0xb: {  	[smem:$0x3F9B] =	sst s3  }
0xc: {  	[smem:$0x3F9C] =	sst s4  }
0xd: {  	[smem:$0x3F9D] =	sst s5  }
0xe: {  	[smem:$0x3F9E] =	sst s6  }
0xf: {  	[smem:$0x3F9F] =	sst s7  }
0x10: {  	[smem:$0x3FA0] =	sst s8  }
0x11: {  	[smem:$0x3FA1] =	sst s9;
	s0 =	simm.s32 @!p0 $0x0  }
0x12: {  	s1 =	sld [smem:$0x3F87];
	s0 =	simm.s32 @p0 $0x1  }
0x13: {  	[smem:$0x3FA2] =	sst s0;
	s0 =	simm.s32 @!p1 $0x0  }
0x14: {  	s2 =	sld [smem:$0x3F86];
	s0 =	simm.s32 @p1 $0x1  }
0x15: {  	[smem:$0x3FA3] =	sst s0;
	s0 =	simm.s32 @!p2 $0x0  }
0x16: {  	s3 =	sld [smem:$0x3FDB];
	s0 =	simm.s32 @p2 $0x1  }
0x17: {  	s4 =	simm.s32 $0x1BF5;
	[smem:$0x3FA5] =	sst s0  }
0x18: {  	s0 =	sld [smem:$0x3F88];
	_ =	swait.ge [sflag:s4], $0x0  }
0x19: {  	s7 =	sld [smem:$0x3F89]  }
0x1a: {  	s8 =	sadd.s32 $0xFFFFE003, lr  }
0x1b: {  	s9 =	sadd.s32 $0xFFFFFEF7, lr;
	s5 =	simm.s32 $0xFFFFFFFF;
	p2 =	slt.u32 s8, $0xFFFFF086  }
0x1c: {  	p1 =	slt.u32 s9, $0xF7A;
	s5 =	simm.s32 @!p2 $0x0  }
0x1d: {  	s5 =	simm.s32 @p1 $0x1;
	p0 =	seq.s32 s7, s2  }
0x1e: {  	s7 =	smul.u32 @!p0 $0xF7A, s2;
	p2 =	seq.s32 @!p0 s5, $0x0  }
0x1f: {  	s9 =	smul.u32 $0xF7A, s1;
	s8 =	simm.s32 @!p0 $0x1BF5;
	p2 =	por !p2, p0  }
0x20: {  	[sflag:s8] =	ssyncset.s32 @!p0 $0xFFFFF086;
	s6 =	sadd.s32 @!p0 s3, s7;
	s7 =	simm.s32 @!p0 $0x108  }
0x21: {  	s3 =	sadd.s32 s3, s9;
	s6 =	sadd.s32 @!p0 $0x88, s6;
	s7 =	simm.s32 @p2 $0x1082  }
0x22: {  	[simem:s7], [sflag:s8] =	dma.local @!p0 [hbm:s6], $0xF7A  }
0x23: {  	s9 =	sor.u32 $0xD0000000, s2;
	s6 =	simm.s32 $0x108;
	_ =	swait.ge @!p0 [sflag:s8], $0x0  }
0x24: {  	s3 =	sadd.s32 $0x88, s3;
	s6 =	simm.s32 @!p1 $0x1082;
	[sflag:s4] =	ssyncset.s32 $0xFFFFF086  }
0x25: {  	[simem:s6], [sflag:s4] =	dma.local [hbm:s3], $0xF7A  }
0x26: {  	[smem:$0x3F89] =	sst s1;
	(tag) =	ssettag s2;
	_ =	strace s9  }
0x27: {  	s1 =	sld [smem:$0x3F99]  }
0x28: {  	s2 =	sld [smem:$0x3F9A]  }
0x29: {  	s4 =	sld [smem:$0x3F9C]  }
0x2a: {  	p0 =	seq.s32 s5, $0x0;
	s5 =	sld [smem:$0x3F9D]  }
0x2b: {  	s6 =	sld [smem:$0x3F9E]  }
0x2c: {  	s7 =	sld [smem:$0x3F9F]  }
0x2d: {  	s3 =	simm.s32 $0x108;
	s8 =	sld [smem:$0x3FA0]  }
0x2e: {  	s3 =	simm.s32 @!p0 $0x1082;
	s9 =	sld [smem:$0x3FA1]  }
0x2f: {  	lr =	sadd.s32 s0, s3;
	s0 =	sld [smem:$0x3F98]  }
0x30: {  	s3 =	sld [smem:$0x3F9B]  }
0x31: {  	[smem:$0x3FA4] =	sst s10  }
0x32: {  	s10 =	sld [smem:$0x3FA2];
	_ =	sdelay $0x3  }
0x33: {  	p0 =	seq.s32 s10, $0x1;
	s10 =	sld [smem:$0x3FA4];
	_ =	sdelay $0x3  }
0x34: {  	[smem:$0x3FA4] =	sst s10  }
0x35: {  	s10 =	sld [smem:$0x3FA3];
	_ =	sdelay $0x3  }
0x36: {  	p1 =	seq.s32 s10, $0x1;
	s10 =	sld [smem:$0x3FA4];
	_ =	sdelay $0x3  }
0x37: {  	[smem:$0x3FA4] =	sst s10  }
0x38: {  	s10 =	sld [smem:$0x3FA5]  }
0x39: {  	_ = 	snop;
	(pc) =	sbr.ind lr, $3  }
0x3a: {  	_ = 	snop  }
0x3b: {  	_ = 	snop  }
0x3c: {  	p2 =	seq.s32 s10, $0x1;
	s10 =	sld [smem:$0x3FA4]  }
0x3d: {  	_ =	shalt  }
0x3e: {  	_ =	shalt  }
0x3f: {  	_ =	shalt  }
0x40: {  	_ =	shalt  }
0x41: {  	_ =	shalt  }
0x42: {  	_ =	shalt  }
0x43: {  	_ =	shalt  }
0x44: {  	_ =	shalt  }
0x45: {  	_ =	shalt  }
0x46: {  	_ =	shalt  }
0x47: {  	_ =	shalt  }
0x48: {  	_ =	shalt  }
0x49: {  	_ =	shalt  }
0x4a: {  	_ =	shalt  }
0x4b: {  	_ =	shalt  }
0x4c: {  	_ =	shalt  }
0x4d: {  	_ =	shalt  }
0x4e: {  	_ =	shalt  }
0x4f: {  	_ =	shalt  }
0x50: {  	_ =	shalt  }
0x51: {  	_ =	shalt  }
0x52: {  	_ =	shalt  }
0x53: {  	_ =	shalt  }
0x54: {  	_ =	shalt  }
0x55: {  	_ =	shalt  }
0x56: {  	_ =	shalt  }
0x57: {  	_ =	shalt  }
0x58: {  	_ =	shalt  }
0x59: {  	_ =	shalt  }
0x5a: {  	_ =	shalt  }
0x5b: {  	_ =	shalt  }
0x5c: {  	_ =	shalt  }
0x5d: {  	_ =	shalt  }
0x5e: {  	_ =	shalt  }
0x5f: {  	_ =	shalt  }
0x60: {  	_ =	shalt  }
0x61: {  	_ =	shalt  }
0x62: {  	_ =	shalt  }
0x63: {  	_ =	shalt  }
0x64: {  	_ =	shalt  }
0x65: {  	_ =	shalt  }
0x66: {  	_ =	shalt  }
0x67: {  	_ =	shalt  }
0x68: {  	_ =	shalt  }
0x69: {  	_ =	shalt  }
0x6a: {  	_ =	shalt  }
0x6b: {  	_ =	shalt  }
0x6c: {  	_ =	shalt  }
0x6d: {  	_ =	shalt  }
0x6e: {  	_ =	shalt  }
0x6f: {  	_ =	shalt  }
0x70: {  	_ =	shalt  }
0x71: {  	_ =	shalt  }
0x72: {  	_ =	shalt  }
0x73: {  	_ =	shalt  }
0x74: {  	_ =	shalt  }
0x75: {  	_ =	shalt  }
0x76: {  	_ =	shalt  }
0x77: {  	_ =	shalt  }
0x78: {  	_ =	shalt  }
0x79: {  	_ =	shalt  }
0x7a: {  	_ =	shalt  }
0x7b: {  	_ =	shalt  }
0x7c: {  	_ =	shalt  }
0x7d: {  	_ =	shalt  }
0x7e: {  	_ =	shalt  }
0x7f: {  	_ =	shalt  }
0x80: {  	_ =	shalt  }
0x81: {  	_ =	shalt  }
0x82: {  	_ =	shalt  }
0x83: {  	_ =	shalt  }
0x84: {  	_ =	shalt  }
0x85: {  	_ =	shalt  }
0x86: {  	_ =	shalt  }
0x87: {  	_ =	shalt  }
.Lfunc_end0:
.L_simem_size_0:
called_computation.3_lowered:
.L_overlay_start_0:
0x88: {  	s2 =	sld [smem:$0x3FD9]  }
0x89: {  	s3 =	sld [smem:$0x3FFE];
	_ =	sdelay $0x1  }
0x8a: {  	s1 =	srdreg.scid  }
0x8b: {  	s0 =	sand.u32 $0x1, s1  }
0x8c: {  	s14 =	sshll.u32 s0, $0xA;
	s2 =	sadd.s32 s3, s2  }
0x8d: {  	s2 =	sadd.s32 s2, s14  }
0x8e: {  	[smem:$0x3FB0] =	sst s2  }
0x8f: {  	_ = 	snop  }
0x90: {  	s2 =	sld [smem:$0x3FD0];
	_ =	sdelay $0x2  }
0x91: {  	s15 =	simm.s32 $0xB;
	s4 =	simm.s32 $0x10  }
0x92: {  	[smem:s4], [sflag:s15] =	dma.local [hbm:s2], $0x1  }
0x93: {  	_ =	swait.eq [sflag:s15], $0x1  }
0x94: {  	[sflag:s15] =	ssyncset.done $0x0  }
0x95: {  	[sflag:s15] =	ssyncadd.s32 $0xFFFFFFFF  }
0x96: {  	s16 =	sld [smem:$0x11];
	(tm) =	ssettm $0x1  }
0x97: {  	s17 =	sld [smem:$0x3FFB];
	_ =	sdelay $0x3  }
0x98: {  	_ =	strace s17  }
0x99: {  	s3 =	sld [smem:$0x3FFC];
	_ =	sdelay $0x3  }
0x9a: {  	_ =	strace s3  }
0x9b: {  	s3 =	sld [smem:$0x3FFD];
	_ =	sdelay $0x3  }
0x9c: {  	_ =	strace s3  }
0x9d: {  	_ =	strace $0x8FFFFFFF  }
0x9e: {  	s18 =	sld [smem:$0x3FDB];
	_ =	sdelay $0x1  }
0x9f: {  	s19 =	simm.s32 $_scs_section_size  }
0xa0: {  	s5 =	simm.s32 $_size__tile_overlayer_lowered;
	s6 =	simm.s32 $_tile_overlayer_lowered  }
0xa1: {  	s22 =	simm.s32 $0x1BFF;
	s21 =	sshll.u32 s6, $0x1;
	s3 =	sadd.s32 s19, s18  }
0xa2: {  	s7 =	simm.s32 $0x0;
	s20 =	sshll.u32 s5, $0x1;
	s5 =	sadd.s32 s21, s3  }
0xa3: {  	[timem:s7], [sflag:s22] =	dma.local [hbm:s5], s20  }
0xa4: {  	_ =	swait.ge [sflag:s22], s20  }
0xa5: {  	s4 =	ssub.s32 $0x0, s20;
	[sflag:s22] =	ssyncset.done $0x0  }
0xa6: {  	[sflag:s22] =	ssyncadd.s32 s4;
	_ =	sdelay $0x1  }
0xa7: {  	s23 =	simm.s32 $0x1B8B  }
0xa8: {  	_ =	swait.ge [sflag:s23], $0x1  }
0xa9: {  	[sflag:s23] =	ssyncset.done $0x0  }
0xaa: {  	s25 =	simm.s32 $0x1B8E;
	s24 =	sld [smem:$0x3FFE];
	[sflag:s23] =	ssyncadd.s32 $0xFFFFFFFF  }
0xab: {  	s26 =	simm.s32 $execute0_lowered;
	[smem:$0x3FD2] =	sst s25  }
0xac: {  	s5 =	sshll.u32 s26, $0x1;
	_ =	strace $0x8000004F;
	[dreg:$0x1] =	wrdreg $0xFFFFFFFF  }
0xad: {  	s28 =	simm.s32 $_size_execute0_lowered;
	s3 =	sadd.s32 s3, s5;
	[dreg:$0x0] =	wrdreg $0x0  }
0xae: {  	s5 =	sshll.u32 s28, $0x1;
	[dreg:$0x2] =	wrdreg s3  }
0xaf: {  	[dreg:$0x3] =	wrdreg s5  }
0xb0: {  	[dreg:$0x4] =	wrdreg $0xC0  }
0xb1: {  	_ =	task [dreg:s7], $0x5FFFF  }
0xb2: {  	[dreg:$0x1] =	wrdreg $0xFFFFFFFF  }
0xb3: {  	[dreg:$0x0] =	wrdreg $0x60  }
0xb4: {  	[dreg:$0x2] =	wrdreg s24  }
0xb5: {  	[dreg:$0x3] =	wrdreg s16  }
0xb6: {  	[dreg:$0x4] =	wrdreg $0x9  }
0xb7: {  	_ =	task.clear_ibuf [dreg:s7], $0x5FFFF;
	_ =	strace $0x9000004F  }
0xb8: {  	s29 =	simm.s32 $0x9;
	_ =	strace $0x80000051  }
0xb9: {  	_ =	swait.ge [sflag:s29], $0x1  }
0xba: {  	[sflag:s29] =	ssyncadd.s32 $0xFFFFFFFF  }
0xbb: {  	_ =	strace $0x90000051  }
0xbc: {  	_ =	sfence  }
0xbd: {  	s30 =	sld [smem:$0x0];
	_ =	sdelay $0x2  }
0xbe: {  	s31 =	sshll.u32 s1, $0xD;
	s1 =	sshrl.u32 s1, $0x2  }
0xbf: {  	s3 =	sand.u32 $0x4000, s31;
	s1 =	sadd.s32 s1, s30  }
0xc0: {  	s0 =	sor.u32 s3, s0;
	s1 =	sshll.u32 s1, $0x11  }
0xc1: {  	s0 =	sor.u32 s1, s0  }
0xc2: {  	s0 =	sadd.s32 $0x8F2B, s0  }
0xc3: {  	[sflag:s0] =	ssyncadd.remote.s32 $0x1  }
0xc4: {  	_ =	sfence.sel $0xFFFF  }
0xc5: {  	[dreg:$0x0] =	wrdreg $0xFFFFFFFF;
	(pc) =	sbr.abs _section_cstart, $3  }
0xc6: {  	[dreg:$0x1] =	wrdreg $0xFFFFFFFF  }
0xc7: {  	_ =	task.clear_ibuf [dreg:s7], $0x2FFFF;
	_ =	strace $0x9FFFFFFF  }
0xc8: {  	(tm) =	ssettm $0x7FFFFFFF  }
0xc9: {  	_ =	shalt  }
tec
execute0_lowered:
.L_overlay_start_1:
0x0: {  	(tag) =	ssettag $0x1  }
0x1: {  	s1 =	srdreg.scid;
	s5 =	rddreg [dreg:$0x0]  }
0x2: {  	s0 =	stileid.u32;
	s2 =	rddreg [dreg:$0x1];
	s6 =	simm.s32 $0x1  }
0x3: {  	s9 =	simm.s32 $0x1;
	s10 =	simm.s32 $0x3;
	s1 =	sshll.u32 s1, $0x6  }
0x4: {  	s13 =	simm.s32 $0x0;
	s3 =	sshll.u32 s0, $0x7;
	s4 =	sand.u32 $0x40, s1  }
0x5: {  	s12 =	simm.s32 $0x0;
	s1 =	rddreg [dreg:$0x2];
	s3 =	sor.u32 s3, s4  }
0x6: {  	_ =	strace $0x80000050;
	s4 =	sadd.s32 $0x51A00, s5;
	s8 =	ssub.s32 $0x1000, s3  }
.Ltmp0:
0x7: {  	s5 =	sadd.s32 $0x51400, s5;
	s7 =	sand.u32 $0x7C0, s8;
	(pc) =	sbr.rel .LBB2_1-.Ltmp0, $4  }
0x8: {  	[sflag:s6] =	ssyncpa.u1 $0x0;
	s11 =	smov.u32 s3;
	p0 =	sne.s32 s7, $0x0  }
0x9: {  	s8 =	sshrl.u32 s8, $0xB;
	s7 =	simm.s32 $0x2;
	s9 =	simm.s32 @!p0 $0x0  }
0xa: {  	[sflag:s7] =	ssyncpa.u1 $0x0;
	p0 =	por $0x0, $0x0;
	s8 =	sadd.s32 s9, s8  }
0xb: {  	vm0 =	vmmov $0xffff;
	[sflag:s10] =	ssyncpa.u1 $0x0;
	s10 =	simm.s32 $0x0;
	s9 =	sadd.s32 $0x1, s8  }
.LBB2_4:
0xc: {  	v2 =	vnsel vm1, $0x0, v2  }
0xd: {  	vm1 =	vgt.s32 v0, $0x0;
	v2 =	vmin.u32 v2, $0xFFF  }
0xe: {  	v0 =	vnsel vm1, $0x0, v0  }
0xf: {  	v0 =	vmin.u32 v0, $0xFFF  }
0x10: {  	[tilespmem:s15], [sflag:$0x1] =	stream.indirect_vreg.gather [hbm4b:s4+s10], $0x1, v1, vm0, $0x4038;
	[tilespmem:$0x100] =	vst v63  }
0x11: {  	(ifvalue) =	ssetifvalue $0x7FFFFFFF  }
0x12: {  	[tilespmem:s16], [sflag:$0x1] =	stream.indirect_vreg.gather [hbm4b:s4+s10], $0x1, v2, vm0, $0x4038;
	[tilespmem:$0x100] =	vst v63  }
0x13: {  	s29 =	sadd.s32 $0x10, s16;
	(ifvalue) =	ssetifvalue $0x7FFFFFFF  }
0x14: {  	[tilespmem:s29], [sflag:$0x1] =	stream.indirect_vreg.gather [hbm4b:s4+s10], $0x1, v0, vm0, $0x4038;
	[tilespmem:$0x100] =	vst v63  }
0x15: {  	_ =	swait.ge [sflag:s6], $0x40  }
0x16: {  	s30 =	sshrl.u32 s13, $0x3;
	[sflag:s6] =	ssyncset.done $0x0  }
0x17: {  	s31 =	sand.u32 $0x7, s13;
	s15 =	sadd.s32 s2, s30;
	[sflag:s6] =	ssyncadd.s32 $0xFFFFFFC0  }
0x18: {  	[hbm4b:s15+s31] =	stream.linear.scatter [tilespmem:s14], [sflag:$0x3], $0x40, $0x38;
	[tilespmem:$0x100] =	vst v63  }
.LBB2_5:
0x19: {  	s15 =	sadd.s32 $0x800, s11  }
0x1a: {  	p2 =	sgt.s32 s15, $0xFFF  }
0x1b: {  	s15 =	smov.u32 @p2 s3;
	p2 =	sne.s32 s12, s9  }
.Ltmp1:
0x1c: {  	p1 =	slt.u32 s12, $0x2;
	(pc) =	sbr.rel @!p2 .LBB2_6-.Ltmp1, $4  }
0x1d: {  	s14 =	simm.s32 @!p1 $0x3  }
0x1e: {  	s16 =	sadd.s32 $0x1, s12;
	_ =	swait.ge @!p1 [sflag:s14], $0x40  }
0x1f: {  	s13 =	smov.u32 s11;
	p0 =	por !p0, !p0;
	[sflag:s14] =	ssyncset.done @!p1 $0x0  }
0x20: {  	s12 =	smov.u32 s16;
	s11 =	smov.u32 s15;
	[sflag:s14] =	ssyncadd.s32 @!p1 $0xFFFFFFC0  }
.LBB2_1:
0x21: {  	p1 =	sge.u32 s12, s8  }
0x22: {  	s14 =	sxor.u32 @!p1 $0xFFFFFFFF, s12  }
0x23: {  	s31 =	sadd.s32 $0xFFFFFFFF, s12;
	s15 =	sshrl.u32 @!p1 s11, $0x3;
	s14 =	sshll.u32 @!p1 s14, $0x6  }
0x24: {  	s16 =	sand.u32 @!p1 $0x7, s11;
	s15 =	sadd.s32 @!p1 s5, s15;
	s14 =	sand.u32 @!p1 $0x40, s14  }
0x25: {  	[tilespmem:s14], [sflag:$0x2] =	stream.linear.gather @!p1 [hbm4b:s15+s16], $0x40, $0x38;
	[tilespmem:$0x100] =	vst v63  }
0x26: {  	p1 =	sge.u32 s31, s8  }
.Ltmp2:
0x27: {  	_ = 	snop;
	(pc) =	sbr.rel @p1 .LBB2_5-.Ltmp2, $1  }
0x28: {  	_ =	sdelay $0x3  }
0x29: {  	s14 =	simm.s32 $0x1  }
0x2a: {  	_ =	swait.ge [sflag:s7], $0x40;
	s14 =	simm.s32 @!p0 $0x0  }
0x2b: {  	[sflag:s7] =	ssyncset.done $0x0;
	s14 =	sshll.u32 s14, $0x6  }
0x2c: {  	[sflag:s7] =	ssyncadd.s32 $0xFFFFFFC0;
	(ifvalue) =	ssetifvalue $0x7FFFFFFF;
	v0 =	vld.msk [tilespmem:s14+$0x0 ss:$0x1], $0xffff;
	_ =	sdelay $0x4  }
0x2d: {  	s15 =	sadd.s32 $0x10, s14;
	vm1 =	vgt.s32 v0, $0x0  }
0x2e: {  	v2 =	vld.msk [tilespmem:s15+$0x0 ss:$0x1], $0xffff;
	v1 =	vnsel vm1, $0x0, v0  }
0x2f: {  	v1 =	vmin.u32 v1, $0xFFF;
	_ =	sdelay $0x1  }
0x30: {  	s16 =	sshll.u32 s12, $0x6;
	s18 =	simm.s32 $0x20  }
0x31: {  	s16 =	sand.u32 $0x40, s16;
	s17 =	sadd.s32 $0x10, s15;
	s15 =	sor.u32 $0x80, s14  }
0x32: {  	s14 =	sor.u32 $0x80, s16;
	s16 =	sadd.s32 $0x10, s15;
	v0 =	vld.msk [tilespmem:s17+$0x0 ss:$0x1], $0xffff;
	vm1 =	vgt.s32 v2, $0x0;
	(ifvalue) =	ssetifvalue $0x7FFFFFFF  }
.LBB2_3:
0x33: {  	[tilespmem:s15], [sflag:$0x1] =	stream.indirect_vreg.gather [hbm4b:s4+s10], $0x1, v1, vm0, $0x4038;
	[tilespmem:$0x100] =	vst v63  }
0x34: {  	s18 =	sadd.s32 $0x10, s18  }
0x35: {  	v2 =	vnsel vm1, $0x0, v2;
	p1 =	slt.u32 s18, $0x30  }
.Ltmp3:
0x36: {  	s15 =	smov.u32 s16;
	v1 =	vmin.u32 v2, $0xFFF;
	(pc) =	sbr.rel @p1 .LBB2_3-.Ltmp3, $3  }
0x37: {  	_ =	sdelay $0x1  }
0x38: {  	s17 =	sadd.s32 $0x10, s17  }
0x39: {  	vm1 =	vgt.s32 v0, $0x0;
	s16 =	sadd.s32 $0x10, s16;
	v2 =	vmov v0;
	(ifvalue) =	ssetifvalue $0x7FFFFFFF;
	v0 =	vld.msk [tilespmem:s17+$0x0 ss:$0x1], $0xffff  }
.Ltmp4:
0x3a: {  	_ = 	snop;
	(pc) =	sbr.rel .LBB2_4-.Ltmp4, $1  }
0x3b: {  	_ =	sdelay $0x3  }
.LBB2_6:
0x3c: {  	_ =	sfence.sel $0x180000  }
0x3d: {  	s2 =	simm.s32 $0x2;
	[bflag:$0x0] =	sbarrier.arrive $0xFFFF  }
0x3e: {  	s30 =	simm.s32 $0x3;
	[sflag:s2] =	ssyncpa.u1 $0x1  }
0x3f: {  	s31 =	simm.s32 $0x1;
	[sflag:s30] =	ssyncpa.u1 $0x1  }
0x40: {  	[sflag:s31] =	ssyncpa.u1 $0x1  }
0x41: {  	p0 =	sne.s32 s0, $0x0;
	_ =	strace $0x90000050  }
0x42: {  	s0 =	sadd.s32 @!p0 $0x100000, s1;
	[bflag:$0x2] =	sbarrier.arrive $0xFFFF  }
0x43: {  	[sflag:s0] =	ssyncadd.tile.s32 @!p0 $0x1;
	_ =	shalt  }
.Lfunc_end2:
_tile_overlayer_lowered:
.L_overlay_start_2:
0x44: {  	(tag) =	ssettag $0x2  }
0x45: {  	s0 =	rddreg [dreg:$0x0];
	s2 =	stileid.u32  }
0x46: {  	s1 =	rddreg [dreg:$0x1];
	p0 =	sne.s32 s2, $0x0  }
0x47: {  	s3 =	rddreg [dreg:$0x2];
	[bflag:$0x3] =	sbarrier.arrive $0xFFFF;
	s2 =	simm.s32 @!p0 $0x1C01  }
0x48: {  	[timem:s3], [sflag:s2] =	dma.local @!p0 [hbm:s0], s1  }
0x49: {  	s0 =	simm.s32 @!p0 $0x1  }
0x4a: {  	_ =	swait.ge @!p0 [sflag:s0], s1  }
0x4b: {  	s1 =	ssub.s32 @!p0 $0x0, s1;
	[sflag:s0] =	ssyncset.done @!p0 $0x0  }
0x4c: {  	[sflag:s0] =	ssyncadd.s32 @!p0 s1  }
0x4d: {  	[bflag:$0x3] =	sbarrier.arrive $0xFFFF  }
0x4e: {  	_ =	shalt  }

// kernel: gather_offload_async_start
scs
__scs_entry_jumppad:
0x0: {  	(pc) =	sbr.rel $0x88, $3  }
0x1: {  	(tag) =	ssettag $0x0;
	lr =	simm.s32 $0x1  }
0x2: {  	[smem:$0x3F89] =	sst lr;
	_ =	strace $0xD0000000  }
0x3: {  	_ = 	snop  }
0x4: {  	_ = 	snop  }
0x5: {  	_ = 	snop  }
0x6: {  	_ = 	snop  }
0x7: {  	_ = 	snop  }
__scs_overlays_trampoline_lowered:
0x8: {  	[smem:$0x3F98] =	sst s0  }
0x9: {  	[smem:$0x3F99] =	sst s1  }
0xa: {  	[smem:$0x3F9A] =	sst s2  }
0xb: {  	[smem:$0x3F9B] =	sst s3  }
0xc: {  	[smem:$0x3F9C] =	sst s4  }
0xd: {  	[smem:$0x3F9D] =	sst s5  }
0xe: {  	[smem:$0x3F9E] =	sst s6  }
0xf: {  	[smem:$0x3F9F] =	sst s7  }
0x10: {  	[smem:$0x3FA0] =	sst s8  }
0x11: {  	[smem:$0x3FA1] =	sst s9;
	s0 =	simm.s32 @!p0 $0x0  }
0x12: {  	s1 =	sld [smem:$0x3F87];
	s0 =	simm.s32 @p0 $0x1  }
0x13: {  	[smem:$0x3FA2] =	sst s0;
	s0 =	simm.s32 @!p1 $0x0  }
0x14: {  	s2 =	sld [smem:$0x3F86];
	s0 =	simm.s32 @p1 $0x1  }
0x15: {  	[smem:$0x3FA3] =	sst s0;
	s0 =	simm.s32 @!p2 $0x0  }
0x16: {  	s3 =	sld [smem:$0x3FDB];
	s0 =	simm.s32 @p2 $0x1  }
0x17: {  	s4 =	simm.s32 $0x1BF5;
	[smem:$0x3FA5] =	sst s0  }
0x18: {  	s0 =	sld [smem:$0x3F88];
	_ =	swait.ge [sflag:s4], $0x0  }
0x19: {  	s7 =	sld [smem:$0x3F89]  }
0x1a: {  	s8 =	sadd.s32 $0xFFFFE003, lr  }
0x1b: {  	s9 =	sadd.s32 $0xFFFFFEF7, lr;
	s5 =	simm.s32 $0xFFFFFFFF;
	p2 =	slt.u32 s8, $0xFFFFF086  }
0x1c: {  	p1 =	slt.u32 s9, $0xF7A;
	s5 =	simm.s32 @!p2 $0x0  }
0x1d: {  	s5 =	simm.s32 @p1 $0x1;
	p0 =	seq.s32 s7, s2  }
0x1e: {  	s7 =	smul.u32 @!p0 $0xF7A, s2;
	p2 =	seq.s32 @!p0 s5, $0x0  }
0x1f: {  	s9 =	smul.u32 $0xF7A, s1;
	s8 =	simm.s32 @!p0 $0x1BF5;
	p2 =	por !p2, p0  }
0x20: {  	[sflag:s8] =	ssyncset.s32 @!p0 $0xFFFFF086;
	s6 =	sadd.s32 @!p0 s3, s7;
	s7 =	simm.s32 @!p0 $0x108  }
0x21: {  	s3 =	sadd.s32 s3, s9;
	s6 =	sadd.s32 @!p0 $0x88, s6;
	s7 =	simm.s32 @p2 $0x1082  }
0x22: {  	[simem:s7], [sflag:s8] =	dma.local @!p0 [hbm:s6], $0xF7A  }
0x23: {  	s9 =	sor.u32 $0xD0000000, s2;
	s6 =	simm.s32 $0x108;
	_ =	swait.ge @!p0 [sflag:s8], $0x0  }
0x24: {  	s3 =	sadd.s32 $0x88, s3;
	s6 =	simm.s32 @!p1 $0x1082;
	[sflag:s4] =	ssyncset.s32 $0xFFFFF086  }
0x25: {  	[simem:s6], [sflag:s4] =	dma.local [hbm:s3], $0xF7A  }
0x26: {  	[smem:$0x3F89] =	sst s1;
	(tag) =	ssettag s2;
	_ =	strace s9  }
0x27: {  	s1 =	sld [smem:$0x3F99]  }
0x28: {  	s2 =	sld [smem:$0x3F9A]  }
0x29: {  	s4 =	sld [smem:$0x3F9C]  }
0x2a: {  	p0 =	seq.s32 s5, $0x0;
	s5 =	sld [smem:$0x3F9D]  }
0x2b: {  	s6 =	sld [smem:$0x3F9E]  }
0x2c: {  	s7 =	sld [smem:$0x3F9F]  }
0x2d: {  	s3 =	simm.s32 $0x108;
	s8 =	sld [smem:$0x3FA0]  }
0x2e: {  	s3 =	simm.s32 @!p0 $0x1082;
	s9 =	sld [smem:$0x3FA1]  }
0x2f: {  	lr =	sadd.s32 s0, s3;
	s0 =	sld [smem:$0x3F98]  }
0x30: {  	s3 =	sld [smem:$0x3F9B]  }
0x31: {  	[smem:$0x3FA4] =	sst s10  }
0x32: {  	s10 =	sld [smem:$0x3FA2];
	_ =	sdelay $0x3  }
0x33: {  	p0 =	seq.s32 s10, $0x1;
	s10 =	sld [smem:$0x3FA4];
	_ =	sdelay $0x3  }
0x34: {  	[smem:$0x3FA4] =	sst s10  }
0x35: {  	s10 =	sld [smem:$0x3FA3];
	_ =	sdelay $0x3  }
0x36: {  	p1 =	seq.s32 s10, $0x1;
	s10 =	sld [smem:$0x3FA4];
	_ =	sdelay $0x3  }
0x37: {  	[smem:$0x3FA4] =	sst s10  }
0x38: {  	s10 =	sld [smem:$0x3FA5]  }
0x39: {  	_ = 	snop;
	(pc) =	sbr.ind lr, $3  }
0x3a: {  	_ = 	snop  }
0x3b: {  	_ = 	snop  }
0x3c: {  	p2 =	seq.s32 s10, $0x1;
	s10 =	sld [smem:$0x3FA4]  }
0x3d: {  	_ =	shalt  }
0x3e: {  	_ =	shalt  }
0x3f: {  	_ =	shalt  }
0x40: {  	_ =	shalt  }
0x41: {  	_ =	shalt  }
0x42: {  	_ =	shalt  }
0x43: {  	_ =	shalt  }
0x44: {  	_ =	shalt  }
0x45: {  	_ =	shalt  }
0x46: {  	_ =	shalt  }
0x47: {  	_ =	shalt  }
0x48: {  	_ =	shalt  }
0x49: {  	_ =	shalt  }
0x4a: {  	_ =	shalt  }
0x4b: {  	_ =	shalt  }
0x4c: {  	_ =	shalt  }
0x4d: {  	_ =	shalt  }
0x4e: {  	_ =	shalt  }
0x4f: {  	_ =	shalt  }
0x50: {  	_ =	shalt  }
0x51: {  	_ =	shalt  }
0x52: {  	_ =	shalt  }
0x53: {  	_ =	shalt  }
0x54: {  	_ =	shalt  }
0x55: {  	_ =	shalt  }
0x56: {  	_ =	shalt  }
0x57: {  	_ =	shalt  }
0x58: {  	_ =	shalt  }
0x59: {  	_ =	shalt  }
0x5a: {  	_ =	shalt  }
0x5b: {  	_ =	shalt  }
0x5c: {  	_ =	shalt  }
0x5d: {  	_ =	shalt  }
0x5e: {  	_ =	shalt  }
0x5f: {  	_ =	shalt  }
0x60: {  	_ =	shalt  }
0x61: {  	_ =	shalt  }
0x62: {  	_ =	shalt  }
0x63: {  	_ =	shalt  }
0x64: {  	_ =	shalt  }
0x65: {  	_ =	shalt  }
0x66: {  	_ =	shalt  }
0x67: {  	_ =	shalt  }
0x68: {  	_ =	shalt  }
0x69: {  	_ =	shalt  }
0x6a: {  	_ =	shalt  }
0x6b: {  	_ =	shalt  }
0x6c: {  	_ =	shalt  }
0x6d: {  	_ =	shalt  }
0x6e: {  	_ =	shalt  }
0x6f: {  	_ =	shalt  }
0x70: {  	_ =	shalt  }
0x71: {  	_ =	shalt  }
0x72: {  	_ =	shalt  }
0x73: {  	_ =	shalt  }
0x74: {  	_ =	shalt  }
0x75: {  	_ =	shalt  }
0x76: {  	_ =	shalt  }
0x77: {  	_ =	shalt  }
0x78: {  	_ =	shalt  }
0x79: {  	_ =	shalt  }
0x7a: {  	_ =	shalt  }
0x7b: {  	_ =	shalt  }
0x7c: {  	_ =	shalt  }
0x7d: {  	_ =	shalt  }
0x7e: {  	_ =	shalt  }
0x7f: {  	_ =	shalt  }
0x80: {  	_ =	shalt  }
0x81: {  	_ =	shalt  }
0x82: {  	_ =	shalt  }
0x83: {  	_ =	shalt  }
0x84: {  	_ =	shalt  }
0x85: {  	_ =	shalt  }
0x86: {  	_ =	shalt  }
0x87: {  	_ =	shalt  }
.Lfunc_end0:
.L_simem_size_0:
called_computation.1_lowered:
.L_overlay_start_0:
0x88: {  	s2 =	sld [smem:$0x3FD9]  }
0x89: {  	s3 =	sld [smem:$0x3FFE];
	_ =	sdelay $0x1  }
0x8a: {  	s1 =	srdreg.scid  }
0x8b: {  	s0 =	sand.u32 $0x1, s1  }
0x8c: {  	s14 =	sshll.u32 s0, $0xA;
	s2 =	sadd.s32 s3, s2  }
0x8d: {  	s2 =	sadd.s32 s2, s14  }
0x8e: {  	[smem:$0x3FB0] =	sst s2  }
0x8f: {  	_ = 	snop  }
0x90: {  	s2 =	sld [smem:$0x3FD0];
	_ =	sdelay $0x2  }
0x91: {  	s15 =	simm.s32 $0xB;
	s4 =	simm.s32 $0x10  }
0x92: {  	[smem:s4], [sflag:s15] =	dma.local [hbm:s2], $0x1  }
0x93: {  	_ =	swait.eq [sflag:s15], $0x1  }
0x94: {  	[sflag:s15] =	ssyncset.done $0x0  }
0x95: {  	[sflag:s15] =	ssyncadd.s32 $0xFFFFFFFF  }
0x96: {  	s16 =	sld [smem:$0x12];
	(tm) =	ssettm $0x1  }
0x97: {  	s17 =	sld [smem:$0x3FFB];
	_ =	sdelay $0x3  }
0x98: {  	_ =	strace s17  }
0x99: {  	s3 =	sld [smem:$0x3FFC];
	_ =	sdelay $0x3  }
0x9a: {  	_ =	strace s3  }
0x9b: {  	s3 =	sld [smem:$0x3FFD];
	_ =	sdelay $0x3  }
0x9c: {  	_ =	strace s3  }
0x9d: {  	_ =	strace $0x8FFFFFFF  }
0x9e: {  	s18 =	sld [smem:$0x3FDB];
	_ =	sdelay $0x1  }
0x9f: {  	s19 =	simm.s32 $_scs_section_size  }
0xa0: {  	s5 =	simm.s32 $_size__tile_overlayer_lowered;
	s6 =	simm.s32 $_tile_overlayer_lowered  }
0xa1: {  	s22 =	simm.s32 $0x1BFF;
	s21 =	sshll.u32 s6, $0x1;
	s3 =	sadd.s32 s19, s18  }
0xa2: {  	s7 =	simm.s32 $0x0;
	s20 =	sshll.u32 s5, $0x1;
	s5 =	sadd.s32 s21, s3  }
0xa3: {  	[timem:s7], [sflag:s22] =	dma.local [hbm:s5], s20  }
0xa4: {  	_ =	swait.ge [sflag:s22], s20  }
0xa5: {  	s4 =	ssub.s32 $0x0, s20;
	[sflag:s22] =	ssyncset.done $0x0  }
0xa6: {  	[sflag:s22] =	ssyncadd.s32 s4;
	_ =	sdelay $0x1  }
0xa7: {  	s23 =	simm.s32 $0x1B8B  }
0xa8: {  	_ =	swait.ge [sflag:s23], $0x1  }
0xa9: {  	[sflag:s23] =	ssyncset.done $0x0  }
0xaa: {  	s25 =	simm.s32 $0x1B8E;
	s24 =	sld [smem:$0x3FFE];
	[sflag:s23] =	ssyncadd.s32 $0xFFFFFFFF  }
0xab: {  	s26 =	simm.s32 $execute0_lowered;
	[smem:$0x3FD2] =	sst s25  }
0xac: {  	s5 =	sshll.u32 s26, $0x1;
	_ =	strace $0x80000049;
	[dreg:$0x1] =	wrdreg $0xFFFFFFFF  }
0xad: {  	s28 =	simm.s32 $_size_execute0_lowered;
	s3 =	sadd.s32 s3, s5;
	[dreg:$0x0] =	wrdreg $0x0  }
0xae: {  	s5 =	sshll.u32 s28, $0x1;
	[dreg:$0x2] =	wrdreg s3  }
0xaf: {  	[dreg:$0x3] =	wrdreg s5  }
0xb0: {  	[dreg:$0x4] =	wrdreg $0xC0  }
0xb1: {  	_ =	task [dreg:s7], $0x5FFFF  }
0xb2: {  	[dreg:$0x1] =	wrdreg $0xFFFFFFFF  }
0xb3: {  	[dreg:$0x0] =	wrdreg $0x60  }
0xb4: {  	[dreg:$0x2] =	wrdreg s24  }
0xb5: {  	[dreg:$0x3] =	wrdreg s16  }
0xb6: {  	[dreg:$0x4] =	wrdreg $0x9  }
0xb7: {  	_ =	task.clear_ibuf [dreg:s7], $0x5FFFF;
	_ =	strace $0x90000049  }
0xb8: {  	s29 =	simm.s32 $0x9;
	_ =	strace $0x8000004B  }
0xb9: {  	_ =	swait.ge [sflag:s29], $0x1  }
0xba: {  	[sflag:s29] =	ssyncadd.s32 $0xFFFFFFFF  }
0xbb: {  	_ =	strace $0x9000004B  }
0xbc: {  	_ =	sfence  }
0xbd: {  	s30 =	sld [smem:$0x0];
	_ =	sdelay $0x2  }
0xbe: {  	s31 =	sshll.u32 s1, $0xD;
	s1 =	sshrl.u32 s1, $0x2  }
0xbf: {  	s3 =	sand.u32 $0x4000, s31;
	s1 =	sadd.s32 s1, s30  }
0xc0: {  	s0 =	sor.u32 s3, s0;
	s1 =	sshll.u32 s1, $0x11  }
0xc1: {  	s0 =	sor.u32 s1, s0  }
0xc2: {  	s0 =	sadd.s32 $0x8F2B, s0  }
0xc3: {  	[sflag:s0] =	ssyncadd.remote.s32 $0x1  }
0xc4: {  	_ =	sfence.sel $0xFFFF  }
0xc5: {  	[dreg:$0x0] =	wrdreg $0xFFFFFFFF;
	(pc) =	sbr.abs _section_cstart, $3  }
0xc6: {  	[dreg:$0x1] =	wrdreg $0xFFFFFFFF  }
0xc7: {  	_ =	task.clear_ibuf [dreg:s7], $0x2FFFF;
	_ =	strace $0x9FFFFFFF  }
0xc8: {  	(tm) =	ssettm $0x7FFFFFFF  }
0xc9: {  	_ =	shalt  }
tec
execute0_lowered:
.L_overlay_start_1:
0x0: {  	(tag) =	ssettag $0x1  }
0x1: {  	s1 =	srdreg.scid;
	s5 =	rddreg [dreg:$0x0]  }
0x2: {  	s0 =	stileid.u32;
	s2 =	rddreg [dreg:$0x1];
	s6 =	simm.s32 $0x1  }
0x3: {  	s9 =	simm.s32 $0x1;
	s10 =	simm.s32 $0x3;
	s1 =	sshll.u32 s1, $0x6  }
0x4: {  	s13 =	simm.s32 $0x0;
	s3 =	sshll.u32 s0, $0x7;
	s4 =	sand.u32 $0x40, s1  }
0x5: {  	s12 =	simm.s32 $0x0;
	s1 =	rddreg [dreg:$0x2];
	s3 =	sor.u32 s3, s4  }
0x6: {  	_ =	strace $0x8000004A;
	s4 =	sadd.s32 $0x51200, s5;
	s8 =	ssub.s32 $0x1000, s3  }
.Ltmp0:
0x7: {  	s5 =	sadd.s32 $0x51400, s5;
	s7 =	sand.u32 $0x7C0, s8;
	(pc) =	sbr.rel .LBB2_1-.Ltmp0, $4  }
0x8: {  	[sflag:s6] =	ssyncpa.u1 $0x0;
	s11 =	smov.u32 s3;
	p0 =	sne.s32 s7, $0x0  }
0x9: {  	s8 =	sshrl.u32 s8, $0xB;
	s7 =	simm.s32 $0x2;
	s9 =	simm.s32 @!p0 $0x0  }
0xa: {  	[sflag:s7] =	ssyncpa.u1 $0x0;
	p0 =	por $0x0, $0x0;
	s8 =	sadd.s32 s9, s8  }
0xb: {  	vm0 =	vmmov $0xffff;
	[sflag:s10] =	ssyncpa.u1 $0x0;
	s10 =	simm.s32 $0x0;
	s9 =	sadd.s32 $0x1, s8  }
.LBB2_4:
0xc: {  	v2 =	vnsel vm1, $0x0, v2  }
0xd: {  	vm1 =	vgt.s32 v0, $0x0;
	v2 =	vmin.u32 v2, $0xFFF  }
0xe: {  	v0 =	vnsel vm1, $0x0, v0  }
0xf: {  	v0 =	vmin.u32 v0, $0xFFF  }
0x10: {  	[tilespmem:s15], [sflag:$0x1] =	stream.indirect_vreg.gather [hbm4b:s4+s10], $0x1, v1, vm0, $0x4038;
	[tilespmem:$0x100] =	vst v63  }
0x11: {  	(ifvalue) =	ssetifvalue $0x7FFFFFFF  }
0x12: {  	[tilespmem:s16], [sflag:$0x1] =	stream.indirect_vreg.gather [hbm4b:s4+s10], $0x1, v2, vm0, $0x4038;
	[tilespmem:$0x100] =	vst v63  }
0x13: {  	s29 =	sadd.s32 $0x10, s16;
	(ifvalue) =	ssetifvalue $0x7FFFFFFF  }
0x14: {  	[tilespmem:s29], [sflag:$0x1] =	stream.indirect_vreg.gather [hbm4b:s4+s10], $0x1, v0, vm0, $0x4038;
	[tilespmem:$0x100] =	vst v63  }
0x15: {  	_ =	swait.ge [sflag:s6], $0x40  }
0x16: {  	s30 =	sshrl.u32 s13, $0x3;
	[sflag:s6] =	ssyncset.done $0x0  }
0x17: {  	s31 =	sand.u32 $0x7, s13;
	s15 =	sadd.s32 s2, s30;
	[sflag:s6] =	ssyncadd.s32 $0xFFFFFFC0  }
0x18: {  	[hbm4b:s15+s31] =	stream.linear.scatter [tilespmem:s14], [sflag:$0x3], $0x40, $0x38;
	[tilespmem:$0x100] =	vst v63  }
.LBB2_5:
0x19: {  	s15 =	sadd.s32 $0x800, s11  }
0x1a: {  	p2 =	sgt.s32 s15, $0xFFF  }
0x1b: {  	s15 =	smov.u32 @p2 s3;
	p2 =	sne.s32 s12, s9  }
.Ltmp1:
0x1c: {  	p1 =	slt.u32 s12, $0x2;
	(pc) =	sbr.rel @!p2 .LBB2_6-.Ltmp1, $4  }
0x1d: {  	s14 =	simm.s32 @!p1 $0x3  }
0x1e: {  	s16 =	sadd.s32 $0x1, s12;
	_ =	swait.ge @!p1 [sflag:s14], $0x40  }
0x1f: {  	s13 =	smov.u32 s11;
	p0 =	por !p0, !p0;
	[sflag:s14] =	ssyncset.done @!p1 $0x0  }
0x20: {  	s12 =	smov.u32 s16;
	s11 =	smov.u32 s15;
	[sflag:s14] =	ssyncadd.s32 @!p1 $0xFFFFFFC0  }
.LBB2_1:
0x21: {  	p1 =	sge.u32 s12, s8  }
0x22: {  	s14 =	sxor.u32 @!p1 $0xFFFFFFFF, s12  }
0x23: {  	s31 =	sadd.s32 $0xFFFFFFFF, s12;
	s15 =	sshrl.u32 @!p1 s11, $0x3;
	s14 =	sshll.u32 @!p1 s14, $0x6  }
0x24: {  	s16 =	sand.u32 @!p1 $0x7, s11;
	s15 =	sadd.s32 @!p1 s5, s15;
	s14 =	sand.u32 @!p1 $0x40, s14  }
0x25: {  	[tilespmem:s14], [sflag:$0x2] =	stream.linear.gather @!p1 [hbm4b:s15+s16], $0x40, $0x38;
	[tilespmem:$0x100] =	vst v63  }
0x26: {  	p1 =	sge.u32 s31, s8  }
.Ltmp2:
0x27: {  	_ = 	snop;
	(pc) =	sbr.rel @p1 .LBB2_5-.Ltmp2, $1  }
0x28: {  	_ =	sdelay $0x3  }
0x29: {  	s14 =	simm.s32 $0x1  }
0x2a: {  	_ =	swait.ge [sflag:s7], $0x40;
	s14 =	simm.s32 @!p0 $0x0  }
0x2b: {  	[sflag:s7] =	ssyncset.done $0x0;
	s14 =	sshll.u32 s14, $0x6  }
0x2c: {  	[sflag:s7] =	ssyncadd.s32 $0xFFFFFFC0;
	(ifvalue) =	ssetifvalue $0x7FFFFFFF;
	v0 =	vld.msk [tilespmem:s14+$0x0 ss:$0x1], $0xffff;
	_ =	sdelay $0x4  }
0x2d: {  	s15 =	sadd.s32 $0x10, s14;
	vm1 =	vgt.s32 v0, $0x0  }
0x2e: {  	v2 =	vld.msk [tilespmem:s15+$0x0 ss:$0x1], $0xffff;
	v1 =	vnsel vm1, $0x0, v0  }
0x2f: {  	v1 =	vmin.u32 v1, $0xFFF;
	_ =	sdelay $0x1  }
0x30: {  	s16 =	sshll.u32 s12, $0x6;
	s18 =	simm.s32 $0x20  }
0x31: {  	s16 =	sand.u32 $0x40, s16;
	s17 =	sadd.s32 $0x10, s15;
	s15 =	sor.u32 $0x80, s14  }
0x32: {  	s14 =	sor.u32 $0x80, s16;
	s16 =	sadd.s32 $0x10, s15;
	v0 =	vld.msk [tilespmem:s17+$0x0 ss:$0x1], $0xffff;
	vm1 =	vgt.s32 v2, $0x0;
	(ifvalue) =	ssetifvalue $0x7FFFFFFF  }
.LBB2_3:
0x33: {  	[tilespmem:s15], [sflag:$0x1] =	stream.indirect_vreg.gather [hbm4b:s4+s10], $0x1, v1, vm0, $0x4038;
	[tilespmem:$0x100] =	vst v63  }
0x34: {  	s18 =	sadd.s32 $0x10, s18  }
0x35: {  	v2 =	vnsel vm1, $0x0, v2;
	p1 =	slt.u32 s18, $0x30  }
.Ltmp3:
0x36: {  	s15 =	smov.u32 s16;
	v1 =	vmin.u32 v2, $0xFFF;
	(pc) =	sbr.rel @p1 .LBB2_3-.Ltmp3, $3  }
0x37: {  	_ =	sdelay $0x1  }
0x38: {  	s17 =	sadd.s32 $0x10, s17  }
0x39: {  	vm1 =	vgt.s32 v0, $0x0;
	s16 =	sadd.s32 $0x10, s16;
	v2 =	vmov v0;
	(ifvalue) =	ssetifvalue $0x7FFFFFFF;
	v0 =	vld.msk [tilespmem:s17+$0x0 ss:$0x1], $0xffff  }
.Ltmp4:
0x3a: {  	_ = 	snop;
	(pc) =	sbr.rel .LBB2_4-.Ltmp4, $1  }
0x3b: {  	_ =	sdelay $0x3  }
.LBB2_6:
0x3c: {  	_ =	sfence.sel $0x180000  }
0x3d: {  	s2 =	simm.s32 $0x2;
	[bflag:$0x0] =	sbarrier.arrive $0xFFFF  }
0x3e: {  	s30 =	simm.s32 $0x3;
	[sflag:s2] =	ssyncpa.u1 $0x1  }
0x3f: {  	s31 =	simm.s32 $0x1;
	[sflag:s30] =	ssyncpa.u1 $0x1  }
0x40: {  	[sflag:s31] =	ssyncpa.u1 $0x1  }
0x41: {  	p0 =	sne.s32 s0, $0x0;
	_ =	strace $0x9000004A  }
0x42: {  	s0 =	sadd.s32 @!p0 $0x100000, s1;
	[bflag:$0x2] =	sbarrier.arrive $0xFFFF  }
0x43: {  	[sflag:s0] =	ssyncadd.tile.s32 @!p0 $0x1;
	_ =	shalt  }
.Lfunc_end2:
_tile_overlayer_lowered:
.L_overlay_start_2:
0x44: {  	(tag) =	ssettag $0x2  }
0x45: {  	s0 =	rddreg [dreg:$0x0];
	s2 =	stileid.u32  }
0x46: {  	s1 =	rddreg [dreg:$0x1];
	p0 =	sne.s32 s2, $0x0  }
0x47: {  	s3 =	rddreg [dreg:$0x2];
	[bflag:$0x3] =	sbarrier.arrive $0xFFFF;
	s2 =	simm.s32 @!p0 $0x1C01  }
0x48: {  	[timem:s3], [sflag:s2] =	dma.local @!p0 [hbm:s0], s1  }
0x49: {  	s0 =	simm.s32 @!p0 $0x1  }
0x4a: {  	_ =	swait.ge @!p0 [sflag:s0], s1  }
0x4b: {  	s1 =	ssub.s32 @!p0 $0x0, s1;
	[sflag:s0] =	ssyncset.done @!p0 $0x0  }
0x4c: {  	[sflag:s0] =	ssyncadd.s32 @!p0 s1  }
0x4d: {  	[bflag:$0x3] =	sbarrier.arrive $0xFFFF  }
0x4e: {  	_ =	shalt  }

// kernel: kernel.10.cloned.1.call-start
scs
__scs_entry_jumppad:
0x0: {  	(pc) =	sbr.rel $0x88, $3  }
0x1: {  	(tag) =	ssettag $0x0;
	lr =	simm.s32 $0x1  }
0x2: {  	[smem:$0x3F89] =	sst lr;
	_ =	strace $0xD0000000  }
0x3: {  	_ = 	snop  }
0x4: {  	_ = 	snop  }
0x5: {  	_ = 	snop  }
0x6: {  	_ = 	snop  }
0x7: {  	_ = 	snop  }
__scs_overlays_trampoline_lowered:
0x8: {  	[smem:$0x3F98] =	sst s0  }
0x9: {  	[smem:$0x3F99] =	sst s1  }
0xa: {  	[smem:$0x3F9A] =	sst s2  }
0xb: {  	[smem:$0x3F9B] =	sst s3  }
0xc: {  	[smem:$0x3F9C] =	sst s4  }
0xd: {  	[smem:$0x3F9D] =	sst s5  }
0xe: {  	[smem:$0x3F9E] =	sst s6  }
0xf: {  	[smem:$0x3F9F] =	sst s7  }
0x10: {  	[smem:$0x3FA0] =	sst s8  }
0x11: {  	[smem:$0x3FA1] =	sst s9;
	s0 =	simm.s32 @!p0 $0x0  }
0x12: {  	s1 =	sld [smem:$0x3F87];
	s0 =	simm.s32 @p0 $0x1  }
0x13: {  	[smem:$0x3FA2] =	sst s0;
	s0 =	simm.s32 @!p1 $0x0  }
0x14: {  	s2 =	sld [smem:$0x3F86];
	s0 =	simm.s32 @p1 $0x1  }
0x15: {  	[smem:$0x3FA3] =	sst s0;
	s0 =	simm.s32 @!p2 $0x0  }
0x16: {  	s3 =	sld [smem:$0x3FDB];
	s0 =	simm.s32 @p2 $0x1  }
0x17: {  	s4 =	simm.s32 $0x1BF5;
	[smem:$0x3FA5] =	sst s0  }
0x18: {  	s0 =	sld [smem:$0x3F88];
	_ =	swait.ge [sflag:s4], $0x0  }
0x19: {  	s7 =	sld [smem:$0x3F89]  }
0x1a: {  	s8 =	sadd.s32 $0xFFFFE003, lr  }
0x1b: {  	s9 =	sadd.s32 $0xFFFFFEF7, lr;
	s5 =	simm.s32 $0xFFFFFFFF;
	p2 =	slt.u32 s8, $0xFFFFF086  }
0x1c: {  	p1 =	slt.u32 s9, $0xF7A;
	s5 =	simm.s32 @!p2 $0x0  }
0x1d: {  	s5 =	simm.s32 @p1 $0x1;
	p0 =	seq.s32 s7, s2  }
0x1e: {  	s7 =	smul.u32 @!p0 $0xF7A, s2;
	p2 =	seq.s32 @!p0 s5, $0x0  }
0x1f: {  	s9 =	smul.u32 $0xF7A, s1;
	s8 =	simm.s32 @!p0 $0x1BF5;
	p2 =	por !p2, p0  }
0x20: {  	[sflag:s8] =	ssyncset.s32 @!p0 $0xFFFFF086;
	s6 =	sadd.s32 @!p0 s3, s7;
	s7 =	simm.s32 @!p0 $0x108  }
0x21: {  	s3 =	sadd.s32 s3, s9;
	s6 =	sadd.s32 @!p0 $0x88, s6;
	s7 =	simm.s32 @p2 $0x1082  }
0x22: {  	[simem:s7], [sflag:s8] =	dma.local @!p0 [hbm:s6], $0xF7A  }
0x23: {  	s9 =	sor.u32 $0xD0000000, s2;
	s6 =	simm.s32 $0x108;
	_ =	swait.ge @!p0 [sflag:s8], $0x0  }
0x24: {  	s3 =	sadd.s32 $0x88, s3;
	s6 =	simm.s32 @!p1 $0x1082;
	[sflag:s4] =	ssyncset.s32 $0xFFFFF086  }
0x25: {  	[simem:s6], [sflag:s4] =	dma.local [hbm:s3], $0xF7A  }
0x26: {  	[smem:$0x3F89] =	sst s1;
	(tag) =	ssettag s2;
	_ =	strace s9  }
0x27: {  	s1 =	sld [smem:$0x3F99]  }
0x28: {  	s2 =	sld [smem:$0x3F9A]  }
0x29: {  	s4 =	sld [smem:$0x3F9C]  }
0x2a: {  	p0 =	seq.s32 s5, $0x0;
	s5 =	sld [smem:$0x3F9D]  }
0x2b: {  	s6 =	sld [smem:$0x3F9E]  }
0x2c: {  	s7 =	sld [smem:$0x3F9F]  }
0x2d: {  	s3 =	simm.s32 $0x108;
	s8 =	sld [smem:$0x3FA0]  }
0x2e: {  	s3 =	simm.s32 @!p0 $0x1082;
	s9 =	sld [smem:$0x3FA1]  }
0x2f: {  	lr =	sadd.s32 s0, s3;
	s0 =	sld [smem:$0x3F98]  }
0x30: {  	s3 =	sld [smem:$0x3F9B]  }
0x31: {  	[smem:$0x3FA4] =	sst s10  }
0x32: {  	s10 =	sld [smem:$0x3FA2];
	_ =	sdelay $0x3  }
0x33: {  	p0 =	seq.s32 s10, $0x1;
	s10 =	sld [smem:$0x3FA4];
	_ =	sdelay $0x3  }
0x34: {  	[smem:$0x3FA4] =	sst s10  }
0x35: {  	s10 =	sld [smem:$0x3FA3];
	_ =	sdelay $0x3  }
0x36: {  	p1 =	seq.s32 s10, $0x1;
	s10 =	sld [smem:$0x3FA4];
	_ =	sdelay $0x3  }
0x37: {  	[smem:$0x3FA4] =	sst s10  }
0x38: {  	s10 =	sld [smem:$0x3FA5]  }
0x39: {  	_ = 	snop;
	(pc) =	sbr.ind lr, $3  }
0x3a: {  	_ = 	snop  }
0x3b: {  	_ = 	snop  }
0x3c: {  	p2 =	seq.s32 s10, $0x1;
	s10 =	sld [smem:$0x3FA4]  }
0x3d: {  	_ =	shalt  }
0x3e: {  	_ =	shalt  }
0x3f: {  	_ =	shalt  }
0x40: {  	_ =	shalt  }
0x41: {  	_ =	shalt  }
0x42: {  	_ =	shalt  }
0x43: {  	_ =	shalt  }
0x44: {  	_ =	shalt  }
0x45: {  	_ =	shalt  }
0x46: {  	_ =	shalt  }
0x47: {  	_ =	shalt  }
0x48: {  	_ =	shalt  }
0x49: {  	_ =	shalt  }
0x4a: {  	_ =	shalt  }
0x4b: {  	_ =	shalt  }
0x4c: {  	_ =	shalt  }
0x4d: {  	_ =	shalt  }
0x4e: {  	_ =	shalt  }
0x4f: {  	_ =	shalt  }
0x50: {  	_ =	shalt  }
0x51: {  	_ =	shalt  }
0x52: {  	_ =	shalt  }
0x53: {  	_ =	shalt  }
0x54: {  	_ =	shalt  }
0x55: {  	_ =	shalt  }
0x56: {  	_ =	shalt  }
0x57: {  	_ =	shalt  }
0x58: {  	_ =	shalt  }
0x59: {  	_ =	shalt  }
0x5a: {  	_ =	shalt  }
0x5b: {  	_ =	shalt  }
0x5c: {  	_ =	shalt  }
0x5d: {  	_ =	shalt  }
0x5e: {  	_ =	shalt  }
0x5f: {  	_ =	shalt  }
0x60: {  	_ =	shalt  }
0x61: {  	_ =	shalt  }
0x62: {  	_ =	shalt  }
0x63: {  	_ =	shalt  }
0x64: {  	_ =	shalt  }
0x65: {  	_ =	shalt  }
0x66: {  	_ =	shalt  }
0x67: {  	_ =	shalt  }
0x68: {  	_ =	shalt  }
0x69: {  	_ =	shalt  }
0x6a: {  	_ =	shalt  }
0x6b: {  	_ =	shalt  }
0x6c: {  	_ =	shalt  }
0x6d: {  	_ =	shalt  }
0x6e: {  	_ =	shalt  }
0x6f: {  	_ =	shalt  }
0x70: {  	_ =	shalt  }
0x71: {  	_ =	shalt  }
0x72: {  	_ =	shalt  }
0x73: {  	_ =	shalt  }
0x74: {  	_ =	shalt  }
0x75: {  	_ =	shalt  }
0x76: {  	_ =	shalt  }
0x77: {  	_ =	shalt  }
0x78: {  	_ =	shalt  }
0x79: {  	_ =	shalt  }
0x7a: {  	_ =	shalt  }
0x7b: {  	_ =	shalt  }
0x7c: {  	_ =	shalt  }
0x7d: {  	_ =	shalt  }
0x7e: {  	_ =	shalt  }
0x7f: {  	_ =	shalt  }
0x80: {  	_ =	shalt  }
0x81: {  	_ =	shalt  }
0x82: {  	_ =	shalt  }
0x83: {  	_ =	shalt  }
0x84: {  	_ =	shalt  }
0x85: {  	_ =	shalt  }
0x86: {  	_ =	shalt  }
0x87: {  	_ =	shalt  }
.Lfunc_end0:
.L_simem_size_0:
called_computation.4_lowered:
.L_overlay_start_0:
0x88: {  	s2 =	sld [smem:$0x3FD9]  }
0x89: {  	s3 =	sld [smem:$0x3FFE];
	_ =	sdelay $0x1  }
0x8a: {  	s1 =	srdreg.scid  }
0x8b: {  	s0 =	sand.u32 $0x1, s1  }
0x8c: {  	s15 =	sshll.u32 s0, $0xA;
	s2 =	sadd.s32 s3, s2  }
0x8d: {  	s2 =	sadd.s32 s2, s15  }
0x8e: {  	[smem:$0x3FB0] =	sst s2  }
0x8f: {  	_ = 	snop  }
0x90: {  	s2 =	sld [smem:$0x3FD0];
	_ =	sdelay $0x2  }
0x91: {  	s16 =	simm.s32 $0xB;
	s4 =	simm.s32 $0x10  }
0x92: {  	[smem:s4], [sflag:s16] =	dma.local [hbm:s2], $0x1  }
0x93: {  	_ =	swait.eq [sflag:s16], $0x1  }
0x94: {  	[sflag:s16] =	ssyncset.done $0x0  }
0x95: {  	[sflag:s16] =	ssyncadd.s32 $0xFFFFFFFF  }
0x96: {  	s17 =	sld [smem:$0x12];
	(tm) =	ssettm $0x1  }
0x97: {  	s18 =	sld [smem:$0x3FFB];
	_ =	sdelay $0x3  }
0x98: {  	_ =	strace s18  }
0x99: {  	s2 =	sld [smem:$0x3FFC];
	_ =	sdelay $0x3  }
0x9a: {  	_ =	strace s2  }
0x9b: {  	s2 =	sld [smem:$0x3FFD];
	_ =	sdelay $0x3  }
0x9c: {  	_ =	strace s2  }
0x9d: {  	_ =	strace $0x8FFFFFFF  }
0x9e: {  	s19 =	sld [smem:$0x3FDB];
	_ =	sdelay $0x1  }
0x9f: {  	s20 =	simm.s32 $_scs_section_size  }
0xa0: {  	s5 =	simm.s32 $_size__tile_overlayer_lowered;
	s6 =	simm.s32 $_tile_overlayer_lowered  }
0xa1: {  	s7 =	simm.s32 $0x1BFF;
	s21 =	sshll.u32 s6, $0x1;
	s4 =	sadd.s32 s20, s19  }
0xa2: {  	s22 =	simm.s32 $0x0;
	s5 =	sshll.u32 s5, $0x1;
	s6 =	sadd.s32 s21, s4  }
0xa3: {  	[timem:s22], [sflag:s7] =	dma.local [hbm:s6], s5  }
0xa4: {  	_ =	swait.ge [sflag:s7], s5  }
0xa5: {  	s5 =	ssub.s32 $0x0, s5;
	[sflag:s7] =	ssyncset.done $0x0  }
0xa6: {  	[sflag:s7] =	ssyncadd.s32 s5;
	_ =	sdelay $0x1  }
0xa7: {  	s23 =	simm.s32 $0x1B8B  }
0xa8: {  	_ =	swait.ge [sflag:s23], $0x1  }
0xa9: {  	[sflag:s23] =	ssyncset.done $0x0  }
0xaa: {  	[sflag:s23] =	ssyncadd.s32 $0xFFFFFFFF  }
0xab: {  	s5 =	sld [smem:$0x0]  }
0xac: {  	s6 =	sand.u32 $0xFFFFFFFE, s1  }
0xad: {  	p0 =	sne.s32 s1, s6  }
0xae: {  	s6 =	sshll.u32 @p0 s6, $0xE  }
0xaf: {  	s6 =	sadd.s32 @p0 $0x11B8D, s6;
	s7 =	sshll.u32 @p0 s5, $0x11  }
0xb0: {  	s6 =	sor.u32 @p0 s7, s6  }
0xb1: {  	[sflag:s6] =	ssyncadd.remote.s32 @p0 $0x1;
	_ =	sdelay $0x1  }
0xb2: {  	s6 =	simm.s32 @p0 $0x1B8D  }
0xb3: {  	_ =	swait.eq @p0 [sflag:s6], $0x1  }
0xb4: {  	[sflag:s6] =	ssyncadd.s32 @p0 $0xFFFFFFFF  }
0xb5: {  	s7 =	sshll.u32 @!p0 s1, $0xE  }
0xb6: {  	s7 =	sor.u32 @!p0 $0x4000, s7;
	s6 =	simm.s32 @!p0 $0x1B8D  }
0xb7: {  	s5 =	sshll.u32 @!p0 s5, $0x11;
	s7 =	sadd.s32 @!p0 $0x11B8D, s7;
	_ =	swait.eq @!p0 [sflag:s6], $0x1  }
0xb8: {  	s5 =	sor.u32 @!p0 s5, s7;
	[sflag:s6] =	ssyncadd.s32 @!p0 $0xFFFFFFFF  }
0xb9: {  	s25 =	simm.s32 $0x1B8E;
	s24 =	sld [smem:$0x3FFE];
	[sflag:s5] =	ssyncadd.remote.s32 @!p0 $0x1  }
0xba: {  	s26 =	simm.s32 $execute0_lowered;
	[smem:$0x3FD2] =	sst s25  }
0xbb: {  	s6 =	sshll.u32 s26, $0x1;
	_ =	strace $0x80000052;
	[dreg:$0x1] =	wrdreg $0xFFFFFFFF  }
0xbc: {  	s28 =	simm.s32 $_size_execute0_lowered;
	s4 =	sadd.s32 s4, s6;
	[dreg:$0x0] =	wrdreg $0x0  }
0xbd: {  	s6 =	sshll.u32 s28, $0x1;
	[dreg:$0x2] =	wrdreg s4  }
0xbe: {  	[dreg:$0x3] =	wrdreg s6  }
0xbf: {  	[dreg:$0x4] =	wrdreg $0xC0  }
0xc0: {  	_ =	task [dreg:s22], $0x5FFFF  }
0xc1: {  	[dreg:$0x1] =	wrdreg $0xFFFFFFFF  }
0xc2: {  	[dreg:$0x0] =	wrdreg $0x60  }
0xc3: {  	[dreg:$0x2] =	wrdreg s24  }
0xc4: {  	[dreg:$0x3] =	wrdreg s17  }
0xc5: {  	[dreg:$0x4] =	wrdreg $0xA  }
0xc6: {  	_ =	task.clear_ibuf [dreg:s22], $0x5FFFF;
	_ =	strace $0x90000052  }
0xc7: {  	s29 =	simm.s32 $0xA;
	_ =	strace $0x80000054  }
0xc8: {  	_ =	swait.ge [sflag:s29], $0x1  }
0xc9: {  	[sflag:s29] =	ssyncadd.s32 $0xFFFFFFFF  }
0xca: {  	_ =	strace $0x90000054  }
0xcb: {  	_ =	sfence  }
0xcc: {  	s30 =	sld [smem:$0x0];
	_ =	sdelay $0x2  }
0xcd: {  	s31 =	sshll.u32 s1, $0xD;
	s1 =	sshrl.u32 s1, $0x2  }
0xce: {  	s4 =	sand.u32 $0x4000, s31;
	s1 =	sadd.s32 s1, s30  }
0xcf: {  	s0 =	sor.u32 s4, s0;
	s1 =	sshll.u32 s1, $0x11  }
0xd0: {  	s0 =	sor.u32 s1, s0  }
0xd1: {  	s0 =	sadd.s32 $0x8F2B, s0  }
0xd2: {  	[sflag:s0] =	ssyncadd.remote.s32 $0x1  }
0xd3: {  	_ =	sfence.sel $0xFFFF  }
0xd4: {  	[dreg:$0x0] =	wrdreg $0xFFFFFFFF;
	(pc) =	sbr.abs _section_cstart, $3  }
0xd5: {  	[dreg:$0x1] =	wrdreg $0xFFFFFFFF  }
0xd6: {  	_ =	task.clear_ibuf [dreg:s22], $0x2FFFF;
	_ =	strace $0x9FFFFFFF  }
0xd7: {  	(tm) =	ssettm $0x7FFFFFFF  }
tec
execute0_lowered:
.L_overlay_start_1:
0x0: {  	(tag) =	ssettag $0x1  }
0x1: {  	s0 =	rddreg [dreg:$0x0];
	s1 =	srdreg.scid  }
0x2: {  	s2 =	stileid.u32;
	s5 =	rddreg [dreg:$0x1]  }
0x3: {  	s29 =	simm.s32 $0x880;
	s30 =	simm.s32 $0x1080;
	s31 =	simm.s32 $0x1880  }
0x4: {  	s11 =	simm.s32 $0x3880;
	s12 =	simm.s32 $0x4080;
	s13 =	simm.s32 $0x4880  }
0x5: {  	s14 =	simm.s32 $0x5080;
	s15 =	simm.s32 $0x5880;
	s16 =	simm.s32 $0x6080  }
0x6: {  	s17 =	simm.s32 $0x6880;
	s18 =	simm.s32 $0x7080;
	s19 =	simm.s32 $0x7880  }
0x7: {  	s20 =	simm.s32 $0x8080;
	s21 =	simm.s32 $0x8880;
	s22 =	simm.s32 $0x9080  }
0x8: {  	s23 =	simm.s32 $0x9880;
	s24 =	simm.s32 $0xA080;
	s1 =	sand.u32 $0x1, s1  }
0x9: {  	s3 =	sshll.u32 s2, $0x1;
	s2 =	simm.s32 $0x0;
	s7 =	sadd.s32 $0x51C00, s0  }
0xa: {  	s4 =	sor.u32 s1, s3;
	[smem:$0x7FF] =	sst s2;
	s3 =	sadd.s32 $0x1200, s0  }
0xb: {  	s1 =	ssub.s32 $0x2, s1;
	s6 =	smul.u32 $0xA0, s4;
	_ =	strace $0x80000053  }
0xc: {  	s9 =	sshrl.u32 s1, $0x1;
	s10 =	smul.u32 $0x5000, s4;
	s4 =	sadd.s32 $0x1300, s0  }
0xd: {  	s1 =	ssub.s32 s1, s9;
	s8 =	sshrl.u32 s6, $0x3;
	s6 =	sadd.s32 $0x50, s6  }
0xe: {  	s25 =	sadd.s32 s7, s10;
	s10 =	simm.s32 $0x3080;
	s8 =	sadd.s32 s5, s8  }
0xf: {  	s26 =	sshrl.u32 s6, $0x3;
	[dreg:$0x4] =	wrdreg s25;
	s6 =	sshll.u32 s6, $0x7  }
0x10: {  	s25 =	simm.s32 $0xA880;
	[dreg:$0x3] =	wrdreg s8;
	s28 =	sadd.s32 s5, s26  }
0x11: {  	v2 =	vlaneseq.u32;
	s5 =	sadd.s32 $0x1400, s0;
	s7 =	sadd.s32 s7, s6;
	s6 =	sadd.s32 $0x1500, s0  }
0x12: {  	vm0 =	vmmov $0xffff;
	v1 =	vshrl.u32 v2, $0x3;
	s8 =	simm.s32 $0x2;
	s26 =	simm.s32 $0x1;
	[dreg:$0x5] =	wrdreg s28  }
0x13: {  	v0 =	vand.u32 $0x7, v2;
	v2 =	vor.u32 $0x8, v2;
	v1 =	vmul.u32 $0x8, v1;
	s0 =	simm.s32 $0x80;
	[dreg:$0x6] =	wrdreg s7;
	s7 =	smax.u32 s1, $0x1  }
.LBB2_1:
0x14: {  	s28 =	rddreg [dreg:$0x3]  }
0x15: {  	[tilespmem:s2], [sflag:$0x2] =	stream.linear.gather [hbm4b:s28+s2], $0x50, $0x38;
	[tilespmem:$0x14080] =	vst v63  }
0x16: {  	_ =	swait.ge [sflag:s8], $0x50  }
0x17: {  	[sflag:s8] =	ssyncset.done $0x0  }
0x18: {  	[sflag:s8] =	ssyncadd.s32 $0xFFFFFFB0  }
0x19: {  	v3 =	vld [tilespmem:$0x0];
	_ =	sdelay $0x4  }
0x1a: {  	v4 =	vshll.u32 v3, $0x3  }
0x1b: {  	v3 =	vand.u32 $0x7, v3;
	v4 =	vand.u32 $0xFFFFFFC0, v4  }
0x1c: {  	v3 =	vor.u32 v3, v4  }
0x1d: {  	v4 =	vperm.xlane v3, v0;
	_ =	sdelay $0x1  }
0x1e: {  	v4 =	vadd.s32 v1, v4;
	_ =	sdelay $0x4  }
0x1f: {  	[tilespmem:s0], [sflag:$0x1] =	stream.indirect_vreg.gather [hbm4b:s3+s2], $0x80, v4, vm0, $0xb8;
	[tilespmem:$0x14080] =	vst v63  }
0x20: {  	v3 =	vperm.xlane v3, v2  }
0x21: {  	[tilespmem:s29], [sflag:$0x1] =	stream.indirect_vreg.gather [hbm4b:s4+s2], $0x80, v4, vm0, $0xb8;
	[tilespmem:$0x14080] =	vst v63  }
0x22: {  	v3 =	vadd.s32 v1, v3  }
0x23: {  	[tilespmem:s30], [sflag:$0x1] =	stream.indirect_vreg.gather [hbm4b:s5+s2], $0x80, v4, vm0, $0xb8;
	[tilespmem:$0x14080] =	vst v63  }
0x24: {  	_ = 	snop  }
0x25: {  	[tilespmem:s31], [sflag:$0x1] =	stream.indirect_vreg.gather [hbm4b:s6+s2], $0x80, v4, vm0, $0xb8;
	[tilespmem:$0x14080] =	vst v63  }
0x26: {  	s1 =	simm.s32 $0x2080  }
0x27: {  	[tilespmem:s1], [sflag:$0x1] =	stream.indirect_vreg.gather [hbm4b:s3+s2], $0x80, v3, vm0, $0xb8;
	[tilespmem:$0x14080] =	vst v63  }
0x28: {  	s9 =	simm.s32 $0x2880  }
0x29: {  	[tilespmem:s9], [sflag:$0x1] =	stream.indirect_vreg.gather [hbm4b:s4+s2], $0x80, v3, vm0, $0xb8;
	[tilespmem:$0x14080] =	vst v63  }
0x2a: {  	_ = 	snop  }
0x2b: {  	[tilespmem:s10], [sflag:$0x1] =	stream.indirect_vreg.gather [hbm4b:s5+s2], $0x80, v3, vm0, $0xb8;
	[tilespmem:$0x14080] =	vst v63  }
0x2c: {  	_ = 	snop  }
0x2d: {  	[tilespmem:s11], [sflag:$0x1] =	stream.indirect_vreg.gather [hbm4b:s6+s2], $0x80, v3, vm0, $0xb8;
	[tilespmem:$0x14080] =	vst v63  }
0x2e: {  	v3 =	vld [tilespmem:$0x10];
	_ =	sdelay $0x4  }
0x2f: {  	v55 =	vshll.u32 v3, $0x3  }
0x30: {  	v3 =	vand.u32 $0x7, v3;
	v4 =	vand.u32 $0xFFFFFFC0, v55  }
0x31: {  	v3 =	vor.u32 v3, v4  }
0x32: {  	v4 =	vperm.xlane v3, v0;
	_ =	sdelay $0x1  }
0x33: {  	v4 =	vadd.s32 v1, v4;
	_ =	sdelay $0x4  }
0x34: {  	[tilespmem:s12], [sflag:$0x1] =	stream.indirect_vreg.gather [hbm4b:s3+s2], $0x80, v4, vm0, $0xb8;
	[tilespmem:$0x14080] =	vst v63  }
0x35: {  	v3 =	vperm.xlane v3, v2  }
0x36: {  	[tilespmem:s13], [sflag:$0x1] =	stream.indirect_vreg.gather [hbm4b:s4+s2], $0x80, v4, vm0, $0xb8;
	[tilespmem:$0x14080] =	vst v63  }
0x37: {  	v3 =	vadd.s32 v1, v3  }
0x38: {  	[tilespmem:s14], [sflag:$0x1] =	stream.indirect_vreg.gather [hbm4b:s5+s2], $0x80, v4, vm0, $0xb8;
	[tilespmem:$0x14080] =	vst v63  }
0x39: {  	_ = 	snop  }
0x3a: {  	[tilespmem:s15], [sflag:$0x1] =	stream.indirect_vreg.gather [hbm4b:s6+s2], $0x80, v4, vm0, $0xb8;
	[tilespmem:$0x14080] =	vst v63  }
0x3b: {  	_ = 	snop  }
0x3c: {  	[tilespmem:s16], [sflag:$0x1] =	stream.indirect_vreg.gather [hbm4b:s3+s2], $0x80, v3, vm0, $0xb8;
	[tilespmem:$0x14080] =	vst v63  }
0x3d: {  	_ = 	snop  }
0x3e: {  	[tilespmem:s17], [sflag:$0x1] =	stream.indirect_vreg.gather [hbm4b:s4+s2], $0x80, v3, vm0, $0xb8;
	[tilespmem:$0x14080] =	vst v63  }
0x3f: {  	_ = 	snop  }
0x40: {  	[tilespmem:s18], [sflag:$0x1] =	stream.indirect_vreg.gather [hbm4b:s5+s2], $0x80, v3, vm0, $0xb8;
	[tilespmem:$0x14080] =	vst v63  }
0x41: {  	_ = 	snop  }
0x42: {  	[tilespmem:s19], [sflag:$0x1] =	stream.indirect_vreg.gather [hbm4b:s6+s2], $0x80, v3, vm0, $0xb8;
	[tilespmem:$0x14080] =	vst v63  }
0x43: {  	v3 =	vld [tilespmem:$0x20];
	_ =	sdelay $0x4  }
0x44: {  	v56 =	vshll.u32 v3, $0x3  }
0x45: {  	v3 =	vand.u32 $0x7, v3;
	v4 =	vand.u32 $0xFFFFFFC0, v56  }
0x46: {  	v3 =	vor.u32 v3, v4  }
0x47: {  	v4 =	vperm.xlane v3, v0;
	_ =	sdelay $0x1  }
0x48: {  	v4 =	vadd.s32 v1, v4;
	_ =	sdelay $0x4  }
0x49: {  	[tilespmem:s20], [sflag:$0x1] =	stream.indirect_vreg.gather [hbm4b:s3+s2], $0x80, v4, vm0, $0xb8;
	[tilespmem:$0x14080] =	vst v63  }
0x4a: {  	v3 =	vperm.xlane v3, v2  }
0x4b: {  	[tilespmem:s21], [sflag:$0x1] =	stream.indirect_vreg.gather [hbm4b:s4+s2], $0x80, v4, vm0, $0xb8;
	[tilespmem:$0x14080] =	vst v63  }
0x4c: {  	v3 =	vadd.s32 v1, v3  }
0x4d: {  	[tilespmem:s22], [sflag:$0x1] =	stream.indirect_vreg.gather [hbm4b:s5+s2], $0x80, v4, vm0, $0xb8;
	[tilespmem:$0x14080] =	vst v63  }
0x4e: {  	_ = 	snop  }
0x4f: {  	[tilespmem:s23], [sflag:$0x1] =	stream.indirect_vreg.gather [hbm4b:s6+s2], $0x80, v4, vm0, $0xb8;
	[tilespmem:$0x14080] =	vst v63  }
0x50: {  	_ = 	snop  }
0x51: {  	[tilespmem:s24], [sflag:$0x1] =	stream.indirect_vreg.gather [hbm4b:s3+s2], $0x80, v3, vm0, $0xb8;
	[tilespmem:$0x14080] =	vst v63  }
0x52: {  	_ = 	snop  }
0x53: {  	[tilespmem:s25], [sflag:$0x1] =	stream.indirect_vreg.gather [hbm4b:s4+s2], $0x80, v3, vm0, $0xb8;
	[tilespmem:$0x14080] =	vst v63  }
0x54: {  	s9 =	simm.s32 $0xB080  }
0x55: {  	[tilespmem:s9], [sflag:$0x1] =	stream.indirect_vreg.gather [hbm4b:s5+s2], $0x80, v3, vm0, $0xb8;
	[tilespmem:$0x14080] =	vst v63  }
0x56: {  	s28 =	simm.s32 $0xB880  }
0x57: {  	[tilespmem:s28], [sflag:$0x1] =	stream.indirect_vreg.gather [hbm4b:s6+s2], $0x80, v3, vm0, $0xb8;
	[tilespmem:$0x14080] =	vst v63  }
0x58: {  	v3 =	vld [tilespmem:$0x30];
	_ =	sdelay $0x4  }
0x59: {  	v57 =	vshll.u32 v3, $0x3  }
0x5a: {  	v3 =	vand.u32 $0x7, v3;
	v4 =	vand.u32 $0xFFFFFFC0, v57  }
0x5b: {  	v3 =	vor.u32 v3, v4  }
0x5c: {  	v4 =	vperm.xlane v3, v0;
	_ =	sdelay $0x1  }
0x5d: {  	v4 =	vadd.s32 v1, v4;
	_ =	sdelay $0x3  }
0x5e: {  	s28 =	simm.s32 $0xC080  }
0x5f: {  	[tilespmem:s28], [sflag:$0x1] =	stream.indirect_vreg.gather [hbm4b:s3+s2], $0x80, v4, vm0, $0xb8;
	[tilespmem:$0x14080] =	vst v63  }
0x60: {  	v3 =	vperm.xlane v3, v2;
	s28 =	simm.s32 $0xC880  }
0x61: {  	[tilespmem:s28], [sflag:$0x1] =	stream.indirect_vreg.gather [hbm4b:s4+s2], $0x80, v4, vm0, $0xb8;
	[tilespmem:$0x14080] =	vst v63  }
0x62: {  	v3 =	vadd.s32 v1, v3;
	s28 =	simm.s32 $0xD080  }
0x63: {  	[tilespmem:s28], [sflag:$0x1] =	stream.indirect_vreg.gather [hbm4b:s5+s2], $0x80, v4, vm0, $0xb8;
	[tilespmem:$0x14080] =	vst v63  }
0x64: {  	s28 =	simm.s32 $0xD880  }
0x65: {  	[tilespmem:s28], [sflag:$0x1] =	stream.indirect_vreg.gather [hbm4b:s6+s2], $0x80, v4, vm0, $0xb8;
	[tilespmem:$0x14080] =	vst v63  }
0x66: {  	s28 =	simm.s32 $0xE080  }
0x67: {  	[tilespmem:s28], [sflag:$0x1] =	stream.indirect_vreg.gather [hbm4b:s3+s2], $0x80, v3, vm0, $0xb8;
	[tilespmem:$0x14080] =	vst v63  }
0x68: {  	s28 =	simm.s32 $0xE880  }
0x69: {  	[tilespmem:s28], [sflag:$0x1] =	stream.indirect_vreg.gather [hbm4b:s4+s2], $0x80, v3, vm0, $0xb8;
	[tilespmem:$0x14080] =	vst v63  }
0x6a: {  	s28 =	simm.s32 $0xF080  }
0x6b: {  	[tilespmem:s28], [sflag:$0x1] =	stream.indirect_vreg.gather [hbm4b:s5+s2], $0x80, v3, vm0, $0xb8;
	[tilespmem:$0x14080] =	vst v63  }
0x6c: {  	s28 =	simm.s32 $0xF880  }
0x6d: {  	[tilespmem:s28], [sflag:$0x1] =	stream.indirect_vreg.gather [hbm4b:s6+s2], $0x80, v3, vm0, $0xb8;
	[tilespmem:$0x14080] =	vst v63  }
0x6e: {  	v3 =	vld [tilespmem:$0x40];
	_ =	sdelay $0x4  }
0x6f: {  	v58 =	vshll.u32 v3, $0x3  }
0x70: {  	v3 =	vand.u32 $0x7, v3;
	v4 =	vand.u32 $0xFFFFFFC0, v58  }
0x71: {  	v3 =	vor.u32 v3, v4  }
0x72: {  	v4 =	vperm.xlane v3, v0;
	_ =	sdelay $0x1  }
0x73: {  	v4 =	vadd.s32 v1, v4;
	_ =	sdelay $0x3  }
0x74: {  	s28 =	simm.s32 $0x10080  }
0x75: {  	[tilespmem:s28], [sflag:$0x1] =	stream.indirect_vreg.gather [hbm4b:s3+s2], $0x80, v4, vm0, $0xb8;
	[tilespmem:$0x14080] =	vst v63  }
0x76: {  	v3 =	vperm.xlane v3, v2;
	s28 =	simm.s32 $0x10880  }
0x77: {  	[tilespmem:s28], [sflag:$0x1] =	stream.indirect_vreg.gather [hbm4b:s4+s2], $0x80, v4, vm0, $0xb8;
	[tilespmem:$0x14080] =	vst v63  }
0x78: {  	v3 =	vadd.s32 v1, v3;
	s28 =	simm.s32 $0x11080  }
0x79: {  	[tilespmem:s28], [sflag:$0x1] =	stream.indirect_vreg.gather [hbm4b:s5+s2], $0x80, v4, vm0, $0xb8;
	[tilespmem:$0x14080] =	vst v63  }
0x7a: {  	s28 =	simm.s32 $0x11880  }
0x7b: {  	[tilespmem:s28], [sflag:$0x1] =	stream.indirect_vreg.gather [hbm4b:s6+s2], $0x80, v4, vm0, $0xb8;
	[tilespmem:$0x14080] =	vst v63  }
0x7c: {  	s28 =	simm.s32 $0x12080  }
0x7d: {  	[tilespmem:s28], [sflag:$0x1] =	stream.indirect_vreg.gather [hbm4b:s3+s2], $0x80, v3, vm0, $0xb8;
	[tilespmem:$0x14080] =	vst v63  }
0x7e: {  	s28 =	simm.s32 $0x12880  }
0x7f: {  	[tilespmem:s28], [sflag:$0x1] =	stream.indirect_vreg.gather [hbm4b:s4+s2], $0x80, v3, vm0, $0xb8;
	[tilespmem:$0x14080] =	vst v63  }
0x80: {  	s28 =	simm.s32 $0x13080  }
0x81: {  	[tilespmem:s28], [sflag:$0x1] =	stream.indirect_vreg.gather [hbm4b:s5+s2], $0x80, v3, vm0, $0xb8;
	[tilespmem:$0x14080] =	vst v63  }
0x82: {  	s28 =	simm.s32 $0x13880  }
0x83: {  	[tilespmem:s28], [sflag:$0x1] =	stream.indirect_vreg.gather [hbm4b:s6+s2], $0x80, v3, vm0, $0xb8;
	[tilespmem:$0x14080] =	vst v63  }
0x84: {  	_ =	swait.ge [sflag:s26], $0x14000  }
0x85: {  	[sflag:s26] =	ssyncset.done $0x0  }
0x86: {  	s28 =	rddreg [dreg:$0x4];
	[sflag:s26] =	ssyncadd.s32 $0xFFFEC000  }
0x87: {  	[hbm4b:s28+s2] =	stream.linear.scatter [tilespmem:s0], [sflag:$0x2], $0x14000, $0x38;
	[tilespmem:$0x14080] =	vst v63  }
0x88: {  	_ =	swait.ge [sflag:s8], $0x14000  }
0x89: {  	[sflag:s8] =	ssyncset.done $0x0  }
0x8a: {  	s28 =	rddreg [dreg:$0x5];
	[sflag:s8] =	ssyncadd.s32 $0xFFFEC000  }
0x8b: {  	[tilespmem:s2], [sflag:$0x2] =	stream.linear.gather [hbm4b:s28+s2], $0x50, $0x38;
	[tilespmem:$0x14080] =	vst v63  }
0x8c: {  	_ =	swait.ge [sflag:s8], $0x50  }
0x8d: {  	[sflag:s8] =	ssyncset.done $0x0  }
0x8e: {  	[sflag:s8] =	ssyncadd.s32 $0xFFFFFFB0  }
0x8f: {  	v3 =	vld [tilespmem:$0x0];
	_ =	sdelay $0x4  }
0x90: {  	v59 =	vshll.u32 v3, $0x3  }
0x91: {  	v3 =	vand.u32 $0x7, v3;
	v4 =	vand.u32 $0xFFFFFFC0, v59  }
0x92: {  	v3 =	vor.u32 v3, v4  }
0x93: {  	v4 =	vperm.xlane v3, v0;
	_ =	sdelay $0x1  }
0x94: {  	v4 =	vadd.s32 v1, v4;
	_ =	sdelay $0x4  }
0x95: {  	[tilespmem:s0], [sflag:$0x1] =	stream.indirect_vreg.gather [hbm4b:s3+s2], $0x80, v4, vm0, $0xb8;
	[tilespmem:$0x14080] =	vst v63  }
0x96: {  	v3 =	vperm.xlane v3, v2  }
0x97: {  	[tilespmem:s29], [sflag:$0x1] =	stream.indirect_vreg.gather [hbm4b:s4+s2], $0x80, v4, vm0, $0xb8;
	[tilespmem:$0x14080] =	vst v63  }
0x98: {  	v3 =	vadd.s32 v1, v3  }
0x99: {  	[tilespmem:s30], [sflag:$0x1] =	stream.indirect_vreg.gather [hbm4b:s5+s2], $0x80, v4, vm0, $0xb8;
	[tilespmem:$0x14080] =	vst v63  }
0x9a: {  	_ = 	snop  }
0x9b: {  	[tilespmem:s31], [sflag:$0x1] =	stream.indirect_vreg.gather [hbm4b:s6+s2], $0x80, v4, vm0, $0xb8;
	[tilespmem:$0x14080] =	vst v63  }
0x9c: {  	_ = 	snop  }
0x9d: {  	[tilespmem:s1], [sflag:$0x1] =	stream.indirect_vreg.gather [hbm4b:s3+s2], $0x80, v3, vm0, $0xb8;
	[tilespmem:$0x14080] =	vst v63  }
0x9e: {  	s28 =	simm.s32 $0x2880  }
0x9f: {  	[tilespmem:s28], [sflag:$0x1] =	stream.indirect_vreg.gather [hbm4b:s4+s2], $0x80, v3, vm0, $0xb8;
	[tilespmem:$0x14080] =	vst v63  }
0xa0: {  	_ = 	snop  }
0xa1: {  	[tilespmem:s10], [sflag:$0x1] =	stream.indirect_vreg.gather [hbm4b:s5+s2], $0x80, v3, vm0, $0xb8;
	[tilespmem:$0x14080] =	vst v63  }
0xa2: {  	_ = 	snop  }
0xa3: {  	[tilespmem:s11], [sflag:$0x1] =	stream.indirect_vreg.gather [hbm4b:s6+s2], $0x80, v3, vm0, $0xb8;
	[tilespmem:$0x14080] =	vst v63  }
0xa4: {  	v3 =	vld [tilespmem:$0x10];
	_ =	sdelay $0x4  }
0xa5: {  	v60 =	vshll.u32 v3, $0x3  }
0xa6: {  	v3 =	vand.u32 $0x7, v3;
	v4 =	vand.u32 $0xFFFFFFC0, v60  }
0xa7: {  	v3 =	vor.u32 v3, v4  }
0xa8: {  	v4 =	vperm.xlane v3, v0;
	_ =	sdelay $0x1  }
0xa9: {  	v4 =	vadd.s32 v1, v4;
	_ =	sdelay $0x4  }
0xaa: {  	[tilespmem:s12], [sflag:$0x1] =	stream.indirect_vreg.gather [hbm4b:s3+s2], $0x80, v4, vm0, $0xb8;
	[tilespmem:$0x14080] =	vst v63  }
0xab: {  	v3 =	vperm.xlane v3, v2  }
0xac: {  	[tilespmem:s13], [sflag:$0x1] =	stream.indirect_vreg.gather [hbm4b:s4+s2], $0x80, v4, vm0, $0xb8;
	[tilespmem:$0x14080] =	vst v63  }
0xad: {  	v3 =	vadd.s32 v1, v3  }
0xae: {  	[tilespmem:s14], [sflag:$0x1] =	stream.indirect_vreg.gather [hbm4b:s5+s2], $0x80, v4, vm0, $0xb8;
	[tilespmem:$0x14080] =	vst v63  }
0xaf: {  	_ = 	snop  }
0xb0: {  	[tilespmem:s15], [sflag:$0x1] =	stream.indirect_vreg.gather [hbm4b:s6+s2], $0x80, v4, vm0, $0xb8;
	[tilespmem:$0x14080] =	vst v63  }
0xb1: {  	_ = 	snop  }
0xb2: {  	[tilespmem:s16], [sflag:$0x1] =	stream.indirect_vreg.gather [hbm4b:s3+s2], $0x80, v3, vm0, $0xb8;
	[tilespmem:$0x14080] =	vst v63  }
0xb3: {  	_ = 	snop  }
0xb4: {  	[tilespmem:s17], [sflag:$0x1] =	stream.indirect_vreg.gather [hbm4b:s4+s2], $0x80, v3, vm0, $0xb8;
	[tilespmem:$0x14080] =	vst v63  }
0xb5: {  	_ = 	snop  }
0xb6: {  	[tilespmem:s18], [sflag:$0x1] =	stream.indirect_vreg.gather [hbm4b:s5+s2], $0x80, v3, vm0, $0xb8;
	[tilespmem:$0x14080] =	vst v63  }
0xb7: {  	_ = 	snop  }
0xb8: {  	[tilespmem:s19], [sflag:$0x1] =	stream.indirect_vreg.gather [hbm4b:s6+s2], $0x80, v3, vm0, $0xb8;
	[tilespmem:$0x14080] =	vst v63  }
0xb9: {  	v3 =	vld [tilespmem:$0x20];
	_ =	sdelay $0x4  }
0xba: {  	v61 =	vshll.u32 v3, $0x3  }
0xbb: {  	v3 =	vand.u32 $0x7, v3;
	v4 =	vand.u32 $0xFFFFFFC0, v61  }
0xbc: {  	v3 =	vor.u32 v3, v4  }
0xbd: {  	v4 =	vperm.xlane v3, v0;
	_ =	sdelay $0x1  }
0xbe: {  	v4 =	vadd.s32 v1, v4;
	_ =	sdelay $0x4  }
0xbf: {  	[tilespmem:s20], [sflag:$0x1] =	stream.indirect_vreg.gather [hbm4b:s3+s2], $0x80, v4, vm0, $0xb8;
	[tilespmem:$0x14080] =	vst v63  }
0xc0: {  	v3 =	vperm.xlane v3, v2  }
0xc1: {  	[tilespmem:s21], [sflag:$0x1] =	stream.indirect_vreg.gather [hbm4b:s4+s2], $0x80, v4, vm0, $0xb8;
	[tilespmem:$0x14080] =	vst v63  }
0xc2: {  	v3 =	vadd.s32 v1, v3  }
0xc3: {  	[tilespmem:s22], [sflag:$0x1] =	stream.indirect_vreg.gather [hbm4b:s5+s2], $0x80, v4, vm0, $0xb8;
	[tilespmem:$0x14080] =	vst v63  }
0xc4: {  	_ = 	snop  }
0xc5: {  	[tilespmem:s23], [sflag:$0x1] =	stream.indirect_vreg.gather [hbm4b:s6+s2], $0x80, v4, vm0, $0xb8;
	[tilespmem:$0x14080] =	vst v63  }
0xc6: {  	_ = 	snop  }
0xc7: {  	[tilespmem:s24], [sflag:$0x1] =	stream.indirect_vreg.gather [hbm4b:s3+s2], $0x80, v3, vm0, $0xb8;
	[tilespmem:$0x14080] =	vst v63  }
0xc8: {  	_ = 	snop  }
0xc9: {  	[tilespmem:s25], [sflag:$0x1] =	stream.indirect_vreg.gather [hbm4b:s4+s2], $0x80, v3, vm0, $0xb8;
	[tilespmem:$0x14080] =	vst v63  }
0xca: {  	_ = 	snop  }
0xcb: {  	[tilespmem:s9], [sflag:$0x1] =	stream.indirect_vreg.gather [hbm4b:s5+s2], $0x80, v3, vm0, $0xb8;
	[tilespmem:$0x14080] =	vst v63  }
0xcc: {  	s28 =	simm.s32 $0xB880  }
0xcd: {  	[tilespmem:s28], [sflag:$0x1] =	stream.indirect_vreg.gather [hbm4b:s6+s2], $0x80, v3, vm0, $0xb8;
	[tilespmem:$0x14080] =	vst v63  }
0xce: {  	v3 =	vld [tilespmem:$0x30];
	_ =	sdelay $0x4  }
0xcf: {  	v62 =	vshll.u32 v3, $0x3  }
0xd0: {  	v3 =	vand.u32 $0x7, v3;
	v4 =	vand.u32 $0xFFFFFFC0, v62  }
0xd1: {  	v3 =	vor.u32 v3, v4  }
0xd2: {  	v4 =	vperm.xlane v3, v0;
	_ =	sdelay $0x1  }
0xd3: {  	v4 =	vadd.s32 v1, v4;
	_ =	sdelay $0x3  }
0xd4: {  	s9 =	simm.s32 $0xC080  }
0xd5: {  	[tilespmem:s9], [sflag:$0x1] =	stream.indirect_vreg.gather [hbm4b:s3+s2], $0x80, v4, vm0, $0xb8;
	[tilespmem:$0x14080] =	vst v63  }
0xd6: {  	s28 =	simm.s32 $0xC880;
	v3 =	vperm.xlane v3, v2  }
0xd7: {  	[tilespmem:s28], [sflag:$0x1] =	stream.indirect_vreg.gather [hbm4b:s4+s2], $0x80, v4, vm0, $0xb8;
	[tilespmem:$0x14080] =	vst v63  }
0xd8: {  	v3 =	vadd.s32 v1, v3;
	s9 =	simm.s32 $0xD080  }
0xd9: {  	[tilespmem:s9], [sflag:$0x1] =	stream.indirect_vreg.gather [hbm4b:s5+s2], $0x80, v4, vm0, $0xb8;
	[tilespmem:$0x14080] =	vst v63  }
0xda: {  	s28 =	simm.s32 $0xD880  }
0xdb: {  	[tilespmem:s28], [sflag:$0x1] =	stream.indirect_vreg.gather [hbm4b:s6+s2], $0x80, v4, vm0, $0xb8;
	[tilespmem:$0x14080] =	vst v63  }
0xdc: {  	s9 =	simm.s32 $0xE080  }
0xdd: {  	[tilespmem:s9], [sflag:$0x1] =	stream.indirect_vreg.gather [hbm4b:s3+s2], $0x80, v3, vm0, $0xb8;
	[tilespmem:$0x14080] =	vst v63  }
0xde: {  	s28 =	simm.s32 $0xE880  }
0xdf: {  	[tilespmem:s28], [sflag:$0x1] =	stream.indirect_vreg.gather [hbm4b:s4+s2], $0x80, v3, vm0, $0xb8;
	[tilespmem:$0x14080] =	vst v63  }
0xe0: {  	s9 =	simm.s32 $0xF080  }
0xe1: {  	[tilespmem:s9], [sflag:$0x1] =	stream.indirect_vreg.gather [hbm4b:s5+s2], $0x80, v3, vm0, $0xb8;
	[tilespmem:$0x14080] =	vst v63  }
0xe2: {  	s28 =	simm.s32 $0xF880  }
0xe3: {  	[tilespmem:s28], [sflag:$0x1] =	stream.indirect_vreg.gather [hbm4b:s6+s2], $0x80, v3, vm0, $0xb8;
	[tilespmem:$0x14080] =	vst v63  }
0xe4: {  	v3 =	vld [tilespmem:$0x40];
	_ =	sdelay $0x4  }
0xe5: {  	v63 =	vshll.u32 v3, $0x3  }
0xe6: {  	v3 =	vand.u32 $0x7, v3;
	v4 =	vand.u32 $0xFFFFFFC0, v63  }
0xe7: {  	v3 =	vor.u32 v3, v4  }
0xe8: {  	v4 =	vperm.xlane v3, v0;
	_ =	sdelay $0x1  }
0xe9: {  	v4 =	vadd.s32 v1, v4;
	_ =	sdelay $0x3  }
0xea: {  	s9 =	simm.s32 $0x10080  }
0xeb: {  	[tilespmem:s9], [sflag:$0x1] =	stream.indirect_vreg.gather [hbm4b:s3+s2], $0x80, v4, vm0, $0xb8;
	[tilespmem:$0x14080] =	vst v63  }
0xec: {  	s28 =	simm.s32 $0x10880;
	v3 =	vperm.xlane v3, v2  }
0xed: {  	[tilespmem:s28], [sflag:$0x1] =	stream.indirect_vreg.gather [hbm4b:s4+s2], $0x80, v4, vm0, $0xb8;
	[tilespmem:$0x14080] =	vst v63  }
0xee: {  	v3 =	vadd.s32 v1, v3;
	s9 =	simm.s32 $0x11080  }
0xef: {  	[tilespmem:s9], [sflag:$0x1] =	stream.indirect_vreg.gather [hbm4b:s5+s2], $0x80, v4, vm0, $0xb8;
	[tilespmem:$0x14080] =	vst v63  }
0xf0: {  	s28 =	simm.s32 $0x11880  }
0xf1: {  	[tilespmem:s28], [sflag:$0x1] =	stream.indirect_vreg.gather [hbm4b:s6+s2], $0x80, v4, vm0, $0xb8;
	[tilespmem:$0x14080] =	vst v63  }
0xf2: {  	s9 =	simm.s32 $0x12080  }
0xf3: {  	[tilespmem:s9], [sflag:$0x1] =	stream.indirect_vreg.gather [hbm4b:s3+s2], $0x80, v3, vm0, $0xb8;
	[tilespmem:$0x14080] =	vst v63  }
0xf4: {  	s28 =	simm.s32 $0x12880  }
0xf5: {  	[tilespmem:s28], [sflag:$0x1] =	stream.indirect_vreg.gather [hbm4b:s4+s2], $0x80, v3, vm0, $0xb8;
	[tilespmem:$0x14080] =	vst v63  }
0xf6: {  	s9 =	simm.s32 $0x13080  }
0xf7: {  	[tilespmem:s9], [sflag:$0x1] =	stream.indirect_vreg.gather [hbm4b:s5+s2], $0x80, v3, vm0, $0xb8;
	[tilespmem:$0x14080] =	vst v63  }
0xf8: {  	s28 =	simm.s32 $0x13880  }
0xf9: {  	[tilespmem:s28], [sflag:$0x1] =	stream.indirect_vreg.gather [hbm4b:s6+s2], $0x80, v3, vm0, $0xb8;
	[tilespmem:$0x14080] =	vst v63  }
0xfa: {  	_ =	swait.ge [sflag:s26], $0x14000  }
0xfb: {  	p0 =	sne.s32 s7, $0x1;
	[sflag:s26] =	ssyncset.done $0x0  }
.Ltmp0:
0xfc: {  	s9 =	rddreg [dreg:$0x6];
	[sflag:s26] =	ssyncadd.s32 $0xFFFEC000;
	(pc) =	sbr.rel @p0 .LBB2_1-.Ltmp0, $4  }
0xfd: {  	[hbm4b:s9+s2] =	stream.linear.scatter [tilespmem:s0], [sflag:$0x2], $0x14000, $0x38;
	[tilespmem:$0x14080] =	vst v63  }
0xfe: {  	_ =	swait.ge [sflag:s8], $0x14000  }
0xff: {  	[sflag:s8] =	ssyncset.done $0x0  }
0x100: {  	s7 =	sadd.s32 $0xFFFFFFFF, s7;
	[sflag:s8] =	ssyncadd.s32 $0xFFFEC000  }
0x101: {  	_ =	sfence.sel $0x180000  }
0x102: {  	[bflag:$0x0] =	sbarrier.arrive $0xFFFF  }
0x103: {  	_ =	strace $0x90000053  }
0x104: {  	s0 =	stileid.u32;
	[bflag:$0x2] =	sbarrier.arrive $0xFFFF  }
0x105: {  	p0 =	sne.s32 s0, $0x0;
	s0 =	rddreg [dreg:$0x2]  }
0x106: {  	s0 =	sadd.s32 @!p0 $0x100000, s0  }
0x107: {  	[sflag:s0] =	ssyncadd.tile.s32 @!p0 $0x1;
	_ =	shalt  }
.Lfunc_end2:
_tile_overlayer_lowered:
.L_overlay_start_2:
0x108: {  	(tag) =	ssettag $0x2  }
0x109: {  	s0 =	rddreg [dreg:$0x0];
	s2 =	stileid.u32  }
0x10a: {  	s1 =	rddreg [dreg:$0x1];
	p0 =	sne.s32 s2, $0x0  }
0x10b: {  	s3 =	rddreg [dreg:$0x2];
	[bflag:$0x3] =	sbarrier.arrive $0xFFFF;
	s2 =	simm.s32 @!p0 $0x1C02  }
0x10c: {  	[timem:s3], [sflag:s2] =	dma.local @!p0 [hbm:s0], s1  }
0x10d: {  	s0 =	simm.s32 @!p0 $0x2  }
0x10e: {  	_ =	swait.ge @!p0 [sflag:s0], s1  }
0x10f: {  	s1 =	ssub.s32 @!p0 $0x0, s1;
	[sflag:s0] =	ssyncset.done @!p0 $0x0  }
0x110: {  	[sflag:s0] =	ssyncadd.s32 @!p0 s1  }
0x111: {  	[bflag:$0x3] =	sbarrier.arrive $0xFFFF  }
0x112: {  	_ =	shalt  }

// kernel: kernel.13.cloned.1.call-start
scs
__scs_entry_jumppad:
0x0: {  	(pc) =	sbr.rel $0x88, $3  }
0x1: {  	(tag) =	ssettag $0x0;
	lr =	simm.s32 $0x1  }
0x2: {  	[smem:$0x3F89] =	sst lr;
	_ =	strace $0xD0000000  }
0x3: {  	_ = 	snop  }
0x4: {  	_ = 	snop  }
0x5: {  	_ = 	snop  }
0x6: {  	_ = 	snop  }
0x7: {  	_ = 	snop  }
__scs_overlays_trampoline_lowered:
0x8: {  	[smem:$0x3F98] =	sst s0  }
0x9: {  	[smem:$0x3F99] =	sst s1  }
0xa: {  	[smem:$0x3F9A] =	sst s2  }
0xb: {  	[smem:$0x3F9B] =	sst s3  }
0xc: {  	[smem:$0x3F9C] =	sst s4  }
0xd: {  	[smem:$0x3F9D] =	sst s5  }
0xe: {  	[smem:$0x3F9E] =	sst s6  }
0xf: {  	[smem:$0x3F9F] =	sst s7  }
0x10: {  	[smem:$0x3FA0] =	sst s8  }
0x11: {  	[smem:$0x3FA1] =	sst s9;
	s0 =	simm.s32 @!p0 $0x0  }
0x12: {  	s1 =	sld [smem:$0x3F87];
	s0 =	simm.s32 @p0 $0x1  }
0x13: {  	[smem:$0x3FA2] =	sst s0;
	s0 =	simm.s32 @!p1 $0x0  }
0x14: {  	s2 =	sld [smem:$0x3F86];
	s0 =	simm.s32 @p1 $0x1  }
0x15: {  	[smem:$0x3FA3] =	sst s0;
	s0 =	simm.s32 @!p2 $0x0  }
0x16: {  	s3 =	sld [smem:$0x3FDB];
	s0 =	simm.s32 @p2 $0x1  }
0x17: {  	s4 =	simm.s32 $0x1BF5;
	[smem:$0x3FA5] =	sst s0  }
0x18: {  	s0 =	sld [smem:$0x3F88];
	_ =	swait.ge [sflag:s4], $0x0  }
0x19: {  	s7 =	sld [smem:$0x3F89]  }
0x1a: {  	s8 =	sadd.s32 $0xFFFFE003, lr  }
0x1b: {  	s9 =	sadd.s32 $0xFFFFFEF7, lr;
	s5 =	simm.s32 $0xFFFFFFFF;
	p2 =	slt.u32 s8, $0xFFFFF086  }
0x1c: {  	p1 =	slt.u32 s9, $0xF7A;
	s5 =	simm.s32 @!p2 $0x0  }
0x1d: {  	s5 =	simm.s32 @p1 $0x1;
	p0 =	seq.s32 s7, s2  }
0x1e: {  	s7 =	smul.u32 @!p0 $0xF7A, s2;
	p2 =	seq.s32 @!p0 s5, $0x0  }
0x1f: {  	s9 =	smul.u32 $0xF7A, s1;
	s8 =	simm.s32 @!p0 $0x1BF5;
	p2 =	por !p2, p0  }
0x20: {  	[sflag:s8] =	ssyncset.s32 @!p0 $0xFFFFF086;
	s6 =	sadd.s32 @!p0 s3, s7;
	s7 =	simm.s32 @!p0 $0x108  }
0x21: {  	s3 =	sadd.s32 s3, s9;
	s6 =	sadd.s32 @!p0 $0x88, s6;
	s7 =	simm.s32 @p2 $0x1082  }
0x22: {  	[simem:s7], [sflag:s8] =	dma.local @!p0 [hbm:s6], $0xF7A  }
0x23: {  	s9 =	sor.u32 $0xD0000000, s2;
	s6 =	simm.s32 $0x108;
	_ =	swait.ge @!p0 [sflag:s8], $0x0  }
0x24: {  	s3 =	sadd.s32 $0x88, s3;
	s6 =	simm.s32 @!p1 $0x1082;
	[sflag:s4] =	ssyncset.s32 $0xFFFFF086  }
0x25: {  	[simem:s6], [sflag:s4] =	dma.local [hbm:s3], $0xF7A  }
0x26: {  	[smem:$0x3F89] =	sst s1;
	(tag) =	ssettag s2;
	_ =	strace s9  }
0x27: {  	s1 =	sld [smem:$0x3F99]  }
0x28: {  	s2 =	sld [smem:$0x3F9A]  }
0x29: {  	s4 =	sld [smem:$0x3F9C]  }
0x2a: {  	p0 =	seq.s32 s5, $0x0;
	s5 =	sld [smem:$0x3F9D]  }
0x2b: {  	s6 =	sld [smem:$0x3F9E]  }
0x2c: {  	s7 =	sld [smem:$0x3F9F]  }
0x2d: {  	s3 =	simm.s32 $0x108;
	s8 =	sld [smem:$0x3FA0]  }
0x2e: {  	s3 =	simm.s32 @!p0 $0x1082;
	s9 =	sld [smem:$0x3FA1]  }
0x2f: {  	lr =	sadd.s32 s0, s3;
	s0 =	sld [smem:$0x3F98]  }
0x30: {  	s3 =	sld [smem:$0x3F9B]  }
0x31: {  	[smem:$0x3FA4] =	sst s10  }
0x32: {  	s10 =	sld [smem:$0x3FA2];
	_ =	sdelay $0x3  }
0x33: {  	p0 =	seq.s32 s10, $0x1;
	s10 =	sld [smem:$0x3FA4];
	_ =	sdelay $0x3  }
0x34: {  	[smem:$0x3FA4] =	sst s10  }
0x35: {  	s10 =	sld [smem:$0x3FA3];
	_ =	sdelay $0x3  }
0x36: {  	p1 =	seq.s32 s10, $0x1;
	s10 =	sld [smem:$0x3FA4];
	_ =	sdelay $0x3  }
0x37: {  	[smem:$0x3FA4] =	sst s10  }
0x38: {  	s10 =	sld [smem:$0x3FA5]  }
0x39: {  	_ = 	snop;
	(pc) =	sbr.ind lr, $3  }
0x3a: {  	_ = 	snop  }
0x3b: {  	_ = 	snop  }
0x3c: {  	p2 =	seq.s32 s10, $0x1;
	s10 =	sld [smem:$0x3FA4]  }
0x3d: {  	_ =	shalt  }
0x3e: {  	_ =	shalt  }
0x3f: {  	_ =	shalt  }
0x40: {  	_ =	shalt  }
0x41: {  	_ =	shalt  }
0x42: {  	_ =	shalt  }
0x43: {  	_ =	shalt  }
0x44: {  	_ =	shalt  }
0x45: {  	_ =	shalt  }
0x46: {  	_ =	shalt  }
0x47: {  	_ =	shalt  }
0x48: {  	_ =	shalt  }
0x49: {  	_ =	shalt  }
0x4a: {  	_ =	shalt  }
0x4b: {  	_ =	shalt  }
0x4c: {  	_ =	shalt  }
0x4d: {  	_ =	shalt  }
0x4e: {  	_ =	shalt  }
0x4f: {  	_ =	shalt  }
0x50: {  	_ =	shalt  }
0x51: {  	_ =	shalt  }
0x52: {  	_ =	shalt  }
0x53: {  	_ =	shalt  }
0x54: {  	_ =	shalt  }
0x55: {  	_ =	shalt  }
0x56: {  	_ =	shalt  }
0x57: {  	_ =	shalt  }
0x58: {  	_ =	shalt  }
0x59: {  	_ =	shalt  }
0x5a: {  	_ =	shalt  }
0x5b: {  	_ =	shalt  }
0x5c: {  	_ =	shalt  }
0x5d: {  	_ =	shalt  }
0x5e: {  	_ =	shalt  }
0x5f: {  	_ =	shalt  }
0x60: {  	_ =	shalt  }
0x61: {  	_ =	shalt  }
0x62: {  	_ =	shalt  }
0x63: {  	_ =	shalt  }
0x64: {  	_ =	shalt  }
0x65: {  	_ =	shalt  }
0x66: {  	_ =	shalt  }
0x67: {  	_ =	shalt  }
0x68: {  	_ =	shalt  }
0x69: {  	_ =	shalt  }
0x6a: {  	_ =	shalt  }
0x6b: {  	_ =	shalt  }
0x6c: {  	_ =	shalt  }
0x6d: {  	_ =	shalt  }
0x6e: {  	_ =	shalt  }
0x6f: {  	_ =	shalt  }
0x70: {  	_ =	shalt  }
0x71: {  	_ =	shalt  }
0x72: {  	_ =	shalt  }
0x73: {  	_ =	shalt  }
0x74: {  	_ =	shalt  }
0x75: {  	_ =	shalt  }
0x76: {  	_ =	shalt  }
0x77: {  	_ =	shalt  }
0x78: {  	_ =	shalt  }
0x79: {  	_ =	shalt  }
0x7a: {  	_ =	shalt  }
0x7b: {  	_ =	shalt  }
0x7c: {  	_ =	shalt  }
0x7d: {  	_ =	shalt  }
0x7e: {  	_ =	shalt  }
0x7f: {  	_ =	shalt  }
0x80: {  	_ =	shalt  }
0x81: {  	_ =	shalt  }
0x82: {  	_ =	shalt  }
0x83: {  	_ =	shalt  }
0x84: {  	_ =	shalt  }
0x85: {  	_ =	shalt  }
0x86: {  	_ =	shalt  }
0x87: {  	_ =	shalt  }
.Lfunc_end0:
.L_simem_size_0:
called_computation.5_lowered:
.L_overlay_start_0:
0x88: {  	s2 =	sld [smem:$0x3FD9]  }
0x89: {  	s3 =	sld [smem:$0x3FFE];
	_ =	sdelay $0x1  }
0x8a: {  	s1 =	srdreg.scid  }
0x8b: {  	s0 =	sand.u32 $0x1, s1  }
0x8c: {  	s16 =	sshll.u32 s0, $0xA;
	s2 =	sadd.s32 s3, s2  }
0x8d: {  	s2 =	sadd.s32 s2, s16  }
0x8e: {  	[smem:$0x3FB0] =	sst s2  }
0x8f: {  	_ = 	snop  }
0x90: {  	(tm) =	ssettm $0x1  }
0x91: {  	s17 =	sld [smem:$0x3FFB];
	_ =	sdelay $0x3  }
0x92: {  	_ =	strace s17  }
0x93: {  	s2 =	sld [smem:$0x3FFC];
	_ =	sdelay $0x3  }
0x94: {  	_ =	strace s2  }
0x95: {  	s2 =	sld [smem:$0x3FFD];
	_ =	sdelay $0x3  }
0x96: {  	_ =	strace s2  }
0x97: {  	_ =	strace $0x8FFFFFFF  }
0x98: {  	s18 =	sld [smem:$0x3FDB];
	_ =	sdelay $0x1  }
0x99: {  	s19 =	simm.s32 $_scs_section_size  }
0x9a: {  	s4 =	simm.s32 $_size__tile_overlayer_lowered;
	s5 =	simm.s32 $_tile_overlayer_lowered  }
0x9b: {  	s22 =	simm.s32 $0x1BFF;
	s21 =	sshll.u32 s5, $0x1;
	s2 =	sadd.s32 s19, s18  }
0x9c: {  	s6 =	simm.s32 $0x0;
	s20 =	sshll.u32 s4, $0x1;
	s4 =	sadd.s32 s21, s2  }
0x9d: {  	[timem:s6], [sflag:s22] =	dma.local [hbm:s4], s20  }
0x9e: {  	_ =	swait.ge [sflag:s22], s20  }
0x9f: {  	s3 =	ssub.s32 $0x0, s20;
	[sflag:s22] =	ssyncset.done $0x0  }
0xa0: {  	[sflag:s22] =	ssyncadd.s32 s3;
	_ =	sdelay $0x1  }
0xa1: {  	s23 =	simm.s32 $0x1B8B  }
0xa2: {  	_ =	swait.ge [sflag:s23], $0x1  }
0xa3: {  	[sflag:s23] =	ssyncset.done $0x0  }
0xa4: {  	s25 =	simm.s32 $0x1B8E;
	s24 =	sld [smem:$0x3FFE];
	[sflag:s23] =	ssyncadd.s32 $0xFFFFFFFF  }
0xa5: {  	s26 =	simm.s32 $execute0_lowered;
	[smem:$0x3FD2] =	sst s25  }
0xa6: {  	s4 =	sshll.u32 s26, $0x1;
	_ =	strace $0x80000055;
	[dreg:$0x1] =	wrdreg $0xFFFFFFFF  }
0xa7: {  	s28 =	simm.s32 $_size_execute0_lowered;
	s2 =	sadd.s32 s2, s4;
	[dreg:$0x0] =	wrdreg $0x0  }
0xa8: {  	s4 =	sshll.u32 s28, $0x1;
	[dreg:$0x2] =	wrdreg s2  }
0xa9: {  	[dreg:$0x3] =	wrdreg s4  }
0xaa: {  	[dreg:$0x4] =	wrdreg $0xC0  }
0xab: {  	_ =	task [dreg:s6], $0x5FFFF  }
0xac: {  	[dreg:$0x1] =	wrdreg $0xFFFFFFFF  }
0xad: {  	[dreg:$0x0] =	wrdreg $0x60  }
0xae: {  	[dreg:$0x2] =	wrdreg s24  }
0xaf: {  	[dreg:$0x3] =	wrdreg $0x9  }
0xb0: {  	_ =	task.clear_ibuf [dreg:s6], $0x4FFFF;
	_ =	strace $0x90000055  }
0xb1: {  	s29 =	simm.s32 $0x9;
	_ =	strace $0x80000057  }
0xb2: {  	_ =	swait.ge [sflag:s29], $0x1  }
0xb3: {  	[sflag:s29] =	ssyncadd.s32 $0xFFFFFFFF  }
0xb4: {  	_ =	strace $0x90000057  }
0xb5: {  	_ =	sfence  }
0xb6: {  	s30 =	sld [smem:$0x0];
	_ =	sdelay $0x2  }
0xb7: {  	s31 =	sshll.u32 s1, $0xD;
	s1 =	sshrl.u32 s1, $0x2  }
0xb8: {  	s3 =	sand.u32 $0x4000, s31;
	s1 =	sadd.s32 s1, s30  }
0xb9: {  	s0 =	sor.u32 s3, s0;
	s1 =	sshll.u32 s1, $0x11  }
0xba: {  	s0 =	sor.u32 s1, s0  }
0xbb: {  	s0 =	sadd.s32 $0x8F2B, s0  }
0xbc: {  	[sflag:s0] =	ssyncadd.remote.s32 $0x1  }
0xbd: {  	_ =	sfence.sel $0xFFFF  }
0xbe: {  	[dreg:$0x0] =	wrdreg $0xFFFFFFFF;
	(pc) =	sbr.abs _section_cstart, $3  }
0xbf: {  	[dreg:$0x1] =	wrdreg $0xFFFFFFFF  }
0xc0: {  	_ =	task.clear_ibuf [dreg:s6], $0x2FFFF;
	_ =	strace $0x9FFFFFFF  }
0xc1: {  	(tm) =	ssettm $0x7FFFFFFF  }
tec
execute0_lowered:
.L_overlay_start_1:
0x0: {  	(tag) =	ssettag $0x1  }
0x1: {  	s0 =	rddreg [dreg:$0x0];
	s1 =	srdreg.scid  }
0x2: {  	s2 =	simm.s32 $0x0;
	s3 =	stileid.u32;
	s18 =	simm.s32 $0x1  }
0x3: {  	s20 =	simm.s32 $0x880;
	s21 =	simm.s32 $0x1080;
	s22 =	simm.s32 $0x1880  }
0x4: {  	s23 =	simm.s32 $0x2080;
	s28 =	simm.s32 $0x4080;
	s29 =	simm.s32 $0x4880  }
0x5: {  	s30 =	simm.s32 $0x5080;
	s31 =	simm.s32 $0x5880;
	s11 =	simm.s32 $0x7880  }
0x6: {  	s12 =	simm.s32 $0x8080;
	s13 =	simm.s32 $0x8880;
	s14 =	simm.s32 $0x9080  }
0x7: {  	s15 =	simm.s32 $0x9880;
	s16 =	simm.s32 $0xA080;
	s17 =	simm.s32 $0xA880  }
0x8: {  	s1 =	sand.u32 $0x1, s1;
	[smem:$0x7FF] =	sst s2;
	s3 =	sshll.u32 s3, $0x8  }
0x9: {  	s6 =	sadd.s32 $0x51200, s0;
	s8 =	sadd.s32 $0x51400, s0;
	s4 =	sshll.u32 s1, $0x7  }
0xa: {  	_ =	strace $0x80000056;
	s1 =	ssub.s32 $0x2, s1;
	s5 =	sor.u32 s4, s3  }
0xb: {  	s3 =	sadd.s32 $0xF1C00, s0;
	s7 =	sshrl.u32 s1, $0x1;
	s4 =	sshrl.u32 s5, $0x3  }
0xc: {  	s1 =	ssub.s32 s1, s7;
	s24 =	sshll.u32 s5, $0x7;
	s9 =	sor.u32 $0x40, s5  }
0xd: {  	s5 =	sadd.s32 $0xF1E00, s0;
	s4 =	sadd.s32 s6, s4;
	s7 =	sadd.s32 s8, s24  }
0xe: {  	s10 =	sshrl.u32 s9, $0x3;
	s9 =	sshll.u32 s9, $0x7;
	[dreg:$0x2] =	wrdreg s4  }
0xf: {  	s24 =	simm.s32 $0x2880;
	s4 =	sadd.s32 $0xF1D00, s0;
	[dreg:$0x3] =	wrdreg s7  }
0x10: {  	s25 =	sadd.s32 s6, s10;
	s6 =	sadd.s32 $0xF1F00, s0;
	s26 =	sadd.s32 s8, s9  }
0x11: {  	v2 =	vlaneseq.u32;
	s7 =	smax.u32 s1, $0x1;
	s8 =	simm.s32 $0x2;
	s0 =	simm.s32 $0x80  }
0x12: {  	vm0 =	vmmov $0xffff;
	v1 =	vshrl.u32 v2, $0x3;
	s10 =	simm.s32 $0x7080;
	s9 =	simm.s32 $0xB080;
	[dreg:$0x4] =	wrdreg s25  }
0x13: {  	v0 =	vand.u32 $0x7, v2;
	v2 =	vor.u32 $0x8, v2;
	v1 =	vmul.u32 $0x8, v1;
	[dreg:$0x5] =	wrdreg s26;
	s25 =	simm.s32 $0x3080;
	s26 =	simm.s32 $0x3880  }
.LBB2_1:
0x14: {  	s19 =	rddreg [dreg:$0x2]  }
0x15: {  	[tilespmem:s2], [sflag:$0x2] =	stream.linear.gather [hbm4b:s19+s2], $0x40, $0x38;
	[tilespmem:$0x10080] =	vst v63  }
0x16: {  	_ =	swait.ge [sflag:s8], $0x40  }
0x17: {  	[sflag:s8] =	ssyncset.done $0x0  }
0x18: {  	[sflag:s8] =	ssyncadd.s32 $0xFFFFFFC0  }
0x19: {  	v3 =	vld [tilespmem:$0x0];
	_ =	sdelay $0x4  }
0x1a: {  	v4 =	vshll.u32 v3, $0x3  }
0x1b: {  	v3 =	vand.u32 $0x7, v3;
	v4 =	vand.u32 $0xFFFFFFC0, v4  }
0x1c: {  	v3 =	vor.u32 v3, v4  }
0x1d: {  	v4 =	vperm.xlane v3, v0;
	_ =	sdelay $0x1  }
0x1e: {  	v4 =	vadd.s32 v1, v4;
	_ =	sdelay $0x4  }
0x1f: {  	[tilespmem:s0], [sflag:$0x1] =	stream.indirect_vreg.gather [hbm4b:s3+s2], $0x80, v4, vm0, $0xb8;
	[tilespmem:$0x10080] =	vst v63  }
0x20: {  	v3 =	vperm.xlane v3, v2  }
0x21: {  	[tilespmem:s20], [sflag:$0x1] =	stream.indirect_vreg.gather [hbm4b:s4+s2], $0x80, v4, vm0, $0xb8;
	[tilespmem:$0x10080] =	vst v63  }
0x22: {  	v3 =	vadd.s32 v1, v3  }
0x23: {  	[tilespmem:s21], [sflag:$0x1] =	stream.indirect_vreg.gather [hbm4b:s5+s2], $0x80, v4, vm0, $0xb8;
	[tilespmem:$0x10080] =	vst v63  }
0x24: {  	_ = 	snop  }
0x25: {  	[tilespmem:s22], [sflag:$0x1] =	stream.indirect_vreg.gather [hbm4b:s6+s2], $0x80, v4, vm0, $0xb8;
	[tilespmem:$0x10080] =	vst v63  }
0x26: {  	_ = 	snop  }
0x27: {  	[tilespmem:s23], [sflag:$0x1] =	stream.indirect_vreg.gather [hbm4b:s3+s2], $0x80, v3, vm0, $0xb8;
	[tilespmem:$0x10080] =	vst v63  }
0x28: {  	_ = 	snop  }
0x29: {  	[tilespmem:s24], [sflag:$0x1] =	stream.indirect_vreg.gather [hbm4b:s4+s2], $0x80, v3, vm0, $0xb8;
	[tilespmem:$0x10080] =	vst v63  }
0x2a: {  	_ = 	snop  }
0x2b: {  	[tilespmem:s25], [sflag:$0x1] =	stream.indirect_vreg.gather [hbm4b:s5+s2], $0x80, v3, vm0, $0xb8;
	[tilespmem:$0x10080] =	vst v63  }
0x2c: {  	_ = 	snop  }
0x2d: {  	[tilespmem:s26], [sflag:$0x1] =	stream.indirect_vreg.gather [hbm4b:s6+s2], $0x80, v3, vm0, $0xb8;
	[tilespmem:$0x10080] =	vst v63  }
0x2e: {  	v3 =	vld [tilespmem:$0x10];
	_ =	sdelay $0x4  }
0x2f: {  	v57 =	vshll.u32 v3, $0x3  }
0x30: {  	v3 =	vand.u32 $0x7, v3;
	v4 =	vand.u32 $0xFFFFFFC0, v57  }
0x31: {  	v3 =	vor.u32 v3, v4  }
0x32: {  	v4 =	vperm.xlane v3, v0;
	_ =	sdelay $0x1  }
0x33: {  	v4 =	vadd.s32 v1, v4;
	_ =	sdelay $0x4  }
0x34: {  	[tilespmem:s28], [sflag:$0x1] =	stream.indirect_vreg.gather [hbm4b:s3+s2], $0x80, v4, vm0, $0xb8;
	[tilespmem:$0x10080] =	vst v63  }
0x35: {  	v3 =	vperm.xlane v3, v2  }
0x36: {  	[tilespmem:s29], [sflag:$0x1] =	stream.indirect_vreg.gather [hbm4b:s4+s2], $0x80, v4, vm0, $0xb8;
	[tilespmem:$0x10080] =	vst v63  }
0x37: {  	v3 =	vadd.s32 v1, v3  }
0x38: {  	[tilespmem:s30], [sflag:$0x1] =	stream.indirect_vreg.gather [hbm4b:s5+s2], $0x80, v4, vm0, $0xb8;
	[tilespmem:$0x10080] =	vst v63  }
0x39: {  	_ = 	snop  }
0x3a: {  	[tilespmem:s31], [sflag:$0x1] =	stream.indirect_vreg.gather [hbm4b:s6+s2], $0x80, v4, vm0, $0xb8;
	[tilespmem:$0x10080] =	vst v63  }
0x3b: {  	s1 =	simm.s32 $0x6080  }
0x3c: {  	[tilespmem:s1], [sflag:$0x1] =	stream.indirect_vreg.gather [hbm4b:s3+s2], $0x80, v3, vm0, $0xb8;
	[tilespmem:$0x10080] =	vst v63  }
0x3d: {  	s1 =	simm.s32 $0x6880  }
0x3e: {  	[tilespmem:s1], [sflag:$0x1] =	stream.indirect_vreg.gather [hbm4b:s4+s2], $0x80, v3, vm0, $0xb8;
	[tilespmem:$0x10080] =	vst v63  }
0x3f: {  	_ = 	snop  }
0x40: {  	[tilespmem:s10], [sflag:$0x1] =	stream.indirect_vreg.gather [hbm4b:s5+s2], $0x80, v3, vm0, $0xb8;
	[tilespmem:$0x10080] =	vst v63  }
0x41: {  	_ = 	snop  }
0x42: {  	[tilespmem:s11], [sflag:$0x1] =	stream.indirect_vreg.gather [hbm4b:s6+s2], $0x80, v3, vm0, $0xb8;
	[tilespmem:$0x10080] =	vst v63  }
0x43: {  	v3 =	vld [tilespmem:$0x20];
	_ =	sdelay $0x4  }
0x44: {  	v58 =	vshll.u32 v3, $0x3  }
0x45: {  	v3 =	vand.u32 $0x7, v3;
	v4 =	vand.u32 $0xFFFFFFC0, v58  }
0x46: {  	v3 =	vor.u32 v3, v4  }
0x47: {  	v4 =	vperm.xlane v3, v0;
	_ =	sdelay $0x1  }
0x48: {  	v4 =	vadd.s32 v1, v4;
	_ =	sdelay $0x4  }
0x49: {  	[tilespmem:s12], [sflag:$0x1] =	stream.indirect_vreg.gather [hbm4b:s3+s2], $0x80, v4, vm0, $0xb8;
	[tilespmem:$0x10080] =	vst v63  }
0x4a: {  	v3 =	vperm.xlane v3, v2  }
0x4b: {  	[tilespmem:s13], [sflag:$0x1] =	stream.indirect_vreg.gather [hbm4b:s4+s2], $0x80, v4, vm0, $0xb8;
	[tilespmem:$0x10080] =	vst v63  }
0x4c: {  	v3 =	vadd.s32 v1, v3  }
0x4d: {  	[tilespmem:s14], [sflag:$0x1] =	stream.indirect_vreg.gather [hbm4b:s5+s2], $0x80, v4, vm0, $0xb8;
	[tilespmem:$0x10080] =	vst v63  }
0x4e: {  	_ = 	snop  }
0x4f: {  	[tilespmem:s15], [sflag:$0x1] =	stream.indirect_vreg.gather [hbm4b:s6+s2], $0x80, v4, vm0, $0xb8;
	[tilespmem:$0x10080] =	vst v63  }
0x50: {  	_ = 	snop  }
0x51: {  	[tilespmem:s16], [sflag:$0x1] =	stream.indirect_vreg.gather [hbm4b:s3+s2], $0x80, v3, vm0, $0xb8;
	[tilespmem:$0x10080] =	vst v63  }
0x52: {  	_ = 	snop  }
0x53: {  	[tilespmem:s17], [sflag:$0x1] =	stream.indirect_vreg.gather [hbm4b:s4+s2], $0x80, v3, vm0, $0xb8;
	[tilespmem:$0x10080] =	vst v63  }
0x54: {  	_ = 	snop  }
0x55: {  	[tilespmem:s9], [sflag:$0x1] =	stream.indirect_vreg.gather [hbm4b:s5+s2], $0x80, v3, vm0, $0xb8;
	[tilespmem:$0x10080] =	vst v63  }
0x56: {  	s19 =	simm.s32 $0xB880  }
0x57: {  	[tilespmem:s19], [sflag:$0x1] =	stream.indirect_vreg.gather [hbm4b:s6+s2], $0x80, v3, vm0, $0xb8;
	[tilespmem:$0x10080] =	vst v63  }
0x58: {  	v3 =	vld [tilespmem:$0x30];
	_ =	sdelay $0x4  }
0x59: {  	v59 =	vshll.u32 v3, $0x3  }
0x5a: {  	v3 =	vand.u32 $0x7, v3;
	v4 =	vand.u32 $0xFFFFFFC0, v59  }
0x5b: {  	v3 =	vor.u32 v3, v4  }
0x5c: {  	v4 =	vperm.xlane v3, v0;
	_ =	sdelay $0x1  }
0x5d: {  	v4 =	vadd.s32 v1, v4;
	_ =	sdelay $0x3  }
0x5e: {  	s19 =	simm.s32 $0xC080  }
0x5f: {  	[tilespmem:s19], [sflag:$0x1] =	stream.indirect_vreg.gather [hbm4b:s3+s2], $0x80, v4, vm0, $0xb8;
	[tilespmem:$0x10080] =	vst v63  }
0x60: {  	v3 =	vperm.xlane v3, v2;
	s19 =	simm.s32 $0xC880  }
0x61: {  	[tilespmem:s19], [sflag:$0x1] =	stream.indirect_vreg.gather [hbm4b:s4+s2], $0x80, v4, vm0, $0xb8;
	[tilespmem:$0x10080] =	vst v63  }
0x62: {  	v3 =	vadd.s32 v1, v3;
	s19 =	simm.s32 $0xD080  }
0x63: {  	[tilespmem:s19], [sflag:$0x1] =	stream.indirect_vreg.gather [hbm4b:s5+s2], $0x80, v4, vm0, $0xb8;
	[tilespmem:$0x10080] =	vst v63  }
0x64: {  	s19 =	simm.s32 $0xD880  }
0x65: {  	[tilespmem:s19], [sflag:$0x1] =	stream.indirect_vreg.gather [hbm4b:s6+s2], $0x80, v4, vm0, $0xb8;
	[tilespmem:$0x10080] =	vst v63  }
0x66: {  	s19 =	simm.s32 $0xE080  }
0x67: {  	[tilespmem:s19], [sflag:$0x1] =	stream.indirect_vreg.gather [hbm4b:s3+s2], $0x80, v3, vm0, $0xb8;
	[tilespmem:$0x10080] =	vst v63  }
0x68: {  	s19 =	simm.s32 $0xE880  }
0x69: {  	[tilespmem:s19], [sflag:$0x1] =	stream.indirect_vreg.gather [hbm4b:s4+s2], $0x80, v3, vm0, $0xb8;
	[tilespmem:$0x10080] =	vst v63  }
0x6a: {  	s19 =	simm.s32 $0xF080  }
0x6b: {  	[tilespmem:s19], [sflag:$0x1] =	stream.indirect_vreg.gather [hbm4b:s5+s2], $0x80, v3, vm0, $0xb8;
	[tilespmem:$0x10080] =	vst v63  }
0x6c: {  	s19 =	simm.s32 $0xF880  }
0x6d: {  	[tilespmem:s19], [sflag:$0x1] =	stream.indirect_vreg.gather [hbm4b:s6+s2], $0x80, v3, vm0, $0xb8;
	[tilespmem:$0x10080] =	vst v63  }
0x6e: {  	_ =	swait.ge [sflag:s18], $0x10000  }
0x6f: {  	[sflag:s18] =	ssyncset.done $0x0  }
0x70: {  	s19 =	rddreg [dreg:$0x3];
	[sflag:s18] =	ssyncadd.s32 $0xFFFF0000  }
0x71: {  	[hbm4b:s19+s2] =	stream.linear.scatter [tilespmem:s0], [sflag:$0x2], $0x10000, $0x38;
	[tilespmem:$0x10080] =	vst v63  }
0x72: {  	_ =	swait.ge [sflag:s8], $0x10000  }
0x73: {  	[sflag:s8] =	ssyncset.done $0x0  }
0x74: {  	s19 =	rddreg [dreg:$0x4];
	[sflag:s8] =	ssyncadd.s32 $0xFFFF0000  }
0x75: {  	[tilespmem:s2], [sflag:$0x2] =	stream.linear.gather [hbm4b:s19+s2], $0x40, $0x38;
	[tilespmem:$0x10080] =	vst v63  }
0x76: {  	_ =	swait.ge [sflag:s8], $0x40  }
0x77: {  	[sflag:s8] =	ssyncset.done $0x0  }
0x78: {  	[sflag:s8] =	ssyncadd.s32 $0xFFFFFFC0  }
0x79: {  	v3 =	vld [tilespmem:$0x0];
	_ =	sdelay $0x4  }
0x7a: {  	v60 =	vshll.u32 v3, $0x3  }
0x7b: {  	v3 =	vand.u32 $0x7, v3;
	v4 =	vand.u32 $0xFFFFFFC0, v60  }
0x7c: {  	v3 =	vor.u32 v3, v4  }
0x7d: {  	v4 =	vperm.xlane v3, v0;
	_ =	sdelay $0x1  }
0x7e: {  	v4 =	vadd.s32 v1, v4;
	_ =	sdelay $0x4  }
0x7f: {  	[tilespmem:s0], [sflag:$0x1] =	stream.indirect_vreg.gather [hbm4b:s3+s2], $0x80, v4, vm0, $0xb8;
	[tilespmem:$0x10080] =	vst v63  }
0x80: {  	v3 =	vperm.xlane v3, v2  }
0x81: {  	[tilespmem:s20], [sflag:$0x1] =	stream.indirect_vreg.gather [hbm4b:s4+s2], $0x80, v4, vm0, $0xb8;
	[tilespmem:$0x10080] =	vst v63  }
0x82: {  	v3 =	vadd.s32 v1, v3  }
0x83: {  	[tilespmem:s21], [sflag:$0x1] =	stream.indirect_vreg.gather [hbm4b:s5+s2], $0x80, v4, vm0, $0xb8;
	[tilespmem:$0x10080] =	vst v63  }
0x84: {  	_ = 	snop  }
0x85: {  	[tilespmem:s22], [sflag:$0x1] =	stream.indirect_vreg.gather [hbm4b:s6+s2], $0x80, v4, vm0, $0xb8;
	[tilespmem:$0x10080] =	vst v63  }
0x86: {  	_ = 	snop  }
0x87: {  	[tilespmem:s23], [sflag:$0x1] =	stream.indirect_vreg.gather [hbm4b:s3+s2], $0x80, v3, vm0, $0xb8;
	[tilespmem:$0x10080] =	vst v63  }
0x88: {  	_ = 	snop  }
0x89: {  	[tilespmem:s24], [sflag:$0x1] =	stream.indirect_vreg.gather [hbm4b:s4+s2], $0x80, v3, vm0, $0xb8;
	[tilespmem:$0x10080] =	vst v63  }
0x8a: {  	_ = 	snop  }
0x8b: {  	[tilespmem:s25], [sflag:$0x1] =	stream.indirect_vreg.gather [hbm4b:s5+s2], $0x80, v3, vm0, $0xb8;
	[tilespmem:$0x10080] =	vst v63  }
0x8c: {  	_ = 	snop  }
0x8d: {  	[tilespmem:s26], [sflag:$0x1] =	stream.indirect_vreg.gather [hbm4b:s6+s2], $0x80, v3, vm0, $0xb8;
	[tilespmem:$0x10080] =	vst v63  }
0x8e: {  	v3 =	vld [tilespmem:$0x10];
	_ =	sdelay $0x4  }
0x8f: {  	v61 =	vshll.u32 v3, $0x3  }
0x90: {  	v3 =	vand.u32 $0x7, v3;
	v4 =	vand.u32 $0xFFFFFFC0, v61  }
0x91: {  	v3 =	vor.u32 v3, v4  }
0x92: {  	v4 =	vperm.xlane v3, v0;
	_ =	sdelay $0x1  }
0x93: {  	v4 =	vadd.s32 v1, v4;
	_ =	sdelay $0x4  }
0x94: {  	[tilespmem:s28], [sflag:$0x1] =	stream.indirect_vreg.gather [hbm4b:s3+s2], $0x80, v4, vm0, $0xb8;
	[tilespmem:$0x10080] =	vst v63  }
0x95: {  	v3 =	vperm.xlane v3, v2  }
0x96: {  	[tilespmem:s29], [sflag:$0x1] =	stream.indirect_vreg.gather [hbm4b:s4+s2], $0x80, v4, vm0, $0xb8;
	[tilespmem:$0x10080] =	vst v63  }
0x97: {  	v3 =	vadd.s32 v1, v3  }
0x98: {  	[tilespmem:s30], [sflag:$0x1] =	stream.indirect_vreg.gather [hbm4b:s5+s2], $0x80, v4, vm0, $0xb8;
	[tilespmem:$0x10080] =	vst v63  }
0x99: {  	_ = 	snop  }
0x9a: {  	[tilespmem:s31], [sflag:$0x1] =	stream.indirect_vreg.gather [hbm4b:s6+s2], $0x80, v4, vm0, $0xb8;
	[tilespmem:$0x10080] =	vst v63  }
0x9b: {  	s19 =	simm.s32 $0x6080  }
0x9c: {  	[tilespmem:s19], [sflag:$0x1] =	stream.indirect_vreg.gather [hbm4b:s3+s2], $0x80, v3, vm0, $0xb8;
	[tilespmem:$0x10080] =	vst v63  }
0x9d: {  	_ = 	snop  }
0x9e: {  	[tilespmem:s1], [sflag:$0x1] =	stream.indirect_vreg.gather [hbm4b:s4+s2], $0x80, v3, vm0, $0xb8;
	[tilespmem:$0x10080] =	vst v63  }
0x9f: {  	_ = 	snop  }
0xa0: {  	[tilespmem:s10], [sflag:$0x1] =	stream.indirect_vreg.gather [hbm4b:s5+s2], $0x80, v3, vm0, $0xb8;
	[tilespmem:$0x10080] =	vst v63  }
0xa1: {  	_ = 	snop  }
0xa2: {  	[tilespmem:s11], [sflag:$0x1] =	stream.indirect_vreg.gather [hbm4b:s6+s2], $0x80, v3, vm0, $0xb8;
	[tilespmem:$0x10080] =	vst v63  }
0xa3: {  	v3 =	vld [tilespmem:$0x20];
	_ =	sdelay $0x4  }
0xa4: {  	v62 =	vshll.u32 v3, $0x3  }
0xa5: {  	v3 =	vand.u32 $0x7, v3;
	v4 =	vand.u32 $0xFFFFFFC0, v62  }
0xa6: {  	v3 =	vor.u32 v3, v4  }
0xa7: {  	v4 =	vperm.xlane v3, v0;
	_ =	sdelay $0x1  }
0xa8: {  	v4 =	vadd.s32 v1, v4;
	_ =	sdelay $0x4  }
0xa9: {  	[tilespmem:s12], [sflag:$0x1] =	stream.indirect_vreg.gather [hbm4b:s3+s2], $0x80, v4, vm0, $0xb8;
	[tilespmem:$0x10080] =	vst v63  }
0xaa: {  	v3 =	vperm.xlane v3, v2  }
0xab: {  	[tilespmem:s13], [sflag:$0x1] =	stream.indirect_vreg.gather [hbm4b:s4+s2], $0x80, v4, vm0, $0xb8;
	[tilespmem:$0x10080] =	vst v63  }
0xac: {  	v3 =	vadd.s32 v1, v3  }
0xad: {  	[tilespmem:s14], [sflag:$0x1] =	stream.indirect_vreg.gather [hbm4b:s5+s2], $0x80, v4, vm0, $0xb8;
	[tilespmem:$0x10080] =	vst v63  }
0xae: {  	_ = 	snop  }
0xaf: {  	[tilespmem:s15], [sflag:$0x1] =	stream.indirect_vreg.gather [hbm4b:s6+s2], $0x80, v4, vm0, $0xb8;
	[tilespmem:$0x10080] =	vst v63  }
0xb0: {  	_ = 	snop  }
0xb1: {  	[tilespmem:s16], [sflag:$0x1] =	stream.indirect_vreg.gather [hbm4b:s3+s2], $0x80, v3, vm0, $0xb8;
	[tilespmem:$0x10080] =	vst v63  }
0xb2: {  	_ = 	snop  }
0xb3: {  	[tilespmem:s17], [sflag:$0x1] =	stream.indirect_vreg.gather [hbm4b:s4+s2], $0x80, v3, vm0, $0xb8;
	[tilespmem:$0x10080] =	vst v63  }
0xb4: {  	_ = 	snop  }
0xb5: {  	[tilespmem:s9], [sflag:$0x1] =	stream.indirect_vreg.gather [hbm4b:s5+s2], $0x80, v3, vm0, $0xb8;
	[tilespmem:$0x10080] =	vst v63  }
0xb6: {  	s19 =	simm.s32 $0xB880  }
0xb7: {  	[tilespmem:s19], [sflag:$0x1] =	stream.indirect_vreg.gather [hbm4b:s6+s2], $0x80, v3, vm0, $0xb8;
	[tilespmem:$0x10080] =	vst v63  }
0xb8: {  	v3 =	vld [tilespmem:$0x30];
	_ =	sdelay $0x4  }
0xb9: {  	v63 =	vshll.u32 v3, $0x3  }
0xba: {  	v3 =	vand.u32 $0x7, v3;
	v4 =	vand.u32 $0xFFFFFFC0, v63  }
0xbb: {  	v3 =	vor.u32 v3, v4  }
0xbc: {  	v4 =	vperm.xlane v3, v0;
	_ =	sdelay $0x1  }
0xbd: {  	v4 =	vadd.s32 v1, v4;
	_ =	sdelay $0x3  }
0xbe: {  	s19 =	simm.s32 $0xC080  }
0xbf: {  	[tilespmem:s19], [sflag:$0x1] =	stream.indirect_vreg.gather [hbm4b:s3+s2], $0x80, v4, vm0, $0xb8;
	[tilespmem:$0x10080] =	vst v63  }
0xc0: {  	v3 =	vperm.xlane v3, v2;
	s19 =	simm.s32 $0xC880  }
0xc1: {  	[tilespmem:s19], [sflag:$0x1] =	stream.indirect_vreg.gather [hbm4b:s4+s2], $0x80, v4, vm0, $0xb8;
	[tilespmem:$0x10080] =	vst v63  }
0xc2: {  	v3 =	vadd.s32 v1, v3;
	s19 =	simm.s32 $0xD080  }
0xc3: {  	[tilespmem:s19], [sflag:$0x1] =	stream.indirect_vreg.gather [hbm4b:s5+s2], $0x80, v4, vm0, $0xb8;
	[tilespmem:$0x10080] =	vst v63  }
0xc4: {  	s19 =	simm.s32 $0xD880  }
0xc5: {  	[tilespmem:s19], [sflag:$0x1] =	stream.indirect_vreg.gather [hbm4b:s6+s2], $0x80, v4, vm0, $0xb8;
	[tilespmem:$0x10080] =	vst v63  }
0xc6: {  	s19 =	simm.s32 $0xE080  }
0xc7: {  	[tilespmem:s19], [sflag:$0x1] =	stream.indirect_vreg.gather [hbm4b:s3+s2], $0x80, v3, vm0, $0xb8;
	[tilespmem:$0x10080] =	vst v63  }
0xc8: {  	s19 =	simm.s32 $0xE880  }
0xc9: {  	[tilespmem:s19], [sflag:$0x1] =	stream.indirect_vreg.gather [hbm4b:s4+s2], $0x80, v3, vm0, $0xb8;
	[tilespmem:$0x10080] =	vst v63  }
0xca: {  	s19 =	simm.s32 $0xF080  }
0xcb: {  	[tilespmem:s19], [sflag:$0x1] =	stream.indirect_vreg.gather [hbm4b:s5+s2], $0x80, v3, vm0, $0xb8;
	[tilespmem:$0x10080] =	vst v63  }
0xcc: {  	s19 =	simm.s32 $0xF880  }
0xcd: {  	[tilespmem:s19], [sflag:$0x1] =	stream.indirect_vreg.gather [hbm4b:s6+s2], $0x80, v3, vm0, $0xb8;
	[tilespmem:$0x10080] =	vst v63  }
0xce: {  	_ =	swait.ge [sflag:s18], $0x10000  }
0xcf: {  	p0 =	sne.s32 s7, $0x1;
	[sflag:s18] =	ssyncset.done $0x0  }
.Ltmp0:
0xd0: {  	s1 =	rddreg [dreg:$0x5];
	[sflag:s18] =	ssyncadd.s32 $0xFFFF0000;
	(pc) =	sbr.rel @p0 .LBB2_1-.Ltmp0, $4  }
0xd1: {  	[hbm4b:s1+s2] =	stream.linear.scatter [tilespmem:s0], [sflag:$0x2], $0x10000, $0x38;
	[tilespmem:$0x10080] =	vst v63  }
0xd2: {  	_ =	swait.ge [sflag:s8], $0x10000  }
0xd3: {  	[sflag:s8] =	ssyncset.done $0x0  }
0xd4: {  	s7 =	sadd.s32 $0xFFFFFFFF, s7;
	[sflag:s8] =	ssyncadd.s32 $0xFFFF0000  }
0xd5: {  	_ =	sfence.sel $0x180000  }
0xd6: {  	[bflag:$0x0] =	sbarrier.arrive $0xFFFF  }
0xd7: {  	_ =	strace $0x90000056  }
0xd8: {  	s0 =	stileid.u32;
	[bflag:$0x2] =	sbarrier.arrive $0xFFFF  }
0xd9: {  	p0 =	sne.s32 s0, $0x0;
	s0 =	rddreg [dreg:$0x1]  }
0xda: {  	s0 =	sadd.s32 @!p0 $0x100000, s0  }
0xdb: {  	[sflag:s0] =	ssyncadd.tile.s32 @!p0 $0x1;
	_ =	shalt  }
.Lfunc_end2:
_tile_overlayer_lowered:
.L_overlay_start_2:
0xdc: {  	(tag) =	ssettag $0x2  }
0xdd: {  	s0 =	rddreg [dreg:$0x0];
	s2 =	stileid.u32  }
0xde: {  	s1 =	rddreg [dreg:$0x1];
	p0 =	sne.s32 s2, $0x0  }
0xdf: {  	s3 =	rddreg [dreg:$0x2];
	[bflag:$0x3] =	sbarrier.arrive $0xFFFF;
	s2 =	simm.s32 @!p0 $0x1C02  }
0xe0: {  	[timem:s3], [sflag:s2] =	dma.local @!p0 [hbm:s0], s1  }
0xe1: {  	s0 =	simm.s32 @!p0 $0x2  }
0xe2: {  	_ =	swait.ge @!p0 [sflag:s0], s1  }
0xe3: {  	s1 =	ssub.s32 @!p0 $0x0, s1;
	[sflag:s0] =	ssyncset.done @!p0 $0x0  }
0xe4: {  	[sflag:s0] =	ssyncadd.s32 @!p0 s1  }
0xe5: {  	[bflag:$0x3] =	sbarrier.arrive $0xFFFF  }
0xe6: {  	_ =	shalt  }

// kernel: scatter_offload_async_start
scs
__scs_entry_jumppad:
0x0: {  	(pc) =	sbr.rel $0x88, $3  }
0x1: {  	(tag) =	ssettag $0x0;
	lr =	simm.s32 $0x1  }
0x2: {  	[smem:$0x3F89] =	sst lr;
	_ =	strace $0xD0000000  }
0x3: {  	_ = 	snop  }
0x4: {  	_ = 	snop  }
0x5: {  	_ = 	snop  }
0x6: {  	_ = 	snop  }
0x7: {  	_ = 	snop  }
__scs_overlays_trampoline_lowered:
0x8: {  	[smem:$0x3F98] =	sst s0  }
0x9: {  	[smem:$0x3F99] =	sst s1  }
0xa: {  	[smem:$0x3F9A] =	sst s2  }
0xb: {  	[smem:$0x3F9B] =	sst s3  }
0xc: {  	[smem:$0x3F9C] =	sst s4  }
0xd: {  	[smem:$0x3F9D] =	sst s5  }
0xe: {  	[smem:$0x3F9E] =	sst s6  }
0xf: {  	[smem:$0x3F9F] =	sst s7  }
0x10: {  	[smem:$0x3FA0] =	sst s8  }
0x11: {  	[smem:$0x3FA1] =	sst s9;
	s0 =	simm.s32 @!p0 $0x0  }
0x12: {  	s1 =	sld [smem:$0x3F87];
	s0 =	simm.s32 @p0 $0x1  }
0x13: {  	[smem:$0x3FA2] =	sst s0;
	s0 =	simm.s32 @!p1 $0x0  }
0x14: {  	s2 =	sld [smem:$0x3F86];
	s0 =	simm.s32 @p1 $0x1  }
0x15: {  	[smem:$0x3FA3] =	sst s0;
	s0 =	simm.s32 @!p2 $0x0  }
0x16: {  	s3 =	sld [smem:$0x3FDB];
	s0 =	simm.s32 @p2 $0x1  }
0x17: {  	s4 =	simm.s32 $0x1BF5;
	[smem:$0x3FA5] =	sst s0  }
0x18: {  	s0 =	sld [smem:$0x3F88];
	_ =	swait.ge [sflag:s4], $0x0  }
0x19: {  	s7 =	sld [smem:$0x3F89]  }
0x1a: {  	s8 =	sadd.s32 $0xFFFFE003, lr  }
0x1b: {  	s9 =	sadd.s32 $0xFFFFFEF7, lr;
	s5 =	simm.s32 $0xFFFFFFFF;
	p2 =	slt.u32 s8, $0xFFFFF086  }
0x1c: {  	p1 =	slt.u32 s9, $0xF7A;
	s5 =	simm.s32 @!p2 $0x0  }
0x1d: {  	s5 =	simm.s32 @p1 $0x1;
	p0 =	seq.s32 s7, s2  }
0x1e: {  	s7 =	smul.u32 @!p0 $0xF7A, s2;
	p2 =	seq.s32 @!p0 s5, $0x0  }
0x1f: {  	s9 =	smul.u32 $0xF7A, s1;
	s8 =	simm.s32 @!p0 $0x1BF5;
	p2 =	por !p2, p0  }
0x20: {  	[sflag:s8] =	ssyncset.s32 @!p0 $0xFFFFF086;
	s6 =	sadd.s32 @!p0 s3, s7;
	s7 =	simm.s32 @!p0 $0x108  }
0x21: {  	s3 =	sadd.s32 s3, s9;
	s6 =	sadd.s32 @!p0 $0x88, s6;
	s7 =	simm.s32 @p2 $0x1082  }
0x22: {  	[simem:s7], [sflag:s8] =	dma.local @!p0 [hbm:s6], $0xF7A  }
0x23: {  	s9 =	sor.u32 $0xD0000000, s2;
	s6 =	simm.s32 $0x108;
	_ =	swait.ge @!p0 [sflag:s8], $0x0  }
0x24: {  	s3 =	sadd.s32 $0x88, s3;
	s6 =	simm.s32 @!p1 $0x1082;
	[sflag:s4] =	ssyncset.s32 $0xFFFFF086  }
0x25: {  	[simem:s6], [sflag:s4] =	dma.local [hbm:s3], $0xF7A  }
0x26: {  	[smem:$0x3F89] =	sst s1;
	(tag) =	ssettag s2;
	_ =	strace s9  }
0x27: {  	s1 =	sld [smem:$0x3F99]  }
0x28: {  	s2 =	sld [smem:$0x3F9A]  }
0x29: {  	s4 =	sld [smem:$0x3F9C]  }
0x2a: {  	p0 =	seq.s32 s5, $0x0;
	s5 =	sld [smem:$0x3F9D]  }
0x2b: {  	s6 =	sld [smem:$0x3F9E]  }
0x2c: {  	s7 =	sld [smem:$0x3F9F]  }
0x2d: {  	s3 =	simm.s32 $0x108;
	s8 =	sld [smem:$0x3FA0]  }
0x2e: {  	s3 =	simm.s32 @!p0 $0x1082;
	s9 =	sld [smem:$0x3FA1]  }
0x2f: {  	lr =	sadd.s32 s0, s3;
	s0 =	sld [smem:$0x3F98]  }
0x30: {  	s3 =	sld [smem:$0x3F9B]  }
0x31: {  	[smem:$0x3FA4] =	sst s10  }
0x32: {  	s10 =	sld [smem:$0x3FA2];
	_ =	sdelay $0x3  }
0x33: {  	p0 =	seq.s32 s10, $0x1;
	s10 =	sld [smem:$0x3FA4];
	_ =	sdelay $0x3  }
0x34: {  	[smem:$0x3FA4] =	sst s10  }
0x35: {  	s10 =	sld [smem:$0x3FA3];
	_ =	sdelay $0x3  }
0x36: {  	p1 =	seq.s32 s10, $0x1;
	s10 =	sld [smem:$0x3FA4];
	_ =	sdelay $0x3  }
0x37: {  	[smem:$0x3FA4] =	sst s10  }
0x38: {  	s10 =	sld [smem:$0x3FA5]  }
0x39: {  	_ = 	snop;
	(pc) =	sbr.ind lr, $3  }
0x3a: {  	_ = 	snop  }
0x3b: {  	_ = 	snop  }
0x3c: {  	p2 =	seq.s32 s10, $0x1;
	s10 =	sld [smem:$0x3FA4]  }
0x3d: {  	_ =	shalt  }
0x3e: {  	_ =	shalt  }
0x3f: {  	_ =	shalt  }
0x40: {  	_ =	shalt  }
0x41: {  	_ =	shalt  }
0x42: {  	_ =	shalt  }
0x43: {  	_ =	shalt  }
0x44: {  	_ =	shalt  }
0x45: {  	_ =	shalt  }
0x46: {  	_ =	shalt  }
0x47: {  	_ =	shalt  }
0x48: {  	_ =	shalt  }
0x49: {  	_ =	shalt  }
0x4a: {  	_ =	shalt  }
0x4b: {  	_ =	shalt  }
0x4c: {  	_ =	shalt  }
0x4d: {  	_ =	shalt  }
0x4e: {  	_ =	shalt  }
0x4f: {  	_ =	shalt  }
0x50: {  	_ =	shalt  }
0x51: {  	_ =	shalt  }
0x52: {  	_ =	shalt  }
0x53: {  	_ =	shalt  }
0x54: {  	_ =	shalt  }
0x55: {  	_ =	shalt  }
0x56: {  	_ =	shalt  }
0x57: {  	_ =	shalt  }
0x58: {  	_ =	shalt  }
0x59: {  	_ =	shalt  }
0x5a: {  	_ =	shalt  }
0x5b: {  	_ =	shalt  }
0x5c: {  	_ =	shalt  }
0x5d: {  	_ =	shalt  }
0x5e: {  	_ =	shalt  }
0x5f: {  	_ =	shalt  }
0x60: {  	_ =	shalt  }
0x61: {  	_ =	shalt  }
0x62: {  	_ =	shalt  }
0x63: {  	_ =	shalt  }
0x64: {  	_ =	shalt  }
0x65: {  	_ =	shalt  }
0x66: {  	_ =	shalt  }
0x67: {  	_ =	shalt  }
0x68: {  	_ =	shalt  }
0x69: {  	_ =	shalt  }
0x6a: {  	_ =	shalt  }
0x6b: {  	_ =	shalt  }
0x6c: {  	_ =	shalt  }
0x6d: {  	_ =	shalt  }
0x6e: {  	_ =	shalt  }
0x6f: {  	_ =	shalt  }
0x70: {  	_ =	shalt  }
0x71: {  	_ =	shalt  }
0x72: {  	_ =	shalt  }
0x73: {  	_ =	shalt  }
0x74: {  	_ =	shalt  }
0x75: {  	_ =	shalt  }
0x76: {  	_ =	shalt  }
0x77: {  	_ =	shalt  }
0x78: {  	_ =	shalt  }
0x79: {  	_ =	shalt  }
0x7a: {  	_ =	shalt  }
0x7b: {  	_ =	shalt  }
0x7c: {  	_ =	shalt  }
0x7d: {  	_ =	shalt  }
0x7e: {  	_ =	shalt  }
0x7f: {  	_ =	shalt  }
0x80: {  	_ =	shalt  }
0x81: {  	_ =	shalt  }
0x82: {  	_ =	shalt  }
0x83: {  	_ =	shalt  }
0x84: {  	_ =	shalt  }
0x85: {  	_ =	shalt  }
0x86: {  	_ =	shalt  }
0x87: {  	_ =	shalt  }
.Lfunc_end0:
.L_simem_size_0:
called_computation_lowered:
.L_overlay_start_0:
0x88: {  	s0 =	sld [smem:$0x3FD9]  }
0x89: {  	s1 =	sld [smem:$0x3FFE];
	_ =	sdelay $0x3  }
0x8a: {  	s0 =	sadd.s32 s1, s0  }
0x8b: {  	[smem:$0x3FB0] =	sst s0  }
0x8c: {  	_ = 	snop  }
0x8d: {  	s0 =	sld [smem:$0x3FD0];
	_ =	sdelay $0x2  }
0x8e: {  	s13 =	simm.s32 $0xB;
	s2 =	simm.s32 $0x10  }
0x8f: {  	[smem:s2], [sflag:s13] =	dma.local [hbm:s0], $0x1  }
0x90: {  	_ =	swait.eq [sflag:s13], $0x1  }
0x91: {  	[sflag:s13] =	ssyncset.done $0x0  }
0x92: {  	s14 =	sld [smem:$0x11];
	[sflag:s13] =	ssyncadd.s32 $0xFFFFFFFF  }
0x93: {  	s15 =	sld [smem:$0x12];
	(tm) =	ssettm $0x1  }
0x94: {  	s16 =	sld [smem:$0x3FFB];
	_ =	sdelay $0x3  }
0x95: {  	_ =	strace s16  }
0x96: {  	s2 =	sld [smem:$0x3FFC];
	_ =	sdelay $0x3  }
0x97: {  	_ =	strace s2  }
0x98: {  	s2 =	sld [smem:$0x3FFD];
	_ =	sdelay $0x3  }
0x99: {  	_ =	strace s2  }
0x9a: {  	_ =	strace $0x8FFFFFFF  }
0x9b: {  	s17 =	sld [smem:$0x3FDB];
	_ =	sdelay $0x1  }
0x9c: {  	s3 =	simm.s32 $_scs_section_size  }
0x9d: {  	s4 =	simm.s32 $_size__tile_overlayer_lowered;
	s5 =	simm.s32 $_tile_overlayer_lowered  }
0x9e: {  	s20 =	simm.s32 $0x1BFF;
	s19 =	sshll.u32 s5, $0x1;
	s2 =	sadd.s32 s3, s17  }
0x9f: {  	s6 =	simm.s32 $0x0;
	s18 =	sshll.u32 s4, $0x1;
	s4 =	sadd.s32 s19, s2  }
0xa0: {  	[timem:s6], [sflag:s20] =	dma.local [hbm:s4], s18  }
0xa1: {  	_ =	swait.ge [sflag:s20], s18  }
0xa2: {  	s3 =	ssub.s32 $0x0, s18;
	[sflag:s20] =	ssyncset.done $0x0  }
0xa3: {  	[sflag:s20] =	ssyncadd.s32 s3;
	_ =	sdelay $0x1  }
0xa4: {  	s21 =	simm.s32 $0x1B8B  }
0xa5: {  	_ =	swait.ge [sflag:s21], $0x1  }
0xa6: {  	[sflag:s21] =	ssyncset.done $0x0  }
0xa7: {  	s23 =	simm.s32 $0x1B8E;
	s22 =	sld [smem:$0x3FFE];
	[sflag:s21] =	ssyncadd.s32 $0xFFFFFFFF  }
0xa8: {  	s24 =	simm.s32 $execute0_lowered;
	[smem:$0x3FD2] =	sst s23  }
0xa9: {  	s4 =	sshll.u32 s24, $0x1;
	_ =	strace $0x80000046;
	[dreg:$0x1] =	wrdreg $0xFFFFFFFF  }
0xaa: {  	s25 =	simm.s32 $_size_execute0_lowered;
	s2 =	sadd.s32 s2, s4;
	[dreg:$0x0] =	wrdreg $0x0  }
0xab: {  	s4 =	sshll.u32 s25, $0x1;
	[dreg:$0x2] =	wrdreg s2  }
0xac: {  	[dreg:$0x3] =	wrdreg s4  }
0xad: {  	[dreg:$0x4] =	wrdreg $0xC0  }
0xae: {  	_ =	task [dreg:s6], $0x5FFFF  }
0xaf: {  	[dreg:$0x1] =	wrdreg $0xFFFFFFFF  }
0xb0: {  	[dreg:$0x0] =	wrdreg $0x60  }
0xb1: {  	[dreg:$0x2] =	wrdreg s22  }
0xb2: {  	[dreg:$0x3] =	wrdreg s15  }
0xb3: {  	[dreg:$0x4] =	wrdreg s14  }
0xb4: {  	[dreg:$0x5] =	wrdreg $0x9  }
0xb5: {  	_ =	task.clear_ibuf [dreg:s6], $0x6FFFF;
	_ =	strace $0x90000046  }
0xb6: {  	s26 =	simm.s32 $0x9;
	_ =	strace $0x80000048  }
0xb7: {  	_ =	swait.ge [sflag:s26], $0x1  }
0xb8: {  	[sflag:s26] =	ssyncadd.s32 $0xFFFFFFFF  }
0xb9: {  	_ =	strace $0x90000048  }
0xba: {  	_ =	sfence  }
0xbb: {  	s28 =	sld [smem:$0x0];
	_ =	sdelay $0x1  }
0xbc: {  	s29 =	srdreg.scid  }
0xbd: {  	s30 =	sshll.u32 s29, $0xD;
	s31 =	sshrl.u32 s29, $0x2  }
0xbe: {  	s1 =	sand.u32 $0x1, s29;
	s2 =	sand.u32 $0x4000, s30;
	s0 =	sadd.s32 s31, s28  }
0xbf: {  	s1 =	sor.u32 s2, s1;
	s0 =	sshll.u32 s0, $0x11  }
0xc0: {  	s0 =	sor.u32 s0, s1  }
0xc1: {  	s0 =	sadd.s32 $0x8F2B, s0  }
0xc2: {  	[sflag:s0] =	ssyncadd.remote.s32 $0x1  }
0xc3: {  	_ =	sfence.sel $0xFFFF  }
0xc4: {  	[dreg:$0x0] =	wrdreg $0xFFFFFFFF;
	(pc) =	sbr.abs _section_cstart, $3  }
0xc5: {  	[dreg:$0x1] =	wrdreg $0xFFFFFFFF  }
0xc6: {  	_ =	task.clear_ibuf [dreg:s6], $0x2FFFF;
	_ =	strace $0x9FFFFFFF  }
0xc7: {  	(tm) =	ssettm $0x7FFFFFFF  }
tec
execute0_lowered:
.L_overlay_start_1:
0x0: {  	(tag) =	ssettag $0x1  }
0x1: {  	s1 =	rddreg [dreg:$0x0]  }
0x2: {  	s5 =	rddreg [dreg:$0x1]  }
0x3: {  	s6 =	rddreg [dreg:$0x2]  }
0x4: {  	s0 =	rddreg [dreg:$0x3];
	_ =	strace $0x80000047;
	s7 =	stileid.u32  }
0x5: {  	s3 =	simm.s32 $0x3E;
	s1 =	sadd.s32 $0x51800, s1;
	p0 =	sne.s32 s7, $0x0  }
0x6: {  	[sflag:s3] =	ssyncpa.u1 $0x0;
	s4 =	simm.s32 @!p0 $0x1C3E;
	s2 =	simm.s32 @!p0 $0x0  }
0x7: {  	[spmem:s2], [sflag:s4] =	dma.local @!p0 [hbm:s1], $0x10  }
0x8: {  	s4 =	simm.s32 @!p0 $0x3E  }
0x9: {  	_ =	swait.ge @!p0 [sflag:s4], $0x10  }
0xa: {  	[sflag:s4] =	ssyncset.done @!p0 $0x0  }
0xb: {  	[sflag:s4] =	ssyncadd.s32 @!p0 $0xFFFFFFF0  }
0xc: {  	s9 =	simm.s32 $0x108;
	[bflag:$0x0] =	sbarrier.arrive $0xFFFF  }
0xd: {  	s7 =	sshll.u32 s7, $0x5;
	[sflag:s3] =	ssyncpa.u1 $0x1;
	s3 =	simm.s32 $0x1  }
0xe: {  	s8 =	sadd.s32 s5, s7;
	s4 =	simm.s32 $0x2;
	[sflag:s3] =	ssyncpa.u1 $0x0  }
0xf: {  	s5 =	simm.s32 $0x0;
	(ifvalue) =	ssetifvalue $0x80;
	[sflag:s4] =	ssyncpa.u1 $0x0  }
0x10: {  	[tilespmem:s9], [sflag:$0x2] =	stream.linear.gather [hbm4b:s8+s5], $0x100, $0x38;
	[tilespmem:$0x408] =	vst v63  }
0x11: {  	s23 =	simm.s32 $0x308;
	s6 =	sadd.s32 s6, s7  }
0x12: {  	[tilespmem:s23], [sflag:$0x2] =	stream.linear.gather [hbm4b:s6+s5], $0x100, $0x38;
	[tilespmem:$0x408] =	vst v63  }
0x13: {  	_ =	swait.ge [sflag:s4], $0x200  }
0x14: {  	[sflag:s4] =	ssyncset.done $0x0  }
0x15: {  	[sflag:s4] =	ssyncadd.s32 $0xFFFFFE00  }
0x16: {  	v0 =	vld.msk [tilespmem:s9+$0x0 ss:$0x1], $0xffff;
	_ =	sdelay $0x4  }
0x17: {  	v0 =	vmin.u32 v0, $0x80;
	_ =	sdelay $0x3  }
0x18: {  	vm0 =	vmmov $0xffff;
	s24 =	simm.s32 $0x118  }
0x19: {  	[spmem:s5] =	stream.indirect_vreg.scatter.add.s32 [tilespmem:s23], [sflag:$0x1], $0x1, v0, vm0, $0x4038;
	[tilespmem:$0x408] =	vst v63  }
0x1a: {  	v0 =	vld.msk [tilespmem:s24+$0x0 ss:$0x1], $0xffff;
	_ =	sdelay $0x4  }
0x1b: {  	v0 =	vmin.u32 v0, $0x80;
	_ =	sdelay $0x3  }
0x1c: {  	s25 =	simm.s32 $0x318;
	s26 =	simm.s32 $0x128  }
0x1d: {  	[spmem:s5] =	stream.indirect_vreg.scatter.add.s32 [tilespmem:s25], [sflag:$0x1], $0x1, v0, vm0, $0x4038;
	[tilespmem:$0x408] =	vst v63  }
0x1e: {  	v0 =	vld.msk [tilespmem:s26+$0x0 ss:$0x1], $0xffff;
	_ =	sdelay $0x4  }
0x1f: {  	v0 =	vmin.u32 v0, $0x80;
	_ =	sdelay $0x3  }
0x20: {  	s28 =	simm.s32 $0x328;
	s29 =	simm.s32 $0x138  }
0x21: {  	[spmem:s5] =	stream.indirect_vreg.scatter.add.s32 [tilespmem:s28], [sflag:$0x1], $0x1, v0, vm0, $0x4038;
	[tilespmem:$0x408] =	vst v63  }
0x22: {  	v0 =	vld.msk [tilespmem:s29+$0x0 ss:$0x1], $0xffff;
	_ =	sdelay $0x4  }
0x23: {  	v0 =	vmin.u32 v0, $0x80;
	_ =	sdelay $0x3  }
0x24: {  	s30 =	simm.s32 $0x338;
	s31 =	simm.s32 $0x148  }
0x25: {  	[spmem:s5] =	stream.indirect_vreg.scatter.add.s32 [tilespmem:s30], [sflag:$0x1], $0x1, v0, vm0, $0x4038;
	[tilespmem:$0x408] =	vst v63  }
0x26: {  	v0 =	vld.msk [tilespmem:s31+$0x0 ss:$0x1], $0xffff;
	_ =	sdelay $0x4  }
0x27: {  	v0 =	vmin.u32 v0, $0x80;
	_ =	sdelay $0x3  }
0x28: {  	s7 =	simm.s32 $0x348;
	s8 =	simm.s32 $0x158  }
0x29: {  	[spmem:s5] =	stream.indirect_vreg.scatter.add.s32 [tilespmem:s7], [sflag:$0x1], $0x1, v0, vm0, $0x4038;
	[tilespmem:$0x408] =	vst v63  }
0x2a: {  	v0 =	vld.msk [tilespmem:s8+$0x0 ss:$0x1], $0xffff;
	_ =	sdelay $0x4  }
0x2b: {  	v0 =	vmin.u32 v0, $0x80;
	_ =	sdelay $0x3  }
0x2c: {  	s10 =	simm.s32 $0x168;
	s9 =	simm.s32 $0x358  }
0x2d: {  	[spmem:s5] =	stream.indirect_vreg.scatter.add.s32 [tilespmem:s9], [sflag:$0x1], $0x1, v0, vm0, $0x4038;
	[tilespmem:$0x408] =	vst v63  }
0x2e: {  	v0 =	vld.msk [tilespmem:s10+$0x0 ss:$0x1], $0xffff;
	_ =	sdelay $0x4  }
0x2f: {  	v0 =	vmin.u32 v0, $0x80;
	_ =	sdelay $0x3  }
0x30: {  	s11 =	simm.s32 $0x368;
	s12 =	simm.s32 $0x178  }
0x31: {  	[spmem:s5] =	stream.indirect_vreg.scatter.add.s32 [tilespmem:s11], [sflag:$0x1], $0x1, v0, vm0, $0x4038;
	[tilespmem:$0x408] =	vst v63  }
0x32: {  	v0 =	vld.msk [tilespmem:s12+$0x0 ss:$0x1], $0xffff;
	_ =	sdelay $0x4  }
0x33: {  	v0 =	vmin.u32 v0, $0x80;
	_ =	sdelay $0x3  }
0x34: {  	s13 =	simm.s32 $0x378;
	s14 =	simm.s32 $0x188  }
0x35: {  	[spmem:s5] =	stream.indirect_vreg.scatter.add.s32 [tilespmem:s13], [sflag:$0x1], $0x1, v0, vm0, $0x4038;
	[tilespmem:$0x408] =	vst v63  }
0x36: {  	v0 =	vld.msk [tilespmem:s14+$0x0 ss:$0x1], $0xffff;
	_ =	sdelay $0x4  }
0x37: {  	v0 =	vmin.u32 v0, $0x80;
	_ =	sdelay $0x3  }
0x38: {  	s15 =	simm.s32 $0x388;
	s16 =	simm.s32 $0x198  }
0x39: {  	[spmem:s5] =	stream.indirect_vreg.scatter.add.s32 [tilespmem:s15], [sflag:$0x1], $0x1, v0, vm0, $0x4038;
	[tilespmem:$0x408] =	vst v63  }
0x3a: {  	v0 =	vld.msk [tilespmem:s16+$0x0 ss:$0x1], $0xffff;
	_ =	sdelay $0x4  }
0x3b: {  	v0 =	vmin.u32 v0, $0x80;
	_ =	sdelay $0x3  }
0x3c: {  	s17 =	simm.s32 $0x398;
	s18 =	simm.s32 $0x1A8  }
0x3d: {  	[spmem:s5] =	stream.indirect_vreg.scatter.add.s32 [tilespmem:s17], [sflag:$0x1], $0x1, v0, vm0, $0x4038;
	[tilespmem:$0x408] =	vst v63  }
0x3e: {  	v0 =	vld.msk [tilespmem:s18+$0x0 ss:$0x1], $0xffff;
	_ =	sdelay $0x4  }
0x3f: {  	v0 =	vmin.u32 v0, $0x80;
	_ =	sdelay $0x3  }
0x40: {  	s19 =	simm.s32 $0x3A8;
	s20 =	simm.s32 $0x1B8  }
0x41: {  	[spmem:s5] =	stream.indirect_vreg.scatter.add.s32 [tilespmem:s19], [sflag:$0x1], $0x1, v0, vm0, $0x4038;
	[tilespmem:$0x408] =	vst v63  }
0x42: {  	v0 =	vld.msk [tilespmem:s20+$0x0 ss:$0x1], $0xffff;
	_ =	sdelay $0x4  }
0x43: {  	v0 =	vmin.u32 v0, $0x80;
	_ =	sdelay $0x3  }
0x44: {  	s21 =	simm.s32 $0x3B8;
	s22 =	simm.s32 $0x1C8  }
0x45: {  	[spmem:s5] =	stream.indirect_vreg.scatter.add.s32 [tilespmem:s21], [sflag:$0x1], $0x1, v0, vm0, $0x4038;
	[tilespmem:$0x408] =	vst v63  }
0x46: {  	v0 =	vld.msk [tilespmem:s22+$0x0 ss:$0x1], $0xffff;
	_ =	sdelay $0x4  }
0x47: {  	v0 =	vmin.u32 v0, $0x80;
	_ =	sdelay $0x3  }
0x48: {  	s23 =	simm.s32 $0x3C8;
	s24 =	simm.s32 $0x1D8  }
0x49: {  	[spmem:s5] =	stream.indirect_vreg.scatter.add.s32 [tilespmem:s23], [sflag:$0x1], $0x1, v0, vm0, $0x4038;
	[tilespmem:$0x408] =	vst v63  }
0x4a: {  	v0 =	vld.msk [tilespmem:s24+$0x0 ss:$0x1], $0xffff;
	_ =	sdelay $0x4  }
0x4b: {  	v0 =	vmin.u32 v0, $0x80;
	_ =	sdelay $0x3  }
0x4c: {  	s25 =	simm.s32 $0x3D8;
	s26 =	simm.s32 $0x1E8  }
0x4d: {  	[spmem:s5] =	stream.indirect_vreg.scatter.add.s32 [tilespmem:s25], [sflag:$0x1], $0x1, v0, vm0, $0x4038;
	[tilespmem:$0x408] =	vst v63  }
0x4e: {  	v0 =	vld.msk [tilespmem:s26+$0x0 ss:$0x1], $0xffff;
	_ =	sdelay $0x4  }
0x4f: {  	v0 =	vmin.u32 v0, $0x80;
	_ =	sdelay $0x3  }
0x50: {  	s28 =	simm.s32 $0x3E8;
	s29 =	simm.s32 $0x1F8  }
0x51: {  	[spmem:s5] =	stream.indirect_vreg.scatter.add.s32 [tilespmem:s28], [sflag:$0x1], $0x1, v0, vm0, $0x4038;
	[tilespmem:$0x408] =	vst v63  }
0x52: {  	v0 =	vld.msk [tilespmem:s29+$0x0 ss:$0x1], $0xffff;
	_ =	sdelay $0x4  }
0x53: {  	v0 =	vmin.u32 v0, $0x80;
	_ =	sdelay $0x3  }
0x54: {  	s30 =	simm.s32 $0x3F8  }
0x55: {  	[spmem:s5] =	stream.indirect_vreg.scatter.add.s32 [tilespmem:s30], [sflag:$0x1], $0x1, v0, vm0, $0x4038;
	[tilespmem:$0x408] =	vst v63  }
0x56: {  	_ =	swait.ge [sflag:s3], $0x100  }
0x57: {  	[sflag:s3] =	ssyncset.done $0x0  }
0x58: {  	[sflag:s3] =	ssyncadd.s32 $0xFFFFFF00  }
0x59: {  	_ =	sfence.sel $0x180000  }
0x5a: {  	[bflag:$0x0] =	sbarrier.arrive $0xFFFF  }
0x5b: {  	[sflag:s4] =	ssyncpa.u1 $0x1  }
0x5c: {  	[sflag:s3] =	ssyncpa.u1 $0x1  }
0x5d: {  	_ =	sfence.stream.spmem  }
0x5e: {  	s31 =	simm.s32 $0x3D;
	[bflag:$0x0] =	sbarrier.arrive $0xFFFF  }
0x5f: {  	s3 =	simm.s32 @p0 $0x3D;
	[sflag:s31] =	ssyncpa.u1 $0x0  }
0x60: {  	[sflag:s3] =	ssyncpa.u1 @p0 $0x1  }
0x61: {  	[bflag:$0x0] =	sbarrier.arrive @p0 $0xFFFF  }
0x62: {  	_ =	strace @p0 $0x90000047  }
0x63: {  	s3 =	simm.s32 @!p0 $0x1C3D;
	[bflag:$0x2] =	sbarrier.arrive @p0 $0xFFFF  }
0x64: {  	[hbm:s1], [sflag:s3] =	dma.local @!p0 [spmem:s2], $0x10  }
0x65: {  	s1 =	simm.s32 @!p0 $0x3D  }
0x66: {  	_ =	swait.ge @!p0 [sflag:s1], $0x10  }
0x67: {  	[sflag:s1] =	ssyncset.done @!p0 $0x0  }
0x68: {  	[sflag:s1] =	ssyncadd.s32 @!p0 $0xFFFFFFF0  }
0x69: {  	[sflag:s1] =	ssyncpa.u1 @!p0 $0x1  }
0x6a: {  	[bflag:$0x0] =	sbarrier.arrive @!p0 $0xFFFF  }
0x6b: {  	_ =	strace @!p0 $0x90000047  }
0x6c: {  	s0 =	sadd.s32 @!p0 $0x100000, s0;
	[bflag:$0x2] =	sbarrier.arrive @!p0 $0xFFFF  }
0x6d: {  	[sflag:s0] =	ssyncadd.tile.s32 @!p0 $0x1;
	_ =	shalt  }
.Lfunc_end2:
_tile_overlayer_lowered:
.L_overlay_start_2:
0x6e: {  	(tag) =	ssettag $0x2  }
0x6f: {  	s0 =	rddreg [dreg:$0x0];
	s2 =	stileid.u32  }
0x70: {  	s1 =	rddreg [dreg:$0x1];
	p0 =	sne.s32 s2, $0x0  }
0x71: {  	s3 =	rddreg [dreg:$0x2];
	[bflag:$0x3] =	sbarrier.arrive $0xFFFF;
	s2 =	simm.s32 @!p0 $0x1C01  }
0x72: {  	[timem:s3], [sflag:s2] =	dma.local @!p0 [hbm:s0], s1  }
0x73: {  	s0 =	simm.s32 @!p0 $0x1  }
0x74: {  	_ =	swait.ge @!p0 [sflag:s0], s1  }
0x75: {  	s1 =	ssub.s32 @!p0 $0x0, s1;
	[sflag:s0] =	ssyncset.done @!p0 $0x0  }
0x76: {  	[sflag:s0] =	ssyncadd.s32 @!p0 s1  }
0x77: {  	[bflag:$0x3] =	sbarrier.arrive $0xFFFF  }
0x78: {  	_ =	shalt  }

</sc_bundles>
